<compile_context>
chip_gen: v7x
topology: tpu7x:2x2x1
jax: 0.10.2.dev20260603
libtpu: 0.0.44.dev20260713+nightly
codegen_flags: <defaults>
</compile_context>

<pallas_src>
import functools

import jax
import jax.numpy as jnp
from jax import lax
from jax.experimental import pallas as pl
from jax.experimental.pallas import tpu as pltpu
from jax.experimental.pallas import tpu_sc as plsc

NW = 32
NSUB = 16
CS = 2000
H0 = 992
H1 = 1008
L16 = 16

_CP = pltpu.CompilerParams(needs_layout_passes=False,
                           use_tc_tiling_on_sc=False)


def _iota16():
    return lax.iota(jnp.int32, 16)


def _full16(v):
    return jnp.full((16,), v, jnp.int32)


def _bc(par_ref, k):
    return plsc.load_gather(par_ref, [_full16(k)])


def _rsqrt(x):
    i = plsc.bitcast(x, jnp.int32)
    y = plsc.bitcast(jnp.int32(0x5F3759DF) - (i >> 1), jnp.float32)
    for _ in range(3):
        y = y * (1.5 - 0.5 * x * y * y)
    return y


def _lerp(tab_ref, fidx, nfidx, frac):
    v0 = plsc.load_gather(tab_ref, [fidx])
    v1 = plsc.load_gather(tab_ref, [nfidx])
    return v0 + frac * (v1 - v0)


def _r_to_grid(r, inv_dr_v, rclip_v, cutoff_v, n_r):
    wf = jnp.where((r < cutoff_v) & (r > 1e-6), 1.0, 0.0).astype(jnp.float32)
    r_c = jnp.minimum(r, rclip_v)
    idx_f = r_c * inv_dr_v
    idx = idx_f.astype(jnp.int32)
    frac = idx_f - idx.astype(jnp.float32)
    nidx = jnp.minimum(idx + 1, n_r - 1)
    return wf, idx, nidx, frac


def kernel(coords, edge_index, atom_types, density_table, density_deriv_table,
           pair_table, pair_deriv_table, embed_table, embed_deriv_table,
           embed_rho_min, embed_drho, cutoff, box_length):
    N = coords.shape[0]
    E = edge_index.shape[1]
    NT, n_r = density_table.shape
    n_rho = embed_table.shape[1]

    EPT = E // NW
    assert E % NW == 0 and EPT % CS == 0
    NCH = EPT // CS
    VPC = CS // L16
    Np = ((N + NW * L16 - 1) // (NW * L16)) * (NW * L16)
    APT = Np // NW
    RPS = Np // NSUB

    f32 = jnp.float32
    i32 = jnp.int32
    row = edge_index[0]
    col = edge_index[1]
    cx = coords[:, 0] + 16.0 * atom_types.astype(jnp.float32)
    cy = coords[:, 1]
    cz = coords[:, 2]
    types_pad = jnp.pad(atom_types, (0, Np - N))
    dens_flat = density_table.reshape(-1)
    densd_flat = density_deriv_table.reshape(-1)
    pair_flat = pair_table.reshape(-1)
    paird_flat = pair_deriv_table.reshape(-1)
    emb_flat = embed_table.reshape(-1)
    embd_flat = embed_deriv_table.reshape(-1)
    rm_pad = jnp.pad(embed_rho_min.astype(f32), (0, 16 - NT))
    drho_pad = jnp.pad(embed_drho.astype(f32), (0, 16 - NT),
                       constant_values=1.0)

    r_max = jnp.asarray(cutoff, f32)
    box = jnp.asarray(box_length, f32)
    dr = r_max / (n_r - 1)
    inv_dr = 1.0 / dr
    rclip = r_max * (1.0 - 1e-07)
    par = jnp.concatenate([
        jnp.zeros((1,), f32),
        jnp.stack([box, 0.5 * box, inv_dr, r_max, rclip]),
        jnp.zeros((10,), f32)])

    mesh = plsc.VectorSubcoreMesh(core_axis_name="c", subcore_axis_name="s")

    @functools.partial(
        pl.kernel, mesh=mesh, compiler_params=_CP,
        out_type=[
            jax.ShapeDtypeStruct((NW, Np), f32),
            jax.ShapeDtypeStruct((E,), f32),
            jax.ShapeDtypeStruct((E,), f32),
            jax.ShapeDtypeStruct((E,), f32),
            jax.ShapeDtypeStruct((E,), f32),
            jax.ShapeDtypeStruct((E,), i32),
            jax.ShapeDtypeStruct((NW, 16), f32),
        ],
        scratch_types=[
            pltpu.VMEM((NT * n_r,), f32),
            pltpu.VMEM((NT * NT * n_r,), f32),
            pltpu.VMEM((Np,), f32),
            [[pltpu.VMEM((h,), i32) for h in (H0, H1)]
             for _ in range(2)],
            [[pltpu.VMEM((h,), f32) for _ in range(6)]
             for h in (H0, H1)],
            [[pltpu.VMEM((h,), f32) for h in (H0, H1)]
             for _ in range(1)],
            [[pltpu.VMEM((h,), i32) for h in (H0, H1)]
             for _ in range(1)],
            pltpu.VMEM((16,), f32),
            pltpu.VMEM((16,), f32),
            [pltpu.SemaphoreType.DMA for _ in range(4)],
        ],
    )
    def pass_a(row_h, col_h, cx_h, cy_h, cz_h, dens_h, pair_h, par_h,
               rho_o, dx_o, dy_o, dz_o, r_o, tt_o, phi_o,
               dens_v, pair_v, rho_v, idx_sets, gsets, r_halves, tt_halves,
               par_v, acc_v, sems):
        cid = lax.axis_index("c")
        sid = lax.axis_index("s")
        wid = cid * NSUB + sid
        pltpu.sync_copy(dens_h, dens_v)
        pltpu.sync_copy(pair_h, pair_v)
        pltpu.sync_copy(par_h, par_v)

        def zero_body(i, c):
            rho_v[pl.ds(i * L16, L16)] = jnp.zeros((16,), f32)
            return c
        lax.fori_loop(0, Np // L16, zero_body, 0)

        box_v = _bc(par_v, 1)
        hbox_v = _bc(par_v, 2)
        inv_dr_v = _bc(par_v, 3)
        cutoff_v = _bc(par_v, 4)
        rclip_v = _bc(par_v, 5)
        ebase = wid * EPT

        sem_i, sem_g0, sem_g1, sem_s = sems
        gsems = (sem_g0, sem_g1)
        hoff = (0, H0)
        hlen = (H0, H1)

        def chunk_body(ci, phi_acc):
            base = ebase + ci * CS
            dsi = []
            for h in range(2):
                dsi.append(pltpu.async_copy(
                    row_h.at[pl.ds(base + hoff[h], hlen[h])],
                    idx_sets[0][h], sem_i))
                dsi.append(pltpu.async_copy(
                    col_h.at[pl.ds(base + hoff[h], hlen[h])],
                    idx_sets[1][h], sem_i))
            for _d in dsi:
                _d.wait()
            gds = []
            for h in range(2):
                rv, cv = idx_sets[0][h], idx_sets[1][h]
                xr_b, yr_b, zr_b, xc_b, yc_b, zc_b = gsets[h]
                gds.append([
                    pltpu.async_copy(cx_h.at[rv], xr_b, gsems[h]),
                    pltpu.async_copy(cy_h.at[rv], yr_b, gsems[h]),
                    pltpu.async_copy(cz_h.at[rv], zr_b, gsems[h]),
                    pltpu.async_copy(cx_h.at[cv], xc_b, gsems[h]),
                    pltpu.async_copy(cy_h.at[cv], yc_b, gsems[h]),
                    pltpu.async_copy(cz_h.at[cv], zc_b, gsems[h])])
            dso = []
            for h in range(2):
                for _d in gds[h]:
                    _d.wait()
                rv = idx_sets[0][h]
                xr_b, yr_b, zr_b, xc_b, yc_b, zc_b = gsets[h]
                r_b = r_halves[0][h]
                tt_b = tt_halves[0][h]

                def vec_body(vi, acc, rv=rv, xr_b=xr_b, yr_b=yr_b, zr_b=zr_b,
                             xc_b=xc_b, yc_b=yc_b, zc_b=zc_b, r_b=r_b,
                             tt_b=tt_b):
                    sl = pl.ds(vi * L16, L16)
                    xt_r = xr_b[sl]
                    xt_c = xc_b[sl]
                    tri = (xt_r * 0.0625).astype(i32)
                    tci = (xt_c * 0.0625).astype(i32)
                    xr16 = xt_r - tri.astype(f32) * 16.0
                    xc16 = xt_c - tci.astype(f32) * 16.0
                    d = []
                    for av, bv in ((xr16, xc16),
                                   (yr_b[sl], yc_b[sl]),
                                   (zr_b[sl], zc_b[sl])):
                        dc = av - bv
                        dc = dc - jnp.where(dc > hbox_v, box_v, 0.0)
                        dc = dc + jnp.where(dc < -hbox_v, box_v, 0.0)
                        d.append(dc)
                    dx, dy, dz = d
                    r2 = dx * dx + dy * dy + dz * dz + 1e-12
                    r = r2 * _rsqrt(r2)
                    wf, idx, nidx, frac = _r_to_grid(
                        r, inv_dr_v, rclip_v, cutoff_v, n_r)
                    f_col = _lerp(dens_v, tci * n_r + idx, tci * n_r + nidx,
                                  frac) * wf
                    plsc.addupdate_scatter(rho_v, [rv[sl]], f_col)
                    pb = (tri * NT + tci) * n_r
                    phi = _lerp(pair_v, pb + idx, pb + nidx, frac) * wf
                    xr_b[sl] = dx
                    yr_b[sl] = dy
                    zr_b[sl] = dz
                    r_b[sl] = r
                    tt_b[sl] = tri * NT + tci
                    return acc + phi

                phi_acc = lax.fori_loop(0, hlen[h] // L16, vec_body, phi_acc)
                hsl = pl.ds(base + hoff[h], hlen[h])
                dso += [pltpu.async_copy(xr_b, dx_o.at[hsl], sem_s),
                        pltpu.async_copy(yr_b, dy_o.at[hsl], sem_s),
                        pltpu.async_copy(zr_b, dz_o.at[hsl], sem_s),
                        pltpu.async_copy(r_b, r_o.at[hsl], sem_s),
                        pltpu.async_copy(tt_b, tt_o.at[hsl], sem_s)]
            for _d in dso:
                _d.wait()
            return phi_acc

        phi_acc = lax.fori_loop(0, NCH, chunk_body, jnp.zeros((16,), f32))
        pltpu.sync_copy(rho_v, rho_o.at[wid])
        acc_v[...] = phi_acc
        pltpu.sync_copy(acc_v, phi_o.at[wid])

    rho_part, dxe, dye, dze, re, tt, phi_part = pass_a(
        row, col, cx, cy, cz, dens_flat, pair_flat, par)

    @functools.partial(
        pl.kernel, mesh=mesh, compiler_params=_CP,
        out_type=[
            jax.ShapeDtypeStruct((Np,), f32),
            jax.ShapeDtypeStruct((NW, 16), f32),
        ],
        scratch_types=[
            pltpu.VMEM((NT * n_rho,), f32),
            pltpu.VMEM((NT * n_rho,), f32),
            pltpu.VMEM((APT,), f32),
            pltpu.VMEM((APT,), f32),
            pltpu.VMEM((APT,), i32),
            pltpu.VMEM((APT,), f32),
            pltpu.VMEM((16,), f32),
            pltpu.VMEM((16,), f32),
            pltpu.VMEM((16,), f32),
        ],
    )
    def pass_b(rho_h, types_h, emb_h, embd_h, rm_h, drho_h,
               fp_o, ee_o,
               emb_v, embd_v, rho_v, tmp_v, typ_v, fp_v, rm_v, drho_v, acc_v):
        cid = lax.axis_index("c")
        sid = lax.axis_index("s")
        wid = cid * NSUB + sid
        base = wid * APT
        pltpu.sync_copy(emb_h, emb_v)
        pltpu.sync_copy(embd_h, embd_v)
        pltpu.sync_copy(rm_h, rm_v)
        pltpu.sync_copy(drho_h, drho_v)
        pltpu.sync_copy(rho_h.at[0, pl.ds(base, APT)], rho_v)

        def red_body(p, c):
            pltpu.sync_copy(rho_h.at[p, pl.ds(base, APT)], tmp_v)

            def add_body(k, cc):
                sl = pl.ds(k * L16, L16)
                rho_v[sl] = rho_v[sl] + tmp_v[sl]
                return cc
            lax.fori_loop(0, APT // L16, add_body, 0)
            return c
        lax.fori_loop(1, NW, red_body, 0)
        pltpu.sync_copy(types_h.at[pl.ds(base, APT)], typ_v)

        hi_f = float((n_rho - 1) * (1.0 - 1e-07))

        def vec_body(k, acc):
            sl = pl.ds(k * L16, L16)
            ty = typ_v[sl]
            rho16 = rho_v[sl]
            rmin = plsc.load_gather(rm_v, [ty])
            drho = plsc.load_gather(drho_v, [ty])
            inv_drho = 1.0 / drho
            rho_c = jnp.minimum(jnp.maximum(rho16, rmin), rmin + drho * hi_f)
            rf = (rho_c - rmin) * inv_drho
            ridx = rf.astype(i32)
            rfrac = rf - ridx.astype(f32)
            rnidx = jnp.minimum(ridx + 1, n_rho - 1)
            tb = ty * n_rho
            F = _lerp(emb_v, tb + ridx, tb + rnidx, rfrac)
            Fp = _lerp(embd_v, tb + ridx, tb + rnidx, rfrac)
            in_rng = jnp.where((base + k * L16 + _iota16()) < N, 1.0, 0.0)
            fp_v[sl] = Fp
            return acc + F * in_rng.astype(f32)

        acc = lax.fori_loop(0, APT // L16, vec_body, jnp.zeros((16,), f32))
        pltpu.sync_copy(fp_v, fp_o.at[pl.ds(base, APT)])
        acc_v[...] = acc
        pltpu.sync_copy(acc_v, ee_o.at[wid])

    fp, ee_part = pass_b(rho_part, types_pad, emb_flat, embd_flat,
                         rm_pad, drho_pad)

    @functools.partial(
        pl.kernel, mesh=mesh, compiler_params=_CP,
        out_type=[
            jax.ShapeDtypeStruct((2, 3, Np), f32),
            jax.ShapeDtypeStruct((NW, 16), f32),
        ],
        scratch_types=[
            pltpu.VMEM((Np,), f32),
            pltpu.VMEM((NT * n_r,), f32),
            pltpu.VMEM((NT * NT * n_r,), f32),
            [[pltpu.VMEM((h,), i32) for _ in range(2)]
             for h in (H0, H1)],
            [[pltpu.VMEM((h,), f32) for _ in range(4)]
             for h in (H0, H1)],
            [[pltpu.VMEM((h,), i32)] for h in (H0, H1)],
            pltpu.VMEM((CS,), f32),
            pltpu.VMEM((16,), f32),
            pltpu.VMEM((16,), f32),
            pltpu.VMEM_SHARED((Np,), f32),
            pltpu.VMEM_SHARED((Np,), f32),
            pltpu.VMEM_SHARED((Np,), f32),
            [pltpu.SemaphoreType.DMA for _ in range(3)],
        ],
    )
    def pass_c(row_h, col_h, dx_h, dy_h, dz_h, r_h, tt_h, fp_h,
               densd_h, paird_h, par_h,
               f_o, vir_o,
               fp_v, densd_v, paird_v, idx_sets, d_sets, tt_sets, zc_v,
               par_v, acc_v, fshx, fshy, fshz, sems):
        cid = lax.axis_index("c")
        sid = lax.axis_index("s")
        wid = cid * NSUB + sid
        pltpu.sync_copy(fp_h, fp_v)
        pltpu.sync_copy(densd_h, densd_v)
        pltpu.sync_copy(paird_h, paird_v)
        pltpu.sync_copy(par_h, par_v)

        def zf(i, c):
            zc_v[pl.ds(i * L16, L16)] = jnp.zeros((16,), f32)
            return c
        lax.fori_loop(0, CS // L16, zf, 0)
        sbase = sid * RPS
        for fsh in (fshx, fshy, fshz):
            pltpu.sync_copy(zc_v, fsh.at[pl.ds(sbase, CS)])
            pltpu.sync_copy(zc_v.at[pl.ds(0, RPS - CS)],
                            fsh.at[pl.ds(sbase + CS, RPS - CS)])
        plsc.subcore_barrier()

        inv_dr_v = _bc(par_v, 3)
        cutoff_v = _bc(par_v, 4)
        rclip_v = _bc(par_v, 5)
        ebase = wid * EPT

        sem_l0, sem_l1, sem_a = sems
        lsems = (sem_l0, sem_l1)
        hoff = (0, H0)
        hlen = (H0, H1)

        def chunk_body(ci, vir_acc):
            base = ebase + ci * CS
            lds = []
            for h in range(2):
                hsl = pl.ds(base + hoff[h], hlen[h])
                rv, cv = idx_sets[h]
                dxb, dyb, dzb, rb = d_sets[h]
                (ttb,) = tt_sets[h]
                lds.append([
                    pltpu.async_copy(row_h.at[hsl], rv, lsems[h]),
                    pltpu.async_copy(col_h.at[hsl], cv, lsems[h]),
                    pltpu.async_copy(dx_h.at[hsl], dxb, lsems[h]),
                    pltpu.async_copy(dy_h.at[hsl], dyb, lsems[h]),
                    pltpu.async_copy(dz_h.at[hsl], dzb, lsems[h]),
                    pltpu.async_copy(r_h.at[hsl], rb, lsems[h]),
                    pltpu.async_copy(tt_h.at[hsl], ttb, lsems[h])])
            dsa = []
            for h in range(2):
                for _d in lds[h]:
                    _d.wait()
                rv, cv = idx_sets[h]
                dxb, dyb, dzb, rb = d_sets[h]
                (ttb,) = tt_sets[h]

                def vec_body(vi, acc, rv=rv, cv=cv, dxb=dxb, dyb=dyb,
                             dzb=dzb, rb=rb, ttb=ttb):
                    sl = pl.ds(vi * L16, L16)
                    fpr = plsc.load_gather(fp_v, [rv[sl]])
                    fpc = plsc.load_gather(fp_v, [cv[sl]])
                    dx = dxb[sl]
                    dy = dyb[sl]
                    dz = dzb[sl]
                    r = rb[sl]
                    wf, idx, nidx, frac = _r_to_grid(
                        r, inv_dr_v, rclip_v, cutoff_v, n_r)
                    tt16 = ttb[sl]
                    tr = tt16 // NT
                    tc = tt16 - tr * NT
                    dfc = _lerp(densd_v, tc * n_r + idx, tc * n_r + nidx,
                                frac) * wf
                    dfr = _lerp(densd_v, tr * n_r + idx, tr * n_r + nidx,
                                frac) * wf
                    pb = tt16 * n_r
                    dphi = _lerp(paird_v, pb + idx, pb + nidx, frac) * wf
                    fpair = fpr * dfc + fpc * dfr + dphi
                    sfac = -(fpair / r)
                    dxb[sl] = sfac * dx
                    dyb[sl] = sfac * dy
                    dzb[sl] = sfac * dz
                    return acc + fpair * r

                vir_acc = lax.fori_loop(0, hlen[h] // L16, vec_body, vir_acc)
                dsa += [pltpu.async_copy(dxb, fshx.at[rv], sem_a, add=True),
                        pltpu.async_copy(dyb, fshy.at[rv], sem_a, add=True),
                        pltpu.async_copy(dzb, fshz.at[rv], sem_a, add=True)]
            for _d in dsa:
                _d.wait()
            return vir_acc

        vir_acc = lax.fori_loop(0, NCH, chunk_body, jnp.zeros((16,), f32))
        plsc.subcore_barrier()
        for c, fsh in enumerate((fshx, fshy, fshz)):
            pltpu.sync_copy(fsh.at[pl.ds(sbase, RPS)],
                            f_o.at[cid, c, pl.ds(sbase, RPS)])
        acc_v[...] = vir_acc
        pltpu.sync_copy(acc_v, vir_o.at[wid])

    fpart, vir_part = pass_c(row, col, dxe, dye, dze, re, tt, fp,
                             densd_flat, paird_flat, par)

    energy = jnp.sum(ee_part) + 0.5 * jnp.sum(phi_part)
    forces = (fpart[0] + fpart[1])[:, :N].T
    virial = -0.5 * jnp.sum(vir_part)
    return energy, forces, virial

# --- scband reference (transcript-rebuilt; emitter-appended) ---
"""Pipeline reference for scband-eamforce-cudaext-11854109737007 (READ-ONLY COPY).

The authoritative reference and input builder live on the scoring server;
editing this copy changes nothing except your own understanding.
"""

import jax, jax.numpy as jnp
import numpy as np


def setup_inputs(seed: int = 0) -> dict:
    key = jax.random.key(seed)
    ks = jax.random.split(key, 12)
    N = 50000
    E = 1600000
    NT = 2
    n_r = 8192
    n_rho = 4096
    L = 12.0
    cutoff = 6.0
    coords = jax.random.uniform(ks[0], (N, 3), dtype=jnp.float32) * L
    edge_index = jax.random.randint(ks[1], (2, E), 0, N, dtype=jnp.int32)
    atom_types = jax.random.randint(ks[2], (N,), 0, NT, dtype=jnp.int32)
    density_table = 0.1 * jax.random.normal(ks[3], (NT, n_r), dtype=jnp.float32)
    density_deriv_table = 0.1 * jax.random.normal(ks[4], (NT, n_r), dtype=jnp.float32)
    pair_table = 0.1 * jax.random.normal(ks[5], (NT, NT, n_r), dtype=jnp.float32)
    pair_deriv_table = 0.1 * jax.random.normal(ks[6], (NT, NT, n_r), dtype=jnp.float32)
    embed_table = 0.1 * jax.random.normal(ks[7], (NT, n_rho), dtype=jnp.float32)
    embed_deriv_table = 0.1 * jax.random.normal(ks[8], (NT, n_rho), dtype=jnp.float32)
    embed_rho_min = jnp.zeros((NT,), dtype=jnp.float32)
    embed_drho = jnp.full((NT,), 0.01, dtype=jnp.float32)
    return {"coords": coords, "edge_index": edge_index, "atom_types": atom_types,
            "density_table": density_table, "density_deriv_table": density_deriv_table,
            "pair_table": pair_table, "pair_deriv_table": pair_deriv_table,
            "embed_table": embed_table, "embed_deriv_table": embed_deriv_table,
            "embed_rho_min": embed_rho_min, "embed_drho": embed_drho,
            "cutoff": cutoff, "box_length": L}


def reference(coords, edge_index, atom_types, density_table, density_deriv_table,
              pair_table, pair_deriv_table, embed_table, embed_deriv_table,
              embed_rho_min, embed_drho, cutoff, box_length):
    N = coords.shape[0]
    n_r = density_table.shape[1]
    n_rho = embed_table.shape[1]
    r_max = cutoff
    dr = r_max / (n_r - 1)
    inv_dr = 1.0 / dr
    row = edge_index[0]
    col = edge_index[1]
    # minimum-image pairwise vectors and distances
    rij = coords[row] - coords[col]
    rij = rij - jnp.round(rij / box_length) * box_length
    r = jnp.sqrt(jnp.sum(rij * rij, axis=1) + 1e-12)
    mask = (r < cutoff) & (r > 1e-6)
    w = mask.astype(jnp.float32)
    # uniform-grid linear interpolation indices in r
    r_c = jnp.clip(r, 0.0, r_max * (1.0 - 1e-07))
    idx_f = r_c * inv_dr
    idx = idx_f.astype(jnp.int32)
    frac = idx_f - idx.astype(jnp.float32)
    nidx = jnp.minimum(idx + 1, n_r - 1)
    t_row = atom_types[row]
    t_col = atom_types[col]

    def interp_r(table2, tidx):
        v0 = table2[tidx, idx]
        v1 = table2[tidx, nidx]
        return v0 + frac * (v1 - v0)

    def interp_pair(table3):
        v0 = table3[t_row, t_col, idx]
        v1 = table3[t_row, t_col, nidx]
        return v0 + frac * (v1 - v0)

    # density pass: rho_i = sum_j f_{t_j}(r_ij)   (scatter-add over edges)
    f_col = interp_r(density_table, t_col) * w
    rho = jnp.zeros((N,), dtype=jnp.float32).at[row].add(f_col)
    # embedding energy F(rho), per-type uniform rho grid
    types = atom_types
    rho_min = embed_rho_min[types]
    drho = embed_drho[types]
    inv_drho = 1.0 / drho
    rho_c = jnp.clip(rho, rho_min, rho_min + drho * (n_rho - 1) * (1.0 - 1e-07))
    ridx_f = (rho_c - rho_min) * inv_drho
    ridx = ridx_f.astype(jnp.int32)
    rfrac = ridx_f - ridx.astype(jnp.float32)
    rnidx = jnp.minimum(ridx + 1, n_rho - 1)
    F0 = embed_table[types, ridx]
    F1 = embed_table[types, rnidx]
    F_val = F0 + rfrac * (F1 - F0)
    Fp0 = embed_deriv_table[types, ridx]
    Fp1 = embed_deriv_table[types, rnidx]
    Fp_val = Fp0 + rfrac * (Fp1 - Fp0)
    E_embed = jnp.sum(F_val)
    # pair energy (each undirected pair appears twice in edge list -> 0.5)
    phi = interp_pair(pair_table) * w
    dphi = interp_pair(pair_deriv_table) * w
    E_pair = 0.5 * jnp.sum(phi)
    # force pass
    df_col = interp_r(density_deriv_table, t_col) * w
    df_row = interp_r(density_deriv_table, t_row) * w
    fpair = Fp_val[row] * df_col + Fp_val[col] * df_row + dphi
    r_safe = jnp.where(r > 1e-6, r, 1.0)
    fvec = -(fpair / r_safe)[:, None] * rij
    forces = jnp.zeros_like(coords).at[row].add(fvec)
    virial = -0.5 * jnp.sum(fpair * r)
    energy = E_embed + E_pair
    return energy, forces, virial

if __name__ == "__main__":
    import jax
    _d = setup_inputs()
    print(jax.jit(kernel)(*tuple(_d.values())))

</pallas_src>

<mosaic_0001>
#map = affine_map<(d0, d1) -> (0, 0)>
#map1 = affine_map<(d0, d1) -> (0)>
module attributes {stable_mosaic.version = 14 : i64} {
  func.func @pass_b(%arg0: i32, %arg1: i32, %arg2: memref<32x50176xf32, #tpu.memory_space<hbm>>, %arg3: memref<50176xi32, #tpu.memory_space<hbm>>, %arg4: memref<8192xf32, #tpu.memory_space<hbm>>, %arg5: memref<8192xf32, #tpu.memory_space<hbm>>, %arg6: memref<16xf32, #tpu.memory_space<hbm>>, %arg7: memref<16xf32, #tpu.memory_space<hbm>>, %arg8: memref<50176xf32, #tpu.memory_space<hbm>>, %arg9: memref<32x16xf32, #tpu.memory_space<hbm>>, %arg10: memref<8192xf32, #tpu.memory_space<vmem>>, %arg11: memref<8192xf32, #tpu.memory_space<vmem>>, %arg12: memref<1568xf32, #tpu.memory_space<vmem>>, %arg13: memref<1568xf32, #tpu.memory_space<vmem>>, %arg14: memref<1568xi32, #tpu.memory_space<vmem>>, %arg15: memref<1568xf32, #tpu.memory_space<vmem>>, %arg16: memref<16xf32, #tpu.memory_space<vmem>>, %arg17: memref<16xf32, #tpu.memory_space<vmem>>, %arg18: memref<16xf32, #tpu.memory_space<vmem>>) attributes {dimension_semantics = [#tpu.dimension_semantics<core_parallel>, #tpu.dimension_semantics<subcore_parallel>], iteration_bounds = array<i64: 2, 16>, scalar_prefetch = 0 : i64, scratch_operands = 9 : i64, tpu.core_type = #tpu.core_type<sc_vector_subcore>, window_params = [{transform_indices = #map}, {transform_indices = #map1}, {transform_indices = #map1}, {transform_indices = #map1}, {transform_indices = #map1}, {transform_indices = #map1}, {transform_indices = #map1}, {transform_indices = #map}]} {
    %mul3A = arith.constant 16 : i32
    %mul3A_0 = arith.muli %arg0, %mul3A : i32
    %add3A = arith.addi %mul3A_0, %arg1 : i32
    %mul3A_1 = arith.constant 1568 : i32
    %mul3A_2 = arith.muli %add3A, %mul3A_1 : i32
    "tpu.region"() ({
      %run_scoped3A_16 = tpu.sem_alloc : memref<!tpu.dma_semaphore, #tpu.memory_space<semaphore_mem>>
      tpu.enqueue_dma source(%arg4 : memref<8192xf32, #tpu.memory_space<hbm>>) target(%arg10 : memref<8192xf32, #tpu.memory_space<vmem>>) target_semaphore(%run_scoped3A_16 : memref<!tpu.dma_semaphore, #tpu.memory_space<semaphore_mem>>)
      tpu.wait_dma2 semaphore(%run_scoped3A_16 : memref<!tpu.dma_semaphore, #tpu.memory_space<semaphore_mem>>) src(%arg4 : memref<8192xf32, #tpu.memory_space<hbm>>) dst(%arg10 : memref<8192xf32, #tpu.memory_space<vmem>>)
      tpu.yield
    }) : () -> ()
    "tpu.region"() ({
      %run_scoped3A_16 = tpu.sem_alloc : memref<!tpu.dma_semaphore, #tpu.memory_space<semaphore_mem>>
      tpu.enqueue_dma source(%arg5 : memref<8192xf32, #tpu.memory_space<hbm>>) target(%arg11 : memref<8192xf32, #tpu.memory_space<vmem>>) target_semaphore(%run_scoped3A_16 : memref<!tpu.dma_semaphore, #tpu.memory_space<semaphore_mem>>)
      tpu.wait_dma2 semaphore(%run_scoped3A_16 : memref<!tpu.dma_semaphore, #tpu.memory_space<semaphore_mem>>) src(%arg5 : memref<8192xf32, #tpu.memory_space<hbm>>) dst(%arg11 : memref<8192xf32, #tpu.memory_space<vmem>>)
      tpu.yield
    }) : () -> ()
    "tpu.region"() ({
      %run_scoped3A_16 = tpu.sem_alloc : memref<!tpu.dma_semaphore, #tpu.memory_space<semaphore_mem>>
      tpu.enqueue_dma source(%arg6 : memref<16xf32, #tpu.memory_space<hbm>>) target(%arg16 : memref<16xf32, #tpu.memory_space<vmem>>) target_semaphore(%run_scoped3A_16 : memref<!tpu.dma_semaphore, #tpu.memory_space<semaphore_mem>>)
      tpu.wait_dma2 semaphore(%run_scoped3A_16 : memref<!tpu.dma_semaphore, #tpu.memory_space<semaphore_mem>>) src(%arg6 : memref<16xf32, #tpu.memory_space<hbm>>) dst(%arg16 : memref<16xf32, #tpu.memory_space<vmem>>)
      tpu.yield
    }) : () -> ()
    "tpu.region"() ({
      %run_scoped3A_16 = tpu.sem_alloc : memref<!tpu.dma_semaphore, #tpu.memory_space<semaphore_mem>>
      tpu.enqueue_dma source(%arg7 : memref<16xf32, #tpu.memory_space<hbm>>) target(%arg17 : memref<16xf32, #tpu.memory_space<vmem>>) target_semaphore(%run_scoped3A_16 : memref<!tpu.dma_semaphore, #tpu.memory_space<semaphore_mem>>)
      tpu.wait_dma2 semaphore(%run_scoped3A_16 : memref<!tpu.dma_semaphore, #tpu.memory_space<semaphore_mem>>) src(%arg7 : memref<16xf32, #tpu.memory_space<hbm>>) dst(%arg17 : memref<16xf32, #tpu.memory_space<vmem>>)
      tpu.yield
    }) : () -> ()
    %run_scoped3A = arith.constant 0 : i32
    "tpu.region"() ({
      %run_scoped3A_16 = tpu.sem_alloc : memref<!tpu.dma_semaphore, #tpu.memory_space<semaphore_mem>>
      %dma_start3A = tpu.memref_slice %arg2[%run_scoped3A, %mul3A_2] : memref<32x50176xf32, #tpu.memory_space<hbm>> -> memref<1x1568xf32, #tpu.memory_space<hbm>>
      %dma_start3A_17 = tpu.memref_squeeze %dma_start3A : memref<1x1568xf32, #tpu.memory_space<hbm>> -> memref<1568xf32, #tpu.memory_space<hbm>>
      %dma_start3A_18 = tpu.memref_slice %arg2[%run_scoped3A, %mul3A_2] : memref<32x50176xf32, #tpu.memory_space<hbm>> -> memref<1x1568xf32, #tpu.memory_space<hbm>>
      %dma_start3A_19 = tpu.memref_squeeze %dma_start3A_18 : memref<1x1568xf32, #tpu.memory_space<hbm>> -> memref<1568xf32, #tpu.memory_space<hbm>>
      tpu.enqueue_dma source(%dma_start3A_19 : memref<1568xf32, #tpu.memory_space<hbm>>) target(%arg12 : memref<1568xf32, #tpu.memory_space<vmem>>) target_semaphore(%run_scoped3A_16 : memref<!tpu.dma_semaphore, #tpu.memory_space<semaphore_mem>>)
      %dma_wait3A = tpu.memref_slice %arg2[%run_scoped3A, %mul3A_2] : memref<32x50176xf32, #tpu.memory_space<hbm>> -> memref<1x1568xf32, #tpu.memory_space<hbm>>
      %dma_wait3A_20 = tpu.memref_squeeze %dma_wait3A : memref<1x1568xf32, #tpu.memory_space<hbm>> -> memref<1568xf32, #tpu.memory_space<hbm>>
      %dma_wait3A_21 = tpu.memref_slice %arg2[%run_scoped3A, %mul3A_2] : memref<32x50176xf32, #tpu.memory_space<hbm>> -> memref<1x1568xf32, #tpu.memory_space<hbm>>
      %dma_wait3A_22 = tpu.memref_squeeze %dma_wait3A_21 : memref<1x1568xf32, #tpu.memory_space<hbm>> -> memref<1568xf32, #tpu.memory_space<hbm>>
      tpu.wait_dma2 semaphore(%run_scoped3A_16 : memref<!tpu.dma_semaphore, #tpu.memory_space<semaphore_mem>>) src(%dma_wait3A_22 : memref<1568xf32, #tpu.memory_space<hbm>>) dst(%arg12 : memref<1568xf32, #tpu.memory_space<vmem>>)
      tpu.yield
    }) : () -> ()
    %scan3A = arith.constant 0 : i32
    %scan3A_3 = arith.constant 1 : i32
    %scan3A_4 = arith.constant 31 : i32
    %scan3A_5 = arith.addi %scan3A_3, %scan3A_4 : i32
    %scan3A_6 = arith.constant 1 : i32
    scf.for %scan3A_16 = %scan3A_3 to %scan3A_5 step %scan3A_6  : i32 {
      "tpu.region"() ({
        %run_scoped3A_23 = tpu.sem_alloc : memref<!tpu.dma_semaphore, #tpu.memory_space<semaphore_mem>>
        %dma_start3A = tpu.memref_slice %arg2[%scan3A_16, %mul3A_2] : memref<32x50176xf32, #tpu.memory_space<hbm>> -> memref<1x1568xf32, #tpu.memory_space<hbm>>
        %dma_start3A_24 = tpu.memref_squeeze %dma_start3A : memref<1x1568xf32, #tpu.memory_space<hbm>> -> memref<1568xf32, #tpu.memory_space<hbm>>
        %dma_start3A_25 = tpu.memref_slice %arg2[%scan3A_16, %mul3A_2] : memref<32x50176xf32, #tpu.memory_space<hbm>> -> memref<1x1568xf32, #tpu.memory_space<hbm>>
        %dma_start3A_26 = tpu.memref_squeeze %dma_start3A_25 : memref<1x1568xf32, #tpu.memory_space<hbm>> -> memref<1568xf32, #tpu.memory_space<hbm>>
        tpu.enqueue_dma source(%dma_start3A_26 : memref<1568xf32, #tpu.memory_space<hbm>>) target(%arg13 : memref<1568xf32, #tpu.memory_space<vmem>>) target_semaphore(%run_scoped3A_23 : memref<!tpu.dma_semaphore, #tpu.memory_space<semaphore_mem>>)
        %dma_wait3A = tpu.memref_slice %arg2[%scan3A_16, %mul3A_2] : memref<32x50176xf32, #tpu.memory_space<hbm>> -> memref<1x1568xf32, #tpu.memory_space<hbm>>
        %dma_wait3A_27 = tpu.memref_squeeze %dma_wait3A : memref<1x1568xf32, #tpu.memory_space<hbm>> -> memref<1568xf32, #tpu.memory_space<hbm>>
        %dma_wait3A_28 = tpu.memref_slice %arg2[%scan3A_16, %mul3A_2] : memref<32x50176xf32, #tpu.memory_space<hbm>> -> memref<1x1568xf32, #tpu.memory_space<hbm>>
        %dma_wait3A_29 = tpu.memref_squeeze %dma_wait3A_28 : memref<1x1568xf32, #tpu.memory_space<hbm>> -> memref<1568xf32, #tpu.memory_space<hbm>>
        tpu.wait_dma2 semaphore(%run_scoped3A_23 : memref<!tpu.dma_semaphore, #tpu.memory_space<semaphore_mem>>) src(%dma_wait3A_29 : memref<1568xf32, #tpu.memory_space<hbm>>) dst(%arg13 : memref<1568xf32, #tpu.memory_space<vmem>>)
        tpu.yield
      }) : () -> ()
      %scan3A_17 = arith.constant 0 : i32
      %scan3A_18 = arith.constant 0 : i32
      %scan3A_19 = arith.constant 98 : i32
      %scan3A_20 = arith.addi %scan3A_18, %scan3A_19 : i32
      %scan3A_21 = arith.constant 1 : i32
      scf.for %scan3A_23 = %scan3A_18 to %scan3A_20 step %scan3A_21  : i32 {
        %mul3A_24 = arith.constant 16 : i32
        %mul3A_25 = arith.muli %scan3A_23, %mul3A_24 : i32
        %get3A = arith.index_cast %mul3A_25 : i32 to index
        %get3A_26 = tpu.vector_load %arg12[%get3A] {strides = array<i32>} : memref<1568xf32, #tpu.memory_space<vmem>>, vector<16xf32>,
        %get3A_27 = arith.index_cast %mul3A_25 : i32 to index
        %get3A_28 = tpu.vector_load %arg13[%get3A_27] {strides = array<i32>} : memref<1568xf32, #tpu.memory_space<vmem>>, vector<16xf32>,
        %add3A_29 = arith.addf %get3A_26, %get3A_28 : vector<16xf32>
        %swap3A_30 = arith.index_cast %mul3A_25 : i32 to index
        %swap3A_31 = tpu.vector_load %arg12[%swap3A_30] {strides = array<i32>} : memref<1568xf32, #tpu.memory_space<vmem>>, vector<16xf32>,
        tpu.vector_store %arg12[%swap3A_30], %add3A_29 {strides = array<i32>} : memref<1568xf32, #tpu.memory_space<vmem>>, vector<16xf32>,
      }
      %scan3A_22 = arith.constant 98 : i32
    }
    %scan3A_7 = arith.constant 31 : i32
    "tpu.region"() ({
      %run_scoped3A_16 = tpu.sem_alloc : memref<!tpu.dma_semaphore, #tpu.memory_space<semaphore_mem>>
      %dma_start3A = tpu.memref_slice %arg3[%mul3A_2] : memref<50176xi32, #tpu.memory_space<hbm>> -> memref<1568xi32, #tpu.memory_space<hbm>>
      %dma_start3A_17 = tpu.memref_slice %arg3[%mul3A_2] : memref<50176xi32, #tpu.memory_space<hbm>> -> memref<1568xi32, #tpu.memory_space<hbm>>
      tpu.enqueue_dma source(%dma_start3A_17 : memref<1568xi32, #tpu.memory_space<hbm>>) target(%arg14 : memref<1568xi32, #tpu.memory_space<vmem>>) target_semaphore(%run_scoped3A_16 : memref<!tpu.dma_semaphore, #tpu.memory_space<semaphore_mem>>)
      %dma_wait3A = tpu.memref_slice %arg3[%mul3A_2] : memref<50176xi32, #tpu.memory_space<hbm>> -> memref<1568xi32, #tpu.memory_space<hbm>>
      %dma_wait3A_18 = tpu.memref_slice %arg3[%mul3A_2] : memref<50176xi32, #tpu.memory_space<hbm>> -> memref<1568xi32, #tpu.memory_space<hbm>>
      tpu.wait_dma2 semaphore(%run_scoped3A_16 : memref<!tpu.dma_semaphore, #tpu.memory_space<semaphore_mem>>) src(%dma_wait3A_18 : memref<1568xi32, #tpu.memory_space<hbm>>) dst(%arg14 : memref<1568xi32, #tpu.memory_space<vmem>>)
      tpu.yield
    }) : () -> ()
    %broadcast_in_dim3A = arith.constant 0.000000e+00 : f32
    %broadcast_in_dim3A_8 = vector.broadcast %broadcast_in_dim3A : f32 to vector<16xf32>
    %scan3A_9 = arith.constant 0 : i32
    %scan3A_10 = arith.constant 98 : i32
    %scan3A_11 = arith.addi %scan3A_9, %scan3A_10 : i32
    %scan3A_12 = arith.constant 1 : i32
    %scan3A_13 = scf.for %scan3A_16 = %scan3A_9 to %scan3A_11 step %scan3A_12 iter_args(%scan3A_17 = %broadcast_in_dim3A_8) -> (vector<16xf32>)  : i32 {
      %mul3A_18 = arith.constant 16 : i32
      %mul3A_19 = arith.muli %scan3A_16, %mul3A_18 : i32
      %get3A = arith.index_cast %mul3A_19 : i32 to index
      %get3A_20 = tpu.vector_load %arg14[%get3A] {strides = array<i32>} : memref<1568xi32, #tpu.memory_space<vmem>>, vector<16xi32>,
      %get3A_21 = arith.index_cast %mul3A_19 : i32 to index
      %get3A_22 = tpu.vector_load %arg12[%get3A_21] {strides = array<i32>} : memref<1568xf32, #tpu.memory_space<vmem>>, vector<16xf32>,
      %gather3A = tpu.vector_load_idx %arg16[%get3A_20] : memref<16xf32, #tpu.memory_space<vmem>>[vector<16xi32>], vector<16xf32>,
      %gather3A_23 = tpu.vector_load_idx %arg17[%get3A_20] : memref<16xf32, #tpu.memory_space<vmem>>[vector<16xi32>], vector<16xf32>,
      %div3A = arith.constant 1.000000e+00 : f32
      %div3A_24 = vector.broadcast %div3A : f32 to vector<16xf32>
      %div3A_25 = arith.divf %div3A_24, %gather3A_23 : vector<16xf32>
      %max3A = arith.maximumf %get3A_22, %gather3A : vector<16xf32>
      %mul3A_26 = arith.constant 4094.99951 : f32
      %mul3A_27 = vector.broadcast %mul3A_26 : f32 to vector<16xf32>
      %mul3A_28 = arith.mulf %gather3A_23, %mul3A_27 : vector<16xf32>
      %add3A_29 = arith.addf %gather3A, %mul3A_28 : vector<16xf32>
      %min3A = arith.minimumf %max3A, %add3A_29 : vector<16xf32>
      %sub3A = arith.subf %min3A, %gather3A : vector<16xf32>
      %mul3A_30 = arith.mulf %sub3A, %div3A_25 : vector<16xf32>
      %convert_element_type3A = arith.fptosi %mul3A_30 : vector<16xf32> to vector<16xi32>
      %convert_element_type3A_31 = arith.sitofp %convert_element_type3A : vector<16xi32> to vector<16xf32>
      %sub3A_32 = arith.subf %mul3A_30, %convert_element_type3A_31 : vector<16xf32>
      %add3A_33 = arith.constant 1 : i32
      %add3A_34 = vector.broadcast %add3A_33 : i32 to vector<16xi32>
      %add3A_35 = arith.addi %convert_element_type3A, %add3A_34 : vector<16xi32>
      %min3A_36 = arith.constant 4095 : i32
      %min3A_37 = vector.broadcast %min3A_36 : i32 to vector<16xi32>
      %min3A_38 = arith.minsi %add3A_35, %min3A_37 : vector<16xi32>
      %mul3A_39 = arith.constant 4096 : i32
      %mul3A_40 = vector.broadcast %mul3A_39 : i32 to vector<16xi32>
      %mul3A_41 = arith.muli %get3A_20, %mul3A_40 : vector<16xi32>
      %add3A_42 = arith.addi %mul3A_41, %convert_element_type3A : vector<16xi32>
      %add3A_43 = arith.addi %mul3A_41, %min3A_38 : vector<16xi32>
      %gather3A_44 = tpu.vector_load_idx %arg10[%add3A_42] : memref<8192xf32, #tpu.memory_space<vmem>>[vector<16xi32>], vector<16xf32>,
      %gather3A_45 = tpu.vector_load_idx %arg10[%add3A_43] : memref<8192xf32, #tpu.memory_space<vmem>>[vector<16xi32>], vector<16xf32>,
      %sub3A_46 = arith.subf %gather3A_45, %gather3A_44 : vector<16xf32>
      %mul3A_47 = arith.mulf %sub3A_32, %sub3A_46 : vector<16xf32>
      %add3A_48 = arith.addf %gather3A_44, %mul3A_47 : vector<16xf32>
      %add3A_49 = arith.addi %mul3A_41, %convert_element_type3A : vector<16xi32>
      %add3A_50 = arith.addi %mul3A_41, %min3A_38 : vector<16xi32>
      %gather3A_51 = tpu.vector_load_idx %arg11[%add3A_49] : memref<8192xf32, #tpu.memory_space<vmem>>[vector<16xi32>], vector<16xf32>,
      %gather3A_52 = tpu.vector_load_idx %arg11[%add3A_50] : memref<8192xf32, #tpu.memory_space<vmem>>[vector<16xi32>], vector<16xf32>,
      %sub3A_53 = arith.subf %gather3A_52, %gather3A_51 : vector<16xf32>
      %mul3A_54 = arith.mulf %sub3A_32, %sub3A_53 : vector<16xf32>
      %add3A_55 = arith.addf %gather3A_51, %mul3A_54 : vector<16xf32>
      %mul3A_56 = arith.constant 16 : i32
      %mul3A_57 = arith.muli %scan3A_16, %mul3A_56 : i32
      %add3A_58 = arith.addi %mul3A_2, %mul3A_57 : i32
      %iota3A = tpu.iota {dimensions = array<i32: 0>} : vector<16xi32>
      %add3A_59 = vector.broadcast %add3A_58 : i32 to vector<16xi32>
      %add3A_60 = arith.addi %add3A_59, %iota3A : vector<16xi32>
      %lt3A = arith.constant 50000 : i32
      %lt3A_61 = vector.broadcast %lt3A : i32 to vector<16xi32>
      %lt3A_62 = arith.cmpi slt, %add3A_60, %lt3A_61 : vector<16xi32>
      %jit3A = arith.constant 1.000000e+00 : f32
      %jit3A_63 = arith.constant 0.000000e+00 : f32
      %broadcast_in_dim3A_64 = vector.broadcast %jit3A : f32 to vector<16xf32>
      %broadcast_in_dim3A_65 = vector.broadcast %jit3A_63 : f32 to vector<16xf32>
      %select_n3A = arith.select %lt3A_62, %broadcast_in_dim3A_64, %broadcast_in_dim3A_65 : vector<16xi1>, vector<16xf32>
      %swap3A_66 = arith.index_cast %mul3A_19 : i32 to index
      %swap3A_67 = tpu.vector_load %arg15[%swap3A_66] {strides = array<i32>} : memref<1568xf32, #tpu.memory_space<vmem>>, vector<16xf32>,
      tpu.vector_store %arg15[%swap3A_66], %add3A_55 {strides = array<i32>} : memref<1568xf32, #tpu.memory_space<vmem>>, vector<16xf32>,
      %mul3A_68 = arith.mulf %add3A_48, %select_n3A : vector<16xf32>
      %add3A_69 = arith.addf %scan3A_17, %mul3A_68 : vector<16xf32>
      scf.yield %add3A_69 : vector<16xf32>
    }
    %scan3A_14 = arith.constant 98 : i32
    "tpu.region"() ({
      %run_scoped3A_16 = tpu.sem_alloc : memref<!tpu.dma_semaphore, #tpu.memory_space<semaphore_mem>>
      %dma_start3A = tpu.memref_slice %arg8[%mul3A_2] : memref<50176xf32, #tpu.memory_space<hbm>> -> memref<1568xf32, #tpu.memory_space<hbm>>
      %dma_start3A_17 = tpu.memref_slice %arg8[%mul3A_2] : memref<50176xf32, #tpu.memory_space<hbm>> -> memref<1568xf32, #tpu.memory_space<hbm>>
      tpu.enqueue_dma source(%arg15 : memref<1568xf32, #tpu.memory_space<vmem>>) target(%dma_start3A_17 : memref<1568xf32, #tpu.memory_space<hbm>>) target_semaphore(%run_scoped3A_16 : memref<!tpu.dma_semaphore, #tpu.memory_space<semaphore_mem>>)
      %dma_wait3A = tpu.memref_slice %arg8[%mul3A_2] : memref<50176xf32, #tpu.memory_space<hbm>> -> memref<1568xf32, #tpu.memory_space<hbm>>
      %dma_wait3A_18 = tpu.memref_slice %arg8[%mul3A_2] : memref<50176xf32, #tpu.memory_space<hbm>> -> memref<1568xf32, #tpu.memory_space<hbm>>
      tpu.wait_dma2 semaphore(%run_scoped3A_16 : memref<!tpu.dma_semaphore, #tpu.memory_space<semaphore_mem>>) src(%arg15 : memref<1568xf32, #tpu.memory_space<vmem>>) dst(%dma_wait3A_18 : memref<1568xf32, #tpu.memory_space<hbm>>)
      tpu.yield
    }) : () -> ()
    %swap3A = arith.constant 0 : index
    %swap3A_15 = tpu.vector_load %arg18[%swap3A] {strides = array<i32>} : memref<16xf32, #tpu.memory_space<vmem>>, vector<16xf32>,
    tpu.vector_store %arg18[%swap3A], %scan3A_13 {strides = array<i32>} : memref<16xf32, #tpu.memory_space<vmem>>, vector<16xf32>,
    "tpu.region"() ({
      %run_scoped3A_16 = tpu.sem_alloc : memref<!tpu.dma_semaphore, #tpu.memory_space<semaphore_mem>>
      %dma_start3A = arith.constant 0 : i32
      %dma_start3A_17 = tpu.memref_slice %arg9[%add3A, %dma_start3A] : memref<32x16xf32, #tpu.memory_space<hbm>> -> memref<1x16xf32, #tpu.memory_space<hbm>>
      %dma_start3A_18 = tpu.memref_squeeze %dma_start3A_17 : memref<1x16xf32, #tpu.memory_space<hbm>> -> memref<16xf32, #tpu.memory_space<hbm>>
      %dma_start3A_19 = arith.constant 0 : i32
      %dma_start3A_20 = tpu.memref_slice %arg9[%add3A, %dma_start3A_19] : memref<32x16xf32, #tpu.memory_space<hbm>> -> memref<1x16xf32, #tpu.memory_space<hbm>>
      %dma_start3A_21 = tpu.memref_squeeze %dma_start3A_20 : memref<1x16xf32, #tpu.memory_space<hbm>> -> memref<16xf32, #tpu.memory_space<hbm>>
      tpu.enqueue_dma source(%arg18 : memref<16xf32, #tpu.memory_space<vmem>>) target(%dma_start3A_21 : memref<16xf32, #tpu.memory_space<hbm>>) target_semaphore(%run_scoped3A_16 : memref<!tpu.dma_semaphore, #tpu.memory_space<semaphore_mem>>)
      %dma_wait3A = arith.constant 0 : i32
      %dma_wait3A_22 = tpu.memref_slice %arg9[%add3A, %dma_wait3A] : memref<32x16xf32, #tpu.memory_space<hbm>> -> memref<1x16xf32, #tpu.memory_space<hbm>>
      %dma_wait3A_23 = tpu.memref_squeeze %dma_wait3A_22 : memref<1x16xf32, #tpu.memory_space<hbm>> -> memref<16xf32, #tpu.memory_space<hbm>>
      %dma_wait3A_24 = arith.constant 0 : i32
      %dma_wait3A_25 = tpu.memref_slice %arg9[%add3A, %dma_wait3A_24] : memref<32x16xf32, #tpu.memory_space<hbm>> -> memref<1x16xf32, #tpu.memory_space<hbm>>
      %dma_wait3A_26 = tpu.memref_squeeze %dma_wait3A_25 : memref<1x16xf32, #tpu.memory_space<hbm>> -> memref<16xf32, #tpu.memory_space<hbm>>
      tpu.wait_dma2 semaphore(%run_scoped3A_16 : memref<!tpu.dma_semaphore, #tpu.memory_space<semaphore_mem>>) src(%arg18 : memref<16xf32, #tpu.memory_space<vmem>>) dst(%dma_wait3A_26 : memref<16xf32, #tpu.memory_space<hbm>>)
      tpu.yield
    }) : () -> ()
    return
  }
}

#map = affine_map<(d0, d1) -> (0)>
#map1 = affine_map<(d0, d1) -> (0, 0, 0)>
#map2 = affine_map<(d0, d1) -> (0, 0)>
module attributes {stable_mosaic.version = 14 : i64} {
  func.func @pass_c(%arg0: i32, %arg1: i32, %arg2: memref<1600000xi32, #tpu.memory_space<hbm>>, %arg3: memref<1600000xi32, #tpu.memory_space<hbm>>, %arg4: memref<1600000xf32, #tpu.memory_space<hbm>>, %arg5: memref<1600000xf32, #tpu.memory_space<hbm>>, %arg6: memref<1600000xf32, #tpu.memory_space<hbm>>, %arg7: memref<1600000xf32, #tpu.memory_space<hbm>>, %arg8: memref<1600000xi32, #tpu.memory_space<hbm>>, %arg9: memref<50176xf32, #tpu.memory_space<hbm>>, %arg10: memref<16384xf32, #tpu.memory_space<hbm>>, %arg11: memref<32768xf32, #tpu.memory_space<hbm>>, %arg12: memref<16xf32, #tpu.memory_space<hbm>>, %arg13: memref<2x3x50176xf32, #tpu.memory_space<hbm>>, %arg14: memref<32x16xf32, #tpu.memory_space<hbm>>, %arg15: memref<50176xf32, #tpu.memory_space<vmem>>, %arg16: memref<16384xf32, #tpu.memory_space<vmem>>, %arg17: memref<32768xf32, #tpu.memory_space<vmem>>, %arg18: memref<992xi32, #tpu.memory_space<vmem>>, %arg19: memref<992xi32, #tpu.memory_space<vmem>>, %arg20: memref<1008xi32, #tpu.memory_space<vmem>>, %arg21: memref<1008xi32, #tpu.memory_space<vmem>>, %arg22: memref<992xf32, #tpu.memory_space<vmem>>, %arg23: memref<992xf32, #tpu.memory_space<vmem>>, %arg24: memref<992xf32, #tpu.memory_space<vmem>>, %arg25: memref<992xf32, #tpu.memory_space<vmem>>, %arg26: memref<1008xf32, #tpu.memory_space<vmem>>, %arg27: memref<1008xf32, #tpu.memory_space<vmem>>, %arg28: memref<1008xf32, #tpu.memory_space<vmem>>, %arg29: memref<1008xf32, #tpu.memory_space<vmem>>, %arg30: memref<992xi32, #tpu.memory_space<vmem>>, %arg31: memref<1008xi32, #tpu.memory_space<vmem>>, %arg32: memref<2000xf32, #tpu.memory_space<vmem>>, %arg33: memref<16xf32, #tpu.memory_space<vmem>>, %arg34: memref<16xf32, #tpu.memory_space<vmem>>, %arg35: memref<50176xf32, #tpu.memory_space<vmem_shared>>, %arg36: memref<50176xf32, #tpu.memory_space<vmem_shared>>, %arg37: memref<50176xf32, #tpu.memory_space<vmem_shared>>, %arg38: memref<!tpu.dma_semaphore, #tpu.memory_space<semaphore_mem>>, %arg39: memref<!tpu.dma_semaphore, #tpu.memory_space<semaphore_mem>>, %arg40: memref<!tpu.dma_semaphore, #tpu.memory_space<semaphore_mem>>) attributes {dimension_semantics = [#tpu.dimension_semantics<core_parallel>, #tpu.dimension_semantics<subcore_parallel>], iteration_bounds = array<i64: 2, 16>, scalar_prefetch = 0 : i64, scratch_operands = 26 : i64, tpu.core_type = #tpu.core_type<sc_vector_subcore>, window_params = [{transform_indices = #map}, {transform_indices = #map}, {transform_indices = #map}, {transform_indices = #map}, {transform_indices = #map}, {transform_indices = #map}, {transform_indices = #map}, {transform_indices = #map}, {transform_indices = #map}, {transform_indices = #map}, {transform_indices = #map}, {transform_indices = #map1}, {transform_indices = #map2}]} {
    %mul3A = arith.constant 16 : i32
    %mul3A_0 = arith.muli %arg0, %mul3A : i32
    %add3A = arith.addi %mul3A_0, %arg1 : i32
    "tpu.region"() ({
      %run_scoped3A_35 = tpu.sem_alloc : memref<!tpu.dma_semaphore, #tpu.memory_space<semaphore_mem>>
      tpu.enqueue_dma source(%arg9 : memref<50176xf32, #tpu.memory_space<hbm>>) target(%arg15 : memref<50176xf32, #tpu.memory_space<vmem>>) target_semaphore(%run_scoped3A_35 : memref<!tpu.dma_semaphore, #tpu.memory_space<semaphore_mem>>)
      tpu.wait_dma2 semaphore(%run_scoped3A_35 : memref<!tpu.dma_semaphore, #tpu.memory_space<semaphore_mem>>) src(%arg9 : memref<50176xf32, #tpu.memory_space<hbm>>) dst(%arg15 : memref<50176xf32, #tpu.memory_space<vmem>>)
      tpu.yield
    }) : () -> ()
    "tpu.region"() ({
      %run_scoped3A_35 = tpu.sem_alloc : memref<!tpu.dma_semaphore, #tpu.memory_space<semaphore_mem>>
      tpu.enqueue_dma source(%arg10 : memref<16384xf32, #tpu.memory_space<hbm>>) target(%arg16 : memref<16384xf32, #tpu.memory_space<vmem>>) target_semaphore(%run_scoped3A_35 : memref<!tpu.dma_semaphore, #tpu.memory_space<semaphore_mem>>)
      tpu.wait_dma2 semaphore(%run_scoped3A_35 : memref<!tpu.dma_semaphore, #tpu.memory_space<semaphore_mem>>) src(%arg10 : memref<16384xf32, #tpu.memory_space<hbm>>) dst(%arg16 : memref<16384xf32, #tpu.memory_space<vmem>>)
      tpu.yield
    }) : () -> ()
    "tpu.region"() ({
      %run_scoped3A_35 = tpu.sem_alloc : memref<!tpu.dma_semaphore, #tpu.memory_space<semaphore_mem>>
      tpu.enqueue_dma source(%arg11 : memref<32768xf32, #tpu.memory_space<hbm>>) target(%arg17 : memref<32768xf32, #tpu.memory_space<vmem>>) target_semaphore(%run_scoped3A_35 : memref<!tpu.dma_semaphore, #tpu.memory_space<semaphore_mem>>)
      tpu.wait_dma2 semaphore(%run_scoped3A_35 : memref<!tpu.dma_semaphore, #tpu.memory_space<semaphore_mem>>) src(%arg11 : memref<32768xf32, #tpu.memory_space<hbm>>) dst(%arg17 : memref<32768xf32, #tpu.memory_space<vmem>>)
      tpu.yield
    }) : () -> ()
    "tpu.region"() ({
      %run_scoped3A_35 = tpu.sem_alloc : memref<!tpu.dma_semaphore, #tpu.memory_space<semaphore_mem>>
      tpu.enqueue_dma source(%arg12 : memref<16xf32, #tpu.memory_space<hbm>>) target(%arg33 : memref<16xf32, #tpu.memory_space<vmem>>) target_semaphore(%run_scoped3A_35 : memref<!tpu.dma_semaphore, #tpu.memory_space<semaphore_mem>>)
      tpu.wait_dma2 semaphore(%run_scoped3A_35 : memref<!tpu.dma_semaphore, #tpu.memory_space<semaphore_mem>>) src(%arg12 : memref<16xf32, #tpu.memory_space<hbm>>) dst(%arg33 : memref<16xf32, #tpu.memory_space<vmem>>)
      tpu.yield
    }) : () -> ()
    %scan3A = arith.constant 0 : i32
    %scan3A_1 = arith.constant 0 : i32
    %scan3A_2 = arith.constant 125 : i32
    %scan3A_3 = arith.addi %scan3A_1, %scan3A_2 : i32
    %scan3A_4 = arith.constant 1 : i32
    scf.for %scan3A_35 = %scan3A_1 to %scan3A_3 step %scan3A_4  : i32 {
      %broadcast_in_dim3A_36 = arith.constant 0.000000e+00 : f32
      %broadcast_in_dim3A_37 = vector.broadcast %broadcast_in_dim3A_36 : f32 to vector<16xf32>
      %mul3A_38 = arith.constant 16 : i32
      %mul3A_39 = arith.muli %scan3A_35, %mul3A_38 : i32
      %swap3A_40 = arith.index_cast %mul3A_39 : i32 to index
      %swap3A_41 = tpu.vector_load %arg32[%swap3A_40] {strides = array<i32>} : memref<2000xf32, #tpu.memory_space<vmem>>, vector<16xf32>,
      tpu.vector_store %arg32[%swap3A_40], %broadcast_in_dim3A_37 {strides = array<i32>} : memref<2000xf32, #tpu.memory_space<vmem>>, vector<16xf32>,
    }
    %scan3A_5 = arith.constant 125 : i32
    %mul3A_6 = arith.constant 3136 : i32
    %mul3A_7 = arith.muli %arg1, %mul3A_6 : i32
    "tpu.region"() ({
      %run_scoped3A_35 = tpu.sem_alloc : memref<!tpu.dma_semaphore, #tpu.memory_space<semaphore_mem>>
      %dma_start3A = tpu.memref_slice %arg35[%mul3A_7] : memref<50176xf32, #tpu.memory_space<vmem_shared>> -> memref<2000xf32, #tpu.memory_space<vmem_shared>>
      %dma_start3A_36 = tpu.memref_slice %arg35[%mul3A_7] : memref<50176xf32, #tpu.memory_space<vmem_shared>> -> memref<2000xf32, #tpu.memory_space<vmem_shared>>
      tpu.enqueue_dma source(%arg32 : memref<2000xf32, #tpu.memory_space<vmem>>) target(%dma_start3A_36 : memref<2000xf32, #tpu.memory_space<vmem_shared>>) target_semaphore(%run_scoped3A_35 : memref<!tpu.dma_semaphore, #tpu.memory_space<semaphore_mem>>)
      %dma_wait3A = tpu.memref_slice %arg35[%mul3A_7] : memref<50176xf32, #tpu.memory_space<vmem_shared>> -> memref<2000xf32, #tpu.memory_space<vmem_shared>>
      %dma_wait3A_37 = tpu.memref_slice %arg35[%mul3A_7] : memref<50176xf32, #tpu.memory_space<vmem_shared>> -> memref<2000xf32, #tpu.memory_space<vmem_shared>>
      tpu.wait_dma2 semaphore(%run_scoped3A_35 : memref<!tpu.dma_semaphore, #tpu.memory_space<semaphore_mem>>) src(%arg32 : memref<2000xf32, #tpu.memory_space<vmem>>) dst(%dma_wait3A_37 : memref<2000xf32, #tpu.memory_space<vmem_shared>>)
      tpu.yield
    }) : () -> ()
    %add3A_8 = arith.constant 2000 : i32
    %add3A_9 = arith.addi %mul3A_7, %add3A_8 : i32
    "tpu.region"() ({
      %run_scoped3A_35 = tpu.sem_alloc : memref<!tpu.dma_semaphore, #tpu.memory_space<semaphore_mem>>
      %dma_start3A = arith.constant 0 : i32
      %dma_start3A_36 = tpu.memref_slice %arg32[%dma_start3A] : memref<2000xf32, #tpu.memory_space<vmem>> -> memref<1136xf32, #tpu.memory_space<vmem>>
      %dma_start3A_37 = tpu.memref_slice %arg35[%add3A_9] : memref<50176xf32, #tpu.memory_space<vmem_shared>> -> memref<1136xf32, #tpu.memory_space<vmem_shared>>
      %dma_start3A_38 = tpu.memref_slice %arg35[%add3A_9] : memref<50176xf32, #tpu.memory_space<vmem_shared>> -> memref<1136xf32, #tpu.memory_space<vmem_shared>>
      %dma_start3A_39 = arith.constant 0 : i32
      %dma_start3A_40 = tpu.memref_slice %arg32[%dma_start3A_39] : memref<2000xf32, #tpu.memory_space<vmem>> -> memref<1136xf32, #tpu.memory_space<vmem>>
      tpu.enqueue_dma source(%dma_start3A_40 : memref<1136xf32, #tpu.memory_space<vmem>>) target(%dma_start3A_38 : memref<1136xf32, #tpu.memory_space<vmem_shared>>) target_semaphore(%run_scoped3A_35 : memref<!tpu.dma_semaphore, #tpu.memory_space<semaphore_mem>>)
      %dma_wait3A = arith.constant 0 : i32
      %dma_wait3A_41 = tpu.memref_slice %arg32[%dma_wait3A] : memref<2000xf32, #tpu.memory_space<vmem>> -> memref<1136xf32, #tpu.memory_space<vmem>>
      %dma_wait3A_42 = tpu.memref_slice %arg35[%add3A_9] : memref<50176xf32, #tpu.memory_space<vmem_shared>> -> memref<1136xf32, #tpu.memory_space<vmem_shared>>
      %dma_wait3A_43 = tpu.memref_slice %arg35[%add3A_9] : memref<50176xf32, #tpu.memory_space<vmem_shared>> -> memref<1136xf32, #tpu.memory_space<vmem_shared>>
      %dma_wait3A_44 = arith.constant 0 : i32
      %dma_wait3A_45 = tpu.memref_slice %arg32[%dma_wait3A_44] : memref<2000xf32, #tpu.memory_space<vmem>> -> memref<1136xf32, #tpu.memory_space<vmem>>
      tpu.wait_dma2 semaphore(%run_scoped3A_35 : memref<!tpu.dma_semaphore, #tpu.memory_space<semaphore_mem>>) src(%dma_wait3A_45 : memref<1136xf32, #tpu.memory_space<vmem>>) dst(%dma_wait3A_43 : memref<1136xf32, #tpu.memory_space<vmem_shared>>)
      tpu.yield
    }) : () -> ()
    "tpu.region"() ({
      %run_scoped3A_35 = tpu.sem_alloc : memref<!tpu.dma_semaphore, #tpu.memory_space<semaphore_mem>>
      %dma_start3A = tpu.memref_slice %arg36[%mul3A_7] : memref<50176xf32, #tpu.memory_space<vmem_shared>> -> memref<2000xf32, #tpu.memory_space<vmem_shared>>
      %dma_start3A_36 = tpu.memref_slice %arg36[%mul3A_7] : memref<50176xf32, #tpu.memory_space<vmem_shared>> -> memref<2000xf32, #tpu.memory_space<vmem_shared>>
      tpu.enqueue_dma source(%arg32 : memref<2000xf32, #tpu.memory_space<vmem>>) target(%dma_start3A_36 : memref<2000xf32, #tpu.memory_space<vmem_shared>>) target_semaphore(%run_scoped3A_35 : memref<!tpu.dma_semaphore, #tpu.memory_space<semaphore_mem>>)
      %dma_wait3A = tpu.memref_slice %arg36[%mul3A_7] : memref<50176xf32, #tpu.memory_space<vmem_shared>> -> memref<2000xf32, #tpu.memory_space<vmem_shared>>
      %dma_wait3A_37 = tpu.memref_slice %arg36[%mul3A_7] : memref<50176xf32, #tpu.memory_space<vmem_shared>> -> memref<2000xf32, #tpu.memory_space<vmem_shared>>
      tpu.wait_dma2 semaphore(%run_scoped3A_35 : memref<!tpu.dma_semaphore, #tpu.memory_space<semaphore_mem>>) src(%arg32 : memref<2000xf32, #tpu.memory_space<vmem>>) dst(%dma_wait3A_37 : memref<2000xf32, #tpu.memory_space<vmem_shared>>)
      tpu.yield
    }) : () -> ()
    %add3A_10 = arith.constant 2000 : i32
    %add3A_11 = arith.addi %mul3A_7, %add3A_10 : i32
    "tpu.region"() ({
      %run_scoped3A_35 = tpu.sem_alloc : memref<!tpu.dma_semaphore, #tpu.memory_space<semaphore_mem>>
      %dma_start3A = arith.constant 0 : i32
      %dma_start3A_36 = tpu.memref_slice %arg32[%dma_start3A] : memref<2000xf32, #tpu.memory_space<vmem>> -> memref<1136xf32, #tpu.memory_space<vmem>>
      %dma_start3A_37 = tpu.memref_slice %arg36[%add3A_11] : memref<50176xf32, #tpu.memory_space<vmem_shared>> -> memref<1136xf32, #tpu.memory_space<vmem_shared>>
      %dma_start3A_38 = tpu.memref_slice %arg36[%add3A_11] : memref<50176xf32, #tpu.memory_space<vmem_shared>> -> memref<1136xf32, #tpu.memory_space<vmem_shared>>
      %dma_start3A_39 = arith.constant 0 : i32
      %dma_start3A_40 = tpu.memref_slice %arg32[%dma_start3A_39] : memref<2000xf32, #tpu.memory_space<vmem>> -> memref<1136xf32, #tpu.memory_space<vmem>>
      tpu.enqueue_dma source(%dma_start3A_40 : memref<1136xf32, #tpu.memory_space<vmem>>) target(%dma_start3A_38 : memref<1136xf32, #tpu.memory_space<vmem_shared>>) target_semaphore(%run_scoped3A_35 : memref<!tpu.dma_semaphore, #tpu.memory_space<semaphore_mem>>)
      %dma_wait3A = arith.constant 0 : i32
      %dma_wait3A_41 = tpu.memref_slice %arg32[%dma_wait3A] : memref<2000xf32, #tpu.memory_space<vmem>> -> memref<1136xf32, #tpu.memory_space<vmem>>
      %dma_wait3A_42 = tpu.memref_slice %arg36[%add3A_11] : memref<50176xf32, #tpu.memory_space<vmem_shared>> -> memref<1136xf32, #tpu.memory_space<vmem_shared>>
      %dma_wait3A_43 = tpu.memref_slice %arg36[%add3A_11] : memref<50176xf32, #tpu.memory_space<vmem_shared>> -> memref<1136xf32, #tpu.memory_space<vmem_shared>>
      %dma_wait3A_44 = arith.constant 0 : i32
      %dma_wait3A_45 = tpu.memref_slice %arg32[%dma_wait3A_44] : memref<2000xf32, #tpu.memory_space<vmem>> -> memref<1136xf32, #tpu.memory_space<vmem>>
      tpu.wait_dma2 semaphore(%run_scoped3A_35 : memref<!tpu.dma_semaphore, #tpu.memory_space<semaphore_mem>>) src(%dma_wait3A_45 : memref<1136xf32, #tpu.memory_space<vmem>>) dst(%dma_wait3A_43 : memref<1136xf32, #tpu.memory_space<vmem_shared>>)
      tpu.yield
    }) : () -> ()
    "tpu.region"() ({
      %run_scoped3A_35 = tpu.sem_alloc : memref<!tpu.dma_semaphore, #tpu.memory_space<semaphore_mem>>
      %dma_start3A = tpu.memref_slice %arg37[%mul3A_7] : memref<50176xf32, #tpu.memory_space<vmem_shared>> -> memref<2000xf32, #tpu.memory_space<vmem_shared>>
      %dma_start3A_36 = tpu.memref_slice %arg37[%mul3A_7] : memref<50176xf32, #tpu.memory_space<vmem_shared>> -> memref<2000xf32, #tpu.memory_space<vmem_shared>>
      tpu.enqueue_dma source(%arg32 : memref<2000xf32, #tpu.memory_space<vmem>>) target(%dma_start3A_36 : memref<2000xf32, #tpu.memory_space<vmem_shared>>) target_semaphore(%run_scoped3A_35 : memref<!tpu.dma_semaphore, #tpu.memory_space<semaphore_mem>>)
      %dma_wait3A = tpu.memref_slice %arg37[%mul3A_7] : memref<50176xf32, #tpu.memory_space<vmem_shared>> -> memref<2000xf32, #tpu.memory_space<vmem_shared>>
      %dma_wait3A_37 = tpu.memref_slice %arg37[%mul3A_7] : memref<50176xf32, #tpu.memory_space<vmem_shared>> -> memref<2000xf32, #tpu.memory_space<vmem_shared>>
      tpu.wait_dma2 semaphore(%run_scoped3A_35 : memref<!tpu.dma_semaphore, #tpu.memory_space<semaphore_mem>>) src(%arg32 : memref<2000xf32, #tpu.memory_space<vmem>>) dst(%dma_wait3A_37 : memref<2000xf32, #tpu.memory_space<vmem_shared>>)
      tpu.yield
    }) : () -> ()
    %add3A_12 = arith.constant 2000 : i32
    %add3A_13 = arith.addi %mul3A_7, %add3A_12 : i32
    "tpu.region"() ({
      %run_scoped3A_35 = tpu.sem_alloc : memref<!tpu.dma_semaphore, #tpu.memory_space<semaphore_mem>>
      %dma_start3A = arith.constant 0 : i32
      %dma_start3A_36 = tpu.memref_slice %arg32[%dma_start3A] : memref<2000xf32, #tpu.memory_space<vmem>> -> memref<1136xf32, #tpu.memory_space<vmem>>
      %dma_start3A_37 = tpu.memref_slice %arg37[%add3A_13] : memref<50176xf32, #tpu.memory_space<vmem_shared>> -> memref<1136xf32, #tpu.memory_space<vmem_shared>>
      %dma_start3A_38 = tpu.memref_slice %arg37[%add3A_13] : memref<50176xf32, #tpu.memory_space<vmem_shared>> -> memref<1136xf32, #tpu.memory_space<vmem_shared>>
      %dma_start3A_39 = arith.constant 0 : i32
      %dma_start3A_40 = tpu.memref_slice %arg32[%dma_start3A_39] : memref<2000xf32, #tpu.memory_space<vmem>> -> memref<1136xf32, #tpu.memory_space<vmem>>
      tpu.enqueue_dma source(%dma_start3A_40 : memref<1136xf32, #tpu.memory_space<vmem>>) target(%dma_start3A_38 : memref<1136xf32, #tpu.memory_space<vmem_shared>>) target_semaphore(%run_scoped3A_35 : memref<!tpu.dma_semaphore, #tpu.memory_space<semaphore_mem>>)
      %dma_wait3A = arith.constant 0 : i32
      %dma_wait3A_41 = tpu.memref_slice %arg32[%dma_wait3A] : memref<2000xf32, #tpu.memory_space<vmem>> -> memref<1136xf32, #tpu.memory_space<vmem>>
      %dma_wait3A_42 = tpu.memref_slice %arg37[%add3A_13] : memref<50176xf32, #tpu.memory_space<vmem_shared>> -> memref<1136xf32, #tpu.memory_space<vmem_shared>>
      %dma_wait3A_43 = tpu.memref_slice %arg37[%add3A_13] : memref<50176xf32, #tpu.memory_space<vmem_shared>> -> memref<1136xf32, #tpu.memory_space<vmem_shared>>
      %dma_wait3A_44 = arith.constant 0 : i32
      %dma_wait3A_45 = tpu.memref_slice %arg32[%dma_wait3A_44] : memref<2000xf32, #tpu.memory_space<vmem>> -> memref<1136xf32, #tpu.memory_space<vmem>>
      tpu.wait_dma2 semaphore(%run_scoped3A_35 : memref<!tpu.dma_semaphore, #tpu.memory_space<semaphore_mem>>) src(%dma_wait3A_45 : memref<1136xf32, #tpu.memory_space<vmem>>) dst(%dma_wait3A_43 : memref<1136xf32, #tpu.memory_space<vmem_shared>>)
      tpu.yield
    }) : () -> ()
    %barrier3A = arith.constant 0 : index
    tpu.barrier barrier_id(%barrier3A)
    %broadcast_in_dim3A = arith.constant 3 : i32
    %broadcast_in_dim3A_14 = vector.broadcast %broadcast_in_dim3A : i32 to vector<16xi32>
    %gather3A = tpu.vector_load_idx %arg33[%broadcast_in_dim3A_14] : memref<16xf32, #tpu.memory_space<vmem>>[vector<16xi32>], vector<16xf32>,
    %broadcast_in_dim3A_15 = arith.constant 4 : i32
    %broadcast_in_dim3A_16 = vector.broadcast %broadcast_in_dim3A_15 : i32 to vector<16xi32>
    %gather3A_17 = tpu.vector_load_idx %arg33[%broadcast_in_dim3A_16] : memref<16xf32, #tpu.memory_space<vmem>>[vector<16xi32>], vector<16xf32>,
    %broadcast_in_dim3A_18 = arith.constant 5 : i32
    %broadcast_in_dim3A_19 = vector.broadcast %broadcast_in_dim3A_18 : i32 to vector<16xi32>
    %gather3A_20 = tpu.vector_load_idx %arg33[%broadcast_in_dim3A_19] : memref<16xf32, #tpu.memory_space<vmem>>[vector<16xi32>], vector<16xf32>,
    %mul3A_21 = arith.constant 50000 : i32
    %mul3A_22 = arith.muli %add3A, %mul3A_21 : i32
    %broadcast_in_dim3A_23 = arith.constant 0.000000e+00 : f32
    %broadcast_in_dim3A_24 = vector.broadcast %broadcast_in_dim3A_23 : f32 to vector<16xf32>
    %scan3A_25 = arith.constant 0 : i32
    %scan3A_26 = arith.constant 25 : i32
    %scan3A_27 = arith.addi %scan3A_25, %scan3A_26 : i32
    %scan3A_28 = arith.constant 1 : i32
    %scan3A_29 = scf.for %scan3A_35 = %scan3A_25 to %scan3A_27 step %scan3A_28 iter_args(%scan3A_36 = %broadcast_in_dim3A_24) -> (vector<16xf32>)  : i32 {
      %mul3A_37 = arith.constant 2000 : i32
      %mul3A_38 = arith.muli %scan3A_35, %mul3A_37 : i32
      %add3A_39 = arith.addi %mul3A_22, %mul3A_38 : i32
      %add3A_40 = arith.constant 0 : i32
      %add3A_41 = arith.addi %add3A_39, %add3A_40 : i32
      %dma_start3A = tpu.memref_slice %arg2[%add3A_41] : memref<1600000xi32, #tpu.memory_space<hbm>> -> memref<992xi32, #tpu.memory_space<hbm>>
      %dma_start3A_42 = tpu.memref_slice %arg2[%add3A_41] : memref<1600000xi32, #tpu.memory_space<hbm>> -> memref<992xi32, #tpu.memory_space<hbm>>
      tpu.enqueue_dma source(%dma_start3A_42 : memref<992xi32, #tpu.memory_space<hbm>>) target(%arg18 : memref<992xi32, #tpu.memory_space<vmem>>) target_semaphore(%arg38 : memref<!tpu.dma_semaphore, #tpu.memory_space<semaphore_mem>>)
      %dma_start3A_43 = tpu.memref_slice %arg3[%add3A_41] : memref<1600000xi32, #tpu.memory_space<hbm>> -> memref<992xi32, #tpu.memory_space<hbm>>
      %dma_start3A_44 = tpu.memref_slice %arg3[%add3A_41] : memref<1600000xi32, #tpu.memory_space<hbm>> -> memref<992xi32, #tpu.memory_space<hbm>>
      tpu.enqueue_dma source(%dma_start3A_44 : memref<992xi32, #tpu.memory_space<hbm>>) target(%arg19 : memref<992xi32, #tpu.memory_space<vmem>>) target_semaphore(%arg38 : memref<!tpu.dma_semaphore, #tpu.memory_space<semaphore_mem>>)
      %dma_start3A_45 = tpu.memref_slice %arg4[%add3A_41] : memref<1600000xf32, #tpu.memory_space<hbm>> -> memref<992xf32, #tpu.memory_space<hbm>>
      %dma_start3A_46 = tpu.memref_slice %arg4[%add3A_41] : memref<1600000xf32, #tpu.memory_space<hbm>> -> memref<992xf32, #tpu.memory_space<hbm>>
      tpu.enqueue_dma source(%dma_start3A_46 : memref<992xf32, #tpu.memory_space<hbm>>) target(%arg22 : memref<992xf32, #tpu.memory_space<vmem>>) target_semaphore(%arg38 : memref<!tpu.dma_semaphore, #tpu.memory_space<semaphore_mem>>)
      %dma_start3A_47 = tpu.memref_slice %arg5[%add3A_41] : memref<1600000xf32, #tpu.memory_space<hbm>> -> memref<992xf32, #tpu.memory_space<hbm>>
      %dma_start3A_48 = tpu.memref_slice %arg5[%add3A_41] : memref<1600000xf32, #tpu.memory_space<hbm>> -> memref<992xf32, #tpu.memory_space<hbm>>
      tpu.enqueue_dma source(%dma_start3A_48 : memref<992xf32, #tpu.memory_space<hbm>>) target(%arg23 : memref<992xf32, #tpu.memory_space<vmem>>) target_semaphore(%arg38 : memref<!tpu.dma_semaphore, #tpu.memory_space<semaphore_mem>>)
      %dma_start3A_49 = tpu.memref_slice %arg6[%add3A_41] : memref<1600000xf32, #tpu.memory_space<hbm>> -> memref<992xf32, #tpu.memory_space<hbm>>
      %dma_start3A_50 = tpu.memref_slice %arg6[%add3A_41] : memref<1600000xf32, #tpu.memory_space<hbm>> -> memref<992xf32, #tpu.memory_space<hbm>>
      tpu.enqueue_dma source(%dma_start3A_50 : memref<992xf32, #tpu.memory_space<hbm>>) target(%arg24 : memref<992xf32, #tpu.memory_space<vmem>>) target_semaphore(%arg38 : memref<!tpu.dma_semaphore, #tpu.memory_space<semaphore_mem>>)
      %dma_start3A_51 = tpu.memref_slice %arg7[%add3A_41] : memref<1600000xf32, #tpu.memory_space<hbm>> -> memref<992xf32, #tpu.memory_space<hbm>>
      %dma_start3A_52 = tpu.memref_slice %arg7[%add3A_41] : memref<1600000xf32, #tpu.memory_space<hbm>> -> memref<992xf32, #tpu.memory_space<hbm>>
      tpu.enqueue_dma source(%dma_start3A_52 : memref<992xf32, #tpu.memory_space<hbm>>) target(%arg25 : memref<992xf32, #tpu.memory_space<vmem>>) target_semaphore(%arg38 : memref<!tpu.dma_semaphore, #tpu.memory_space<semaphore_mem>>)
      %dma_start3A_53 = tpu.memref_slice %arg8[%add3A_41] : memref<1600000xi32, #tpu.memory_space<hbm>> -> memref<992xi32, #tpu.memory_space<hbm>>
      %dma_start3A_54 = tpu.memref_slice %arg8[%add3A_41] : memref<1600000xi32, #tpu.memory_space<hbm>> -> memref<992xi32, #tpu.memory_space<hbm>>
      tpu.enqueue_dma source(%dma_start3A_54 : memref<992xi32, #tpu.memory_space<hbm>>) target(%arg30 : memref<992xi32, #tpu.memory_space<vmem>>) target_semaphore(%arg38 : memref<!tpu.dma_semaphore, #tpu.memory_space<semaphore_mem>>)
      %add3A_55 = arith.constant 992 : i32
      %add3A_56 = arith.addi %add3A_39, %add3A_55 : i32
      %dma_start3A_57 = tpu.memref_slice %arg2[%add3A_56] : memref<1600000xi32, #tpu.memory_space<hbm>> -> memref<1008xi32, #tpu.memory_space<hbm>>
      %dma_start3A_58 = tpu.memref_slice %arg2[%add3A_56] : memref<1600000xi32, #tpu.memory_space<hbm>> -> memref<1008xi32, #tpu.memory_space<hbm>>
      tpu.enqueue_dma source(%dma_start3A_58 : memref<1008xi32, #tpu.memory_space<hbm>>) target(%arg20 : memref<1008xi32, #tpu.memory_space<vmem>>) target_semaphore(%arg39 : memref<!tpu.dma_semaphore, #tpu.memory_space<semaphore_mem>>)
      %dma_start3A_59 = tpu.memref_slice %arg3[%add3A_56] : memref<1600000xi32, #tpu.memory_space<hbm>> -> memref<1008xi32, #tpu.memory_space<hbm>>
      %dma_start3A_60 = tpu.memref_slice %arg3[%add3A_56] : memref<1600000xi32, #tpu.memory_space<hbm>> -> memref<1008xi32, #tpu.memory_space<hbm>>
      tpu.enqueue_dma source(%dma_start3A_60 : memref<1008xi32, #tpu.memory_space<hbm>>) target(%arg21 : memref<1008xi32, #tpu.memory_space<vmem>>) target_semaphore(%arg39 : memref<!tpu.dma_semaphore, #tpu.memory_space<semaphore_mem>>)
      %dma_start3A_61 = tpu.memref_slice %arg4[%add3A_56] : memref<1600000xf32, #tpu.memory_space<hbm>> -> memref<1008xf32, #tpu.memory_space<hbm>>
      %dma_start3A_62 = tpu.memref_slice %arg4[%add3A_56] : memref<1600000xf32, #tpu.memory_space<hbm>> -> memref<1008xf32, #tpu.memory_space<hbm>>
      tpu.enqueue_dma source(%dma_start3A_62 : memref<1008xf32, #tpu.memory_space<hbm>>) target(%arg26 : memref<1008xf32, #tpu.memory_space<vmem>>) target_semaphore(%arg39 : memref<!tpu.dma_semaphore, #tpu.memory_space<semaphore_mem>>)
      %dma_start3A_63 = tpu.memref_slice %arg5[%add3A_56] : memref<1600000xf32, #tpu.memory_space<hbm>> -> memref<1008xf32, #tpu.memory_space<hbm>>
      %dma_start3A_64 = tpu.memref_slice %arg5[%add3A_56] : memref<1600000xf32, #tpu.memory_space<hbm>> -> memref<1008xf32, #tpu.memory_space<hbm>>
      tpu.enqueue_dma source(%dma_start3A_64 : memref<1008xf32, #tpu.memory_space<hbm>>) target(%arg27 : memref<1008xf32, #tpu.memory_space<vmem>>) target_semaphore(%arg39 : memref<!tpu.dma_semaphore, #tpu.memory_space<semaphore_mem>>)
      %dma_start3A_65 = tpu.memref_slice %arg6[%add3A_56] : memref<1600000xf32, #tpu.memory_space<hbm>> -> memref<1008xf32, #tpu.memory_space<hbm>>
      %dma_start3A_66 = tpu.memref_slice %arg6[%add3A_56] : memref<1600000xf32, #tpu.memory_space<hbm>> -> memref<1008xf32, #tpu.memory_space<hbm>>
      tpu.enqueue_dma source(%dma_start3A_66 : memref<1008xf32, #tpu.memory_space<hbm>>) target(%arg28 : memref<1008xf32, #tpu.memory_space<vmem>>) target_semaphore(%arg39 : memref<!tpu.dma_semaphore, #tpu.memory_space<semaphore_mem>>)
      %dma_start3A_67 = tpu.memref_slice %arg7[%add3A_56] : memref<1600000xf32, #tpu.memory_space<hbm>> -> memref<1008xf32, #tpu.memory_space<hbm>>
      %dma_start3A_68 = tpu.memref_slice %arg7[%add3A_56] : memref<1600000xf32, #tpu.memory_space<hbm>> -> memref<1008xf32, #tpu.memory_space<hbm>>
      tpu.enqueue_dma source(%dma_start3A_68 : memref<1008xf32, #tpu.memory_space<hbm>>) target(%arg29 : memref<1008xf32, #tpu.memory_space<vmem>>) target_semaphore(%arg39 : memref<!tpu.dma_semaphore, #tpu.memory_space<semaphore_mem>>)
      %dma_start3A_69 = tpu.memref_slice %arg8[%add3A_56] : memref<1600000xi32, #tpu.memory_space<hbm>> -> memref<1008xi32, #tpu.memory_space<hbm>>
      %dma_start3A_70 = tpu.memref_slice %arg8[%add3A_56] : memref<1600000xi32, #tpu.memory_space<hbm>> -> memref<1008xi32, #tpu.memory_space<hbm>>
      tpu.enqueue_dma source(%dma_start3A_70 : memref<1008xi32, #tpu.memory_space<hbm>>) target(%arg31 : memref<1008xi32, #tpu.memory_space<vmem>>) target_semaphore(%arg39 : memref<!tpu.dma_semaphore, #tpu.memory_space<semaphore_mem>>)
      %dma_wait3A = tpu.memref_slice %arg2[%add3A_41] : memref<1600000xi32, #tpu.memory_space<hbm>> -> memref<992xi32, #tpu.memory_space<hbm>>
      %dma_wait3A_71 = tpu.memref_slice %arg2[%add3A_41] : memref<1600000xi32, #tpu.memory_space<hbm>> -> memref<992xi32, #tpu.memory_space<hbm>>
      tpu.wait_dma2 semaphore(%arg38 : memref<!tpu.dma_semaphore, #tpu.memory_space<semaphore_mem>>) src(%dma_wait3A_71 : memref<992xi32, #tpu.memory_space<hbm>>) dst(%arg18 : memref<992xi32, #tpu.memory_space<vmem>>)
      %dma_wait3A_72 = tpu.memref_slice %arg3[%add3A_41] : memref<1600000xi32, #tpu.memory_space<hbm>> -> memref<992xi32, #tpu.memory_space<hbm>>
      %dma_wait3A_73 = tpu.memref_slice %arg3[%add3A_41] : memref<1600000xi32, #tpu.memory_space<hbm>> -> memref<992xi32, #tpu.memory_space<hbm>>
      tpu.wait_dma2 semaphore(%arg38 : memref<!tpu.dma_semaphore, #tpu.memory_space<semaphore_mem>>) src(%dma_wait3A_73 : memref<992xi32, #tpu.memory_space<hbm>>) dst(%arg19 : memref<992xi32, #tpu.memory_space<vmem>>)
      %dma_wait3A_74 = tpu.memref_slice %arg4[%add3A_41] : memref<1600000xf32, #tpu.memory_space<hbm>> -> memref<992xf32, #tpu.memory_space<hbm>>
      %dma_wait3A_75 = tpu.memref_slice %arg4[%add3A_41] : memref<1600000xf32, #tpu.memory_space<hbm>> -> memref<992xf32, #tpu.memory_space<hbm>>
      tpu.wait_dma2 semaphore(%arg38 : memref<!tpu.dma_semaphore, #tpu.memory_space<semaphore_mem>>) src(%dma_wait3A_75 : memref<992xf32, #tpu.memory_space<hbm>>) dst(%arg22 : memref<992xf32, #tpu.memory_space<vmem>>)
      %dma_wait3A_76 = tpu.memref_slice %arg5[%add3A_41] : memref<1600000xf32, #tpu.memory_space<hbm>> -> memref<992xf32, #tpu.memory_space<hbm>>
      %dma_wait3A_77 = tpu.memref_slice %arg5[%add3A_41] : memref<1600000xf32, #tpu.memory_space<hbm>> -> memref<992xf32, #tpu.memory_space<hbm>>
      tpu.wait_dma2 semaphore(%arg38 : memref<!tpu.dma_semaphore, #tpu.memory_space<semaphore_mem>>) src(%dma_wait3A_77 : memref<992xf32, #tpu.memory_space<hbm>>) dst(%arg23 : memref<992xf32, #tpu.memory_space<vmem>>)
      %dma_wait3A_78 = tpu.memref_slice %arg6[%add3A_41] : memref<1600000xf32, #tpu.memory_space<hbm>> -> memref<992xf32, #tpu.memory_space<hbm>>
      %dma_wait3A_79 = tpu.memref_slice %arg6[%add3A_41] : memref<1600000xf32, #tpu.memory_space<hbm>> -> memref<992xf32, #tpu.memory_space<hbm>>
      tpu.wait_dma2 semaphore(%arg38 : memref<!tpu.dma_semaphore, #tpu.memory_space<semaphore_mem>>) src(%dma_wait3A_79 : memref<992xf32, #tpu.memory_space<hbm>>) dst(%arg24 : memref<992xf32, #tpu.memory_space<vmem>>)
      %dma_wait3A_80 = tpu.memref_slice %arg7[%add3A_41] : memref<1600000xf32, #tpu.memory_space<hbm>> -> memref<992xf32, #tpu.memory_space<hbm>>
      %dma_wait3A_81 = tpu.memref_slice %arg7[%add3A_41] : memref<1600000xf32, #tpu.memory_space<hbm>> -> memref<992xf32, #tpu.memory_space<hbm>>
      tpu.wait_dma2 semaphore(%arg38 : memref<!tpu.dma_semaphore, #tpu.memory_space<semaphore_mem>>) src(%dma_wait3A_81 : memref<992xf32, #tpu.memory_space<hbm>>) dst(%arg25 : memref<992xf32, #tpu.memory_space<vmem>>)
      %dma_wait3A_82 = tpu.memref_slice %arg8[%add3A_41] : memref<1600000xi32, #tpu.memory_space<hbm>> -> memref<992xi32, #tpu.memory_space<hbm>>
      %dma_wait3A_83 = tpu.memref_slice %arg8[%add3A_41] : memref<1600000xi32, #tpu.memory_space<hbm>> -> memref<992xi32, #tpu.memory_space<hbm>>
      tpu.wait_dma2 semaphore(%arg38 : memref<!tpu.dma_semaphore, #tpu.memory_space<semaphore_mem>>) src(%dma_wait3A_83 : memref<992xi32, #tpu.memory_space<hbm>>) dst(%arg30 : memref<992xi32, #tpu.memory_space<vmem>>)
      %scan3A_84 = arith.constant 0 : i32
      %scan3A_85 = arith.constant 62 : i32
      %scan3A_86 = arith.addi %scan3A_84, %scan3A_85 : i32
      %scan3A_87 = arith.constant 1 : i32
      %scan3A_88 = scf.for %scan3A_134 = %scan3A_84 to %scan3A_86 step %scan3A_87 iter_args(%scan3A_135 = %scan3A_36) -> (vector<16xf32>)  : i32 {
        %mul3A_136 = arith.constant 16 : i32
        %mul3A_137 = arith.muli %scan3A_134, %mul3A_136 : i32
        %get3A = arith.index_cast %mul3A_137 : i32 to index
        %get3A_138 = tpu.vector_load %arg18[%get3A] {strides = array<i32>} : memref<992xi32, #tpu.memory_space<vmem>>, vector<16xi32>,
        %gather3A_139 = tpu.vector_load_idx %arg15[%get3A_138] : memref<50176xf32, #tpu.memory_space<vmem>>[vector<16xi32>], vector<16xf32>,
        %get3A_140 = arith.index_cast %mul3A_137 : i32 to index
        %get3A_141 = tpu.vector_load %arg19[%get3A_140] {strides = array<i32>} : memref<992xi32, #tpu.memory_space<vmem>>, vector<16xi32>,
        %gather3A_142 = tpu.vector_load_idx %arg15[%get3A_141] : memref<50176xf32, #tpu.memory_space<vmem>>[vector<16xi32>], vector<16xf32>,
        %get3A_143 = arith.index_cast %mul3A_137 : i32 to index
        %get3A_144 = tpu.vector_load %arg22[%get3A_143] {strides = array<i32>} : memref<992xf32, #tpu.memory_space<vmem>>, vector<16xf32>,
        %get3A_145 = arith.index_cast %mul3A_137 : i32 to index
        %get3A_146 = tpu.vector_load %arg23[%get3A_145] {strides = array<i32>} : memref<992xf32, #tpu.memory_space<vmem>>, vector<16xf32>,
        %get3A_147 = arith.index_cast %mul3A_137 : i32 to index
        %get3A_148 = tpu.vector_load %arg24[%get3A_147] {strides = array<i32>} : memref<992xf32, #tpu.memory_space<vmem>>, vector<16xf32>,
        %get3A_149 = arith.index_cast %mul3A_137 : i32 to index
        %get3A_150 = tpu.vector_load %arg25[%get3A_149] {strides = array<i32>} : memref<992xf32, #tpu.memory_space<vmem>>, vector<16xf32>,
        %lt3A = arith.cmpf olt, %get3A_150, %gather3A_17 : vector<16xf32>
        %gt3A = arith.constant 9.99999997E-7 : f32
        %gt3A_151 = vector.broadcast %gt3A : f32 to vector<16xf32>
        %gt3A_152 = arith.cmpf ogt, %get3A_150, %gt3A_151 : vector<16xf32>
        %and3A = arith.andi %lt3A, %gt3A_152 : vector<16xi1>
        %jit3A = arith.constant 1.000000e+00 : f32
        %jit3A_153 = arith.constant 0.000000e+00 : f32
        %broadcast_in_dim3A_154 = vector.broadcast %jit3A : f32 to vector<16xf32>
        %broadcast_in_dim3A_155 = vector.broadcast %jit3A_153 : f32 to vector<16xf32>
        %select_n3A = arith.select %and3A, %broadcast_in_dim3A_154, %broadcast_in_dim3A_155 : vector<16xi1>, vector<16xf32>
        %min3A = arith.minimumf %get3A_150, %gather3A_20 : vector<16xf32>
        %mul3A_156 = arith.mulf %min3A, %gather3A : vector<16xf32>
        %convert_element_type3A = arith.fptosi %mul3A_156 : vector<16xf32> to vector<16xi32>
        %convert_element_type3A_157 = arith.sitofp %convert_element_type3A : vector<16xi32> to vector<16xf32>
        %sub3A = arith.subf %mul3A_156, %convert_element_type3A_157 : vector<16xf32>
        %add3A_158 = arith.constant 1 : i32
        %add3A_159 = vector.broadcast %add3A_158 : i32 to vector<16xi32>
        %add3A_160 = arith.addi %convert_element_type3A, %add3A_159 : vector<16xi32>
        %min3A_161 = arith.constant 8191 : i32
        %min3A_162 = vector.broadcast %min3A_161 : i32 to vector<16xi32>
        %min3A_163 = arith.minsi %add3A_160, %min3A_162 : vector<16xi32>
        %get3A_164 = arith.index_cast %mul3A_137 : i32 to index
        %get3A_165 = tpu.vector_load %arg30[%get3A_164] {strides = array<i32>} : memref<992xi32, #tpu.memory_space<vmem>>, vector<16xi32>,
        %jit3A_166 = arith.constant 2 : i32
        %div3A = vector.broadcast %jit3A_166 : i32 to vector<16xi32>
        %div3A_167 = arith.divsi %get3A_165, %div3A : vector<16xi32>
        %sign3A = arith.constant 0 : i32
        %sign3A_168 = vector.broadcast %sign3A : i32 to vector<16xi32>
        %sign3A_169 = arith.cmpi sgt, %get3A_165, %sign3A_168 : vector<16xi32>
        %sign3A_170 = arith.extui %sign3A_169 : vector<16xi1> to vector<16xi32>
        %sign3A_171 = arith.constant 0 : i32
        %sign3A_172 = vector.broadcast %sign3A_171 : i32 to vector<16xi32>
        %sign3A_173 = arith.cmpi slt, %get3A_165, %sign3A_172 : vector<16xi32>
        %sign3A_174 = arith.extui %sign3A_173 : vector<16xi1> to vector<16xi32>
        %sign3A_175 = arith.subi %sign3A_170, %sign3A_174 : vector<16xi32>
        %sign3A_176 = arith.constant 0 : i32
        %sign3A_177 = arith.cmpi sgt, %jit3A_166, %sign3A_176 : i32
        %sign3A_178 = arith.extui %sign3A_177 : i1 to i32
        %sign3A_179 = arith.constant 0 : i32
        %sign3A_180 = arith.cmpi slt, %jit3A_166, %sign3A_179 : i32
        %sign3A_181 = arith.extui %sign3A_180 : i1 to i32
        %sign3A_182 = arith.subi %sign3A_178, %sign3A_181 : i32
        %ne3A = vector.broadcast %sign3A_182 : i32 to vector<16xi32>
        %ne3A_183 = arith.cmpi ne, %sign3A_175, %ne3A : vector<16xi32>
        %rem3A = vector.broadcast %jit3A_166 : i32 to vector<16xi32>
        %rem3A_184 = arith.remsi %get3A_165, %rem3A : vector<16xi32>
        %ne3A_185 = arith.constant 0 : i32
        %ne3A_186 = vector.broadcast %ne3A_185 : i32 to vector<16xi32>
        %ne3A_187 = arith.cmpi ne, %rem3A_184, %ne3A_186 : vector<16xi32>
        %and3A_188 = arith.andi %ne3A_183, %ne3A_187 : vector<16xi1>
        %sub3A_189 = arith.constant 1 : i32
        %sub3A_190 = vector.broadcast %sub3A_189 : i32 to vector<16xi32>
        %sub3A_191 = arith.subi %div3A_167, %sub3A_190 : vector<16xi32>
        %select_n3A_192 = arith.select %and3A_188, %sub3A_191, %div3A_167 : vector<16xi1>, vector<16xi32>
        %mul3A_193 = arith.constant 2 : i32
        %mul3A_194 = vector.broadcast %mul3A_193 : i32 to vector<16xi32>
        %mul3A_195 = arith.muli %select_n3A_192, %mul3A_194 : vector<16xi32>
        %sub3A_196 = arith.subi %get3A_165, %mul3A_195 : vector<16xi32>
        %mul3A_197 = arith.constant 8192 : i32
        %mul3A_198 = vector.broadcast %mul3A_197 : i32 to vector<16xi32>
        %mul3A_199 = arith.muli %sub3A_196, %mul3A_198 : vector<16xi32>
        %add3A_200 = arith.addi %mul3A_199, %convert_element_type3A : vector<16xi32>
        %mul3A_201 = arith.constant 8192 : i32
        %mul3A_202 = vector.broadcast %mul3A_201 : i32 to vector<16xi32>
        %mul3A_203 = arith.muli %sub3A_196, %mul3A_202 : vector<16xi32>
        %add3A_204 = arith.addi %mul3A_203, %min3A_163 : vector<16xi32>
        %gather3A_205 = tpu.vector_load_idx %arg16[%add3A_200] : memref<16384xf32, #tpu.memory_space<vmem>>[vector<16xi32>], vector<16xf32>,
        %gather3A_206 = tpu.vector_load_idx %arg16[%add3A_204] : memref<16384xf32, #tpu.memory_space<vmem>>[vector<16xi32>], vector<16xf32>,
        %sub3A_207 = arith.subf %gather3A_206, %gather3A_205 : vector<16xf32>
        %mul3A_208 = arith.mulf %sub3A, %sub3A_207 : vector<16xf32>
        %add3A_209 = arith.addf %gather3A_205, %mul3A_208 : vector<16xf32>
        %mul3A_210 = arith.mulf %add3A_209, %select_n3A : vector<16xf32>
        %mul3A_211 = arith.constant 8192 : i32
        %mul3A_212 = vector.broadcast %mul3A_211 : i32 to vector<16xi32>
        %mul3A_213 = arith.muli %select_n3A_192, %mul3A_212 : vector<16xi32>
        %add3A_214 = arith.addi %mul3A_213, %convert_element_type3A : vector<16xi32>
        %mul3A_215 = arith.constant 8192 : i32
        %mul3A_216 = vector.broadcast %mul3A_215 : i32 to vector<16xi32>
        %mul3A_217 = arith.muli %select_n3A_192, %mul3A_216 : vector<16xi32>
        %add3A_218 = arith.addi %mul3A_217, %min3A_163 : vector<16xi32>
        %gather3A_219 = tpu.vector_load_idx %arg16[%add3A_214] : memref<16384xf32, #tpu.memory_space<vmem>>[vector<16xi32>], vector<16xf32>,
        %gather3A_220 = tpu.vector_load_idx %arg16[%add3A_218] : memref<16384xf32, #tpu.memory_space<vmem>>[vector<16xi32>], vector<16xf32>,
        %sub3A_221 = arith.subf %gather3A_220, %gather3A_219 : vector<16xf32>
        %mul3A_222 = arith.mulf %sub3A, %sub3A_221 : vector<16xf32>
        %add3A_223 = arith.addf %gather3A_219, %mul3A_222 : vector<16xf32>
        %mul3A_224 = arith.mulf %add3A_223, %select_n3A : vector<16xf32>
        %mul3A_225 = arith.constant 8192 : i32
        %mul3A_226 = vector.broadcast %mul3A_225 : i32 to vector<16xi32>
        %mul3A_227 = arith.muli %get3A_165, %mul3A_226 : vector<16xi32>
        %add3A_228 = arith.addi %mul3A_227, %convert_element_type3A : vector<16xi32>
        %add3A_229 = arith.addi %mul3A_227, %min3A_163 : vector<16xi32>
        %gather3A_230 = tpu.vector_load_idx %arg17[%add3A_228] : memref<32768xf32, #tpu.memory_space<vmem>>[vector<16xi32>], vector<16xf32>,
        %gather3A_231 = tpu.vector_load_idx %arg17[%add3A_229] : memref<32768xf32, #tpu.memory_space<vmem>>[vector<16xi32>], vector<16xf32>,
        %sub3A_232 = arith.subf %gather3A_231, %gather3A_230 : vector<16xf32>
        %mul3A_233 = arith.mulf %sub3A, %sub3A_232 : vector<16xf32>
        %add3A_234 = arith.addf %gather3A_230, %mul3A_233 : vector<16xf32>
        %mul3A_235 = arith.mulf %add3A_234, %select_n3A : vector<16xf32>
        %mul3A_236 = arith.mulf %gather3A_139, %mul3A_210 : vector<16xf32>
        %mul3A_237 = arith.mulf %gather3A_142, %mul3A_224 : vector<16xf32>
        %add3A_238 = arith.addf %mul3A_236, %mul3A_237 : vector<16xf32>
        %add3A_239 = arith.addf %add3A_238, %mul3A_235 : vector<16xf32>
        %div3A_240 = arith.divf %add3A_239, %get3A_150 : vector<16xf32>
        %neg3A = arith.constant 0.000000e+00 : f32
        %neg3A_241 = vector.broadcast %neg3A : f32 to vector<16xf32>
        %neg3A_242 = arith.subf %neg3A_241, %div3A_240 : vector<16xf32>
        %mul3A_243 = arith.mulf %neg3A_242, %get3A_144 : vector<16xf32>
        %swap3A_244 = arith.index_cast %mul3A_137 : i32 to index
        %swap3A_245 = tpu.vector_load %arg22[%swap3A_244] {strides = array<i32>} : memref<992xf32, #tpu.memory_space<vmem>>, vector<16xf32>,
        tpu.vector_store %arg22[%swap3A_244], %mul3A_243 {strides = array<i32>} : memref<992xf32, #tpu.memory_space<vmem>>, vector<16xf32>,
        %mul3A_246 = arith.mulf %neg3A_242, %get3A_146 : vector<16xf32>
        %swap3A_247 = arith.index_cast %mul3A_137 : i32 to index
        %swap3A_248 = tpu.vector_load %arg23[%swap3A_247] {strides = array<i32>} : memref<992xf32, #tpu.memory_space<vmem>>, vector<16xf32>,
        tpu.vector_store %arg23[%swap3A_247], %mul3A_246 {strides = array<i32>} : memref<992xf32, #tpu.memory_space<vmem>>, vector<16xf32>,
        %mul3A_249 = arith.mulf %neg3A_242, %get3A_148 : vector<16xf32>
        %swap3A_250 = arith.index_cast %mul3A_137 : i32 to index
        %swap3A_251 = tpu.vector_load %arg24[%swap3A_250] {strides = array<i32>} : memref<992xf32, #tpu.memory_space<vmem>>, vector<16xf32>,
        tpu.vector_store %arg24[%swap3A_250], %mul3A_249 {strides = array<i32>} : memref<992xf32, #tpu.memory_space<vmem>>, vector<16xf32>,
        %mul3A_252 = arith.mulf %add3A_239, %get3A_150 : vector<16xf32>
        %add3A_253 = arith.addf %scan3A_135, %mul3A_252 : vector<16xf32>
        scf.yield %add3A_253 : vector<16xf32>
      }
      %scan3A_89 = arith.constant 62 : i32
      %dma_start3A_90 = arith.constant 0 : i32
      %dma_start3A_91 = tpu.memref_slice %arg35[%dma_start3A_90] : memref<50176xf32, #tpu.memory_space<vmem_shared>> -> memref<50176xf32, #tpu.memory_space<vmem_shared>>
      tpu.enqueue_indirect_dma source(%arg22 : memref<992xf32, #tpu.memory_space<vmem>>) target(%dma_start3A_91 : memref<50176xf32, #tpu.memory_space<vmem_shared>>) offsets(%arg18 : memref<992xi32, #tpu.memory_space<vmem>>) semaphore(%arg40 : memref<!tpu.dma_semaphore, #tpu.memory_space<semaphore_mem>>) {add = true}
      %dma_start3A_92 = arith.constant 0 : i32
      %dma_start3A_93 = tpu.memref_slice %arg36[%dma_start3A_92] : memref<50176xf32, #tpu.memory_space<vmem_shared>> -> memref<50176xf32, #tpu.memory_space<vmem_shared>>
      tpu.enqueue_indirect_dma source(%arg23 : memref<992xf32, #tpu.memory_space<vmem>>) target(%dma_start3A_93 : memref<50176xf32, #tpu.memory_space<vmem_shared>>) offsets(%arg18 : memref<992xi32, #tpu.memory_space<vmem>>) semaphore(%arg40 : memref<!tpu.dma_semaphore, #tpu.memory_space<semaphore_mem>>) {add = true}
      %dma_start3A_94 = arith.constant 0 : i32
      %dma_start3A_95 = tpu.memref_slice %arg37[%dma_start3A_94] : memref<50176xf32, #tpu.memory_space<vmem_shared>> -> memref<50176xf32, #tpu.memory_space<vmem_shared>>
      tpu.enqueue_indirect_dma source(%arg24 : memref<992xf32, #tpu.memory_space<vmem>>) target(%dma_start3A_95 : memref<50176xf32, #tpu.memory_space<vmem_shared>>) offsets(%arg18 : memref<992xi32, #tpu.memory_space<vmem>>) semaphore(%arg40 : memref<!tpu.dma_semaphore, #tpu.memory_space<semaphore_mem>>) {add = true}
      %dma_wait3A_96 = tpu.memref_slice %arg2[%add3A_56] : memref<1600000xi32, #tpu.memory_space<hbm>> -> memref<1008xi32, #tpu.memory_space<hbm>>
      %dma_wait3A_97 = tpu.memref_slice %arg2[%add3A_56] : memref<1600000xi32, #tpu.memory_space<hbm>> -> memref<1008xi32, #tpu.memory_space<hbm>>
      tpu.wait_dma2 semaphore(%arg39 : memref<!tpu.dma_semaphore, #tpu.memory_space<semaphore_mem>>) src(%dma_wait3A_97 : memref<1008xi32, #tpu.memory_space<hbm>>) dst(%arg20 : memref<1008xi32, #tpu.memory_space<vmem>>)
      %dma_wait3A_98 = tpu.memref_slice %arg3[%add3A_56] : memref<1600000xi32, #tpu.memory_space<hbm>> -> memref<1008xi32, #tpu.memory_space<hbm>>
      %dma_wait3A_99 = tpu.memref_slice %arg3[%add3A_56] : memref<1600000xi32, #tpu.memory_space<hbm>> -> memref<1008xi32, #tpu.memory_space<hbm>>
      tpu.wait_dma2 semaphore(%arg39 : memref<!tpu.dma_semaphore, #tpu.memory_space<semaphore_mem>>) src(%dma_wait3A_99 : memref<1008xi32, #tpu.memory_space<hbm>>) dst(%arg21 : memref<1008xi32, #tpu.memory_space<vmem>>)
      %dma_wait3A_100 = tpu.memref_slice %arg4[%add3A_56] : memref<1600000xf32, #tpu.memory_space<hbm>> -> memref<1008xf32, #tpu.memory_space<hbm>>
      %dma_wait3A_101 = tpu.memref_slice %arg4[%add3A_56] : memref<1600000xf32, #tpu.memory_space<hbm>> -> memref<1008xf32, #tpu.memory_space<hbm>>
      tpu.wait_dma2 semaphore(%arg39 : memref<!tpu.dma_semaphore, #tpu.memory_space<semaphore_mem>>) src(%dma_wait3A_101 : memref<1008xf32, #tpu.memory_space<hbm>>) dst(%arg26 : memref<1008xf32, #tpu.memory_space<vmem>>)
      %dma_wait3A_102 = tpu.memref_slice %arg5[%add3A_56] : memref<1600000xf32, #tpu.memory_space<hbm>> -> memref<1008xf32, #tpu.memory_space<hbm>>
      %dma_wait3A_103 = tpu.memref_slice %arg5[%add3A_56] : memref<1600000xf32, #tpu.memory_space<hbm>> -> memref<1008xf32, #tpu.memory_space<hbm>>
      tpu.wait_dma2 semaphore(%arg39 : memref<!tpu.dma_semaphore, #tpu.memory_space<semaphore_mem>>) src(%dma_wait3A_103 : memref<1008xf32, #tpu.memory_space<hbm>>) dst(%arg27 : memref<1008xf32, #tpu.memory_space<vmem>>)
      %dma_wait3A_104 = tpu.memref_slice %arg6[%add3A_56] : memref<1600000xf32, #tpu.memory_space<hbm>> -> memref<1008xf32, #tpu.memory_space<hbm>>
      %dma_wait3A_105 = tpu.memref_slice %arg6[%add3A_56] : memref<1600000xf32, #tpu.memory_space<hbm>> -> memref<1008xf32, #tpu.memory_space<hbm>>
      tpu.wait_dma2 semaphore(%arg39 : memref<!tpu.dma_semaphore, #tpu.memory_space<semaphore_mem>>) src(%dma_wait3A_105 : memref<1008xf32, #tpu.memory_space<hbm>>) dst(%arg28 : memref<1008xf32, #tpu.memory_space<vmem>>)
      %dma_wait3A_106 = tpu.memref_slice %arg7[%add3A_56] : memref<1600000xf32, #tpu.memory_space<hbm>> -> memref<1008xf32, #tpu.memory_space<hbm>>
      %dma_wait3A_107 = tpu.memref_slice %arg7[%add3A_56] : memref<1600000xf32, #tpu.memory_space<hbm>> -> memref<1008xf32, #tpu.memory_space<hbm>>
      tpu.wait_dma2 semaphore(%arg39 : memref<!tpu.dma_semaphore, #tpu.memory_space<semaphore_mem>>) src(%dma_wait3A_107 : memref<1008xf32, #tpu.memory_space<hbm>>) dst(%arg29 : memref<1008xf32, #tpu.memory_space<vmem>>)
      %dma_wait3A_108 = tpu.memref_slice %arg8[%add3A_56] : memref<1600000xi32, #tpu.memory_space<hbm>> -> memref<1008xi32, #tpu.memory_space<hbm>>
      %dma_wait3A_109 = tpu.memref_slice %arg8[%add3A_56] : memref<1600000xi32, #tpu.memory_space<hbm>> -> memref<1008xi32, #tpu.memory_space<hbm>>
      tpu.wait_dma2 semaphore(%arg39 : memref<!tpu.dma_semaphore, #tpu.memory_space<semaphore_mem>>) src(%dma_wait3A_109 : memref<1008xi32, #tpu.memory_space<hbm>>) dst(%arg31 : memref<1008xi32, #tpu.memory_space<vmem>>)
      %scan3A_110 = arith.constant 0 : i32
      %scan3A_111 = arith.constant 63 : i32
      %scan3A_112 = arith.addi %scan3A_110, %scan3A_111 : i32
      %scan3A_113 = arith.constant 1 : i32
      %scan3A_114 = scf.for %scan3A_134 = %scan3A_110 to %scan3A_112 step %scan3A_113 iter_args(%scan3A_135 = %scan3A_88) -> (vector<16xf32>)  : i32 {
        %mul3A_136 = arith.constant 16 : i32
        %mul3A_137 = arith.muli %scan3A_134, %mul3A_136 : i32
        %get3A = arith.index_cast %mul3A_137 : i32 to index
        %get3A_138 = tpu.vector_load %arg20[%get3A] {strides = array<i32>} : memref<1008xi32, #tpu.memory_space<vmem>>, vector<16xi32>,
        %gather3A_139 = tpu.vector_load_idx %arg15[%get3A_138] : memref<50176xf32, #tpu.memory_space<vmem>>[vector<16xi32>], vector<16xf32>,
        %get3A_140 = arith.index_cast %mul3A_137 : i32 to index
        %get3A_141 = tpu.vector_load %arg21[%get3A_140] {strides = array<i32>} : memref<1008xi32, #tpu.memory_space<vmem>>, vector<16xi32>,
        %gather3A_142 = tpu.vector_load_idx %arg15[%get3A_141] : memref<50176xf32, #tpu.memory_space<vmem>>[vector<16xi32>], vector<16xf32>,
        %get3A_143 = arith.index_cast %mul3A_137 : i32 to index
        %get3A_144 = tpu.vector_load %arg26[%get3A_143] {strides = array<i32>} : memref<1008xf32, #tpu.memory_space<vmem>>, vector<16xf32>,
        %get3A_145 = arith.index_cast %mul3A_137 : i32 to index
        %get3A_146 = tpu.vector_load %arg27[%get3A_145] {strides = array<i32>} : memref<1008xf32, #tpu.memory_space<vmem>>, vector<16xf32>,
        %get3A_147 = arith.index_cast %mul3A_137 : i32 to index
        %get3A_148 = tpu.vector_load %arg28[%get3A_147] {strides = array<i32>} : memref<1008xf32, #tpu.memory_space<vmem>>, vector<16xf32>,
        %get3A_149 = arith.index_cast %mul3A_137 : i32 to index
        %get3A_150 = tpu.vector_load %arg29[%get3A_149] {strides = array<i32>} : memref<1008xf32, #tpu.memory_space<vmem>>, vector<16xf32>,
        %lt3A = arith.cmpf olt, %get3A_150, %gather3A_17 : vector<16xf32>
        %gt3A = arith.constant 9.99999997E-7 : f32
        %gt3A_151 = vector.broadcast %gt3A : f32 to vector<16xf32>
        %gt3A_152 = arith.cmpf ogt, %get3A_150, %gt3A_151 : vector<16xf32>
        %and3A = arith.andi %lt3A, %gt3A_152 : vector<16xi1>
        %jit3A = arith.constant 1.000000e+00 : f32
        %jit3A_153 = arith.constant 0.000000e+00 : f32
        %broadcast_in_dim3A_154 = vector.broadcast %jit3A : f32 to vector<16xf32>
        %broadcast_in_dim3A_155 = vector.broadcast %jit3A_153 : f32 to vector<16xf32>
        %select_n3A = arith.select %and3A, %broadcast_in_dim3A_154, %broadcast_in_dim3A_155 : vector<16xi1>, vector<16xf32>
        %min3A = arith.minimumf %get3A_150, %gather3A_20 : vector<16xf32>
        %mul3A_156 = arith.mulf %min3A, %gather3A : vector<16xf32>
        %convert_element_type3A = arith.fptosi %mul3A_156 : vector<16xf32> to vector<16xi32>
        %convert_element_type3A_157 = arith.sitofp %convert_element_type3A : vector<16xi32> to vector<16xf32>
        %sub3A = arith.subf %mul3A_156, %convert_element_type3A_157 : vector<16xf32>
        %add3A_158 = arith.constant 1 : i32
        %add3A_159 = vector.broadcast %add3A_158 : i32 to vector<16xi32>
        %add3A_160 = arith.addi %convert_element_type3A, %add3A_159 : vector<16xi32>
        %min3A_161 = arith.constant 8191 : i32
        %min3A_162 = vector.broadcast %min3A_161 : i32 to vector<16xi32>
        %min3A_163 = arith.minsi %add3A_160, %min3A_162 : vector<16xi32>
        %get3A_164 = arith.index_cast %mul3A_137 : i32 to index
        %get3A_165 = tpu.vector_load %arg31[%get3A_164] {strides = array<i32>} : memref<1008xi32, #tpu.memory_space<vmem>>, vector<16xi32>,
        %jit3A_166 = arith.constant 2 : i32
        %div3A = vector.broadcast %jit3A_166 : i32 to vector<16xi32>
        %div3A_167 = arith.divsi %get3A_165, %div3A : vector<16xi32>
        %sign3A = arith.constant 0 : i32
        %sign3A_168 = vector.broadcast %sign3A : i32 to vector<16xi32>
        %sign3A_169 = arith.cmpi sgt, %get3A_165, %sign3A_168 : vector<16xi32>
        %sign3A_170 = arith.extui %sign3A_169 : vector<16xi1> to vector<16xi32>
        %sign3A_171 = arith.constant 0 : i32
        %sign3A_172 = vector.broadcast %sign3A_171 : i32 to vector<16xi32>
        %sign3A_173 = arith.cmpi slt, %get3A_165, %sign3A_172 : vector<16xi32>
        %sign3A_174 = arith.extui %sign3A_173 : vector<16xi1> to vector<16xi32>
        %sign3A_175 = arith.subi %sign3A_170, %sign3A_174 : vector<16xi32>
        %sign3A_176 = arith.constant 0 : i32
        %sign3A_177 = arith.cmpi sgt, %jit3A_166, %sign3A_176 : i32
        %sign3A_178 = arith.extui %sign3A_177 : i1 to i32
        %sign3A_179 = arith.constant 0 : i32
        %sign3A_180 = arith.cmpi slt, %jit3A_166, %sign3A_179 : i32
        %sign3A_181 = arith.extui %sign3A_180 : i1 to i32
        %sign3A_182 = arith.subi %sign3A_178, %sign3A_181 : i32
        %ne3A = vector.broadcast %sign3A_182 : i32 to vector<16xi32>
        %ne3A_183 = arith.cmpi ne, %sign3A_175, %ne3A : vector<16xi32>
        %rem3A = vector.broadcast %jit3A_166 : i32 to vector<16xi32>
        %rem3A_184 = arith.remsi %get3A_165, %rem3A : vector<16xi32>
        %ne3A_185 = arith.constant 0 : i32
        %ne3A_186 = vector.broadcast %ne3A_185 : i32 to vector<16xi32>
        %ne3A_187 = arith.cmpi ne, %rem3A_184, %ne3A_186 : vector<16xi32>
        %and3A_188 = arith.andi %ne3A_183, %ne3A_187 : vector<16xi1>
        %sub3A_189 = arith.constant 1 : i32
        %sub3A_190 = vector.broadcast %sub3A_189 : i32 to vector<16xi32>
        %sub3A_191 = arith.subi %div3A_167, %sub3A_190 : vector<16xi32>
        %select_n3A_192 = arith.select %and3A_188, %sub3A_191, %div3A_167 : vector<16xi1>, vector<16xi32>
        %mul3A_193 = arith.constant 2 : i32
        %mul3A_194 = vector.broadcast %mul3A_193 : i32 to vector<16xi32>
        %mul3A_195 = arith.muli %select_n3A_192, %mul3A_194 : vector<16xi32>
        %sub3A_196 = arith.subi %get3A_165, %mul3A_195 : vector<16xi32>
        %mul3A_197 = arith.constant 8192 : i32
        %mul3A_198 = vector.broadcast %mul3A_197 : i32 to vector<16xi32>
        %mul3A_199 = arith.muli %sub3A_196, %mul3A_198 : vector<16xi32>
        %add3A_200 = arith.addi %mul3A_199, %convert_element_type3A : vector<16xi32>
        %mul3A_201 = arith.constant 8192 : i32
        %mul3A_202 = vector.broadcast %mul3A_201 : i32 to vector<16xi32>
        %mul3A_203 = arith.muli %sub3A_196, %mul3A_202 : vector<16xi32>
        %add3A_204 = arith.addi %mul3A_203, %min3A_163 : vector<16xi32>
        %gather3A_205 = tpu.vector_load_idx %arg16[%add3A_200] : memref<16384xf32, #tpu.memory_space<vmem>>[vector<16xi32>], vector<16xf32>,
        %gather3A_206 = tpu.vector_load_idx %arg16[%add3A_204] : memref<16384xf32, #tpu.memory_space<vmem>>[vector<16xi32>], vector<16xf32>,
        %sub3A_207 = arith.subf %gather3A_206, %gather3A_205 : vector<16xf32>
        %mul3A_208 = arith.mulf %sub3A, %sub3A_207 : vector<16xf32>
        %add3A_209 = arith.addf %gather3A_205, %mul3A_208 : vector<16xf32>
        %mul3A_210 = arith.mulf %add3A_209, %select_n3A : vector<16xf32>
        %mul3A_211 = arith.constant 8192 : i32
        %mul3A_212 = vector.broadcast %mul3A_211 : i32 to vector<16xi32>
        %mul3A_213 = arith.muli %select_n3A_192, %mul3A_212 : vector<16xi32>
        %add3A_214 = arith.addi %mul3A_213, %convert_element_type3A : vector<16xi32>
        %mul3A_215 = arith.constant 8192 : i32
        %mul3A_216 = vector.broadcast %mul3A_215 : i32 to vector<16xi32>
        %mul3A_217 = arith.muli %select_n3A_192, %mul3A_216 : vector<16xi32>
        %add3A_218 = arith.addi %mul3A_217, %min3A_163 : vector<16xi32>
        %gather3A_219 = tpu.vector_load_idx %arg16[%add3A_214] : memref<16384xf32, #tpu.memory_space<vmem>>[vector<16xi32>], vector<16xf32>,
        %gather3A_220 = tpu.vector_load_idx %arg16[%add3A_218] : memref<16384xf32, #tpu.memory_space<vmem>>[vector<16xi32>], vector<16xf32>,
        %sub3A_221 = arith.subf %gather3A_220, %gather3A_219 : vector<16xf32>
        %mul3A_222 = arith.mulf %sub3A, %sub3A_221 : vector<16xf32>
        %add3A_223 = arith.addf %gather3A_219, %mul3A_222 : vector<16xf32>
        %mul3A_224 = arith.mulf %add3A_223, %select_n3A : vector<16xf32>
        %mul3A_225 = arith.constant 8192 : i32
        %mul3A_226 = vector.broadcast %mul3A_225 : i32 to vector<16xi32>
        %mul3A_227 = arith.muli %get3A_165, %mul3A_226 : vector<16xi32>
        %add3A_228 = arith.addi %mul3A_227, %convert_element_type3A : vector<16xi32>
        %add3A_229 = arith.addi %mul3A_227, %min3A_163 : vector<16xi32>
        %gather3A_230 = tpu.vector_load_idx %arg17[%add3A_228] : memref<32768xf32, #tpu.memory_space<vmem>>[vector<16xi32>], vector<16xf32>,
        %gather3A_231 = tpu.vector_load_idx %arg17[%add3A_229] : memref<32768xf32, #tpu.memory_space<vmem>>[vector<16xi32>], vector<16xf32>,
        %sub3A_232 = arith.subf %gather3A_231, %gather3A_230 : vector<16xf32>
        %mul3A_233 = arith.mulf %sub3A, %sub3A_232 : vector<16xf32>
        %add3A_234 = arith.addf %gather3A_230, %mul3A_233 : vector<16xf32>
        %mul3A_235 = arith.mulf %add3A_234, %select_n3A : vector<16xf32>
        %mul3A_236 = arith.mulf %gather3A_139, %mul3A_210 : vector<16xf32>
        %mul3A_237 = arith.mulf %gather3A_142, %mul3A_224 : vector<16xf32>
        %add3A_238 = arith.addf %mul3A_236, %mul3A_237 : vector<16xf32>
        %add3A_239 = arith.addf %add3A_238, %mul3A_235 : vector<16xf32>
        %div3A_240 = arith.divf %add3A_239, %get3A_150 : vector<16xf32>
        %neg3A = arith.constant 0.000000e+00 : f32
        %neg3A_241 = vector.broadcast %neg3A : f32 to vector<16xf32>
        %neg3A_242 = arith.subf %neg3A_241, %div3A_240 : vector<16xf32>
        %mul3A_243 = arith.mulf %neg3A_242, %get3A_144 : vector<16xf32>
        %swap3A_244 = arith.index_cast %mul3A_137 : i32 to index
        %swap3A_245 = tpu.vector_load %arg26[%swap3A_244] {strides = array<i32>} : memref<1008xf32, #tpu.memory_space<vmem>>, vector<16xf32>,
        tpu.vector_store %arg26[%swap3A_244], %mul3A_243 {strides = array<i32>} : memref<1008xf32, #tpu.memory_space<vmem>>, vector<16xf32>,
        %mul3A_246 = arith.mulf %neg3A_242, %get3A_146 : vector<16xf32>
        %swap3A_247 = arith.index_cast %mul3A_137 : i32 to index
        %swap3A_248 = tpu.vector_load %arg27[%swap3A_247] {strides = array<i32>} : memref<1008xf32, #tpu.memory_space<vmem>>, vector<16xf32>,
        tpu.vector_store %arg27[%swap3A_247], %mul3A_246 {strides = array<i32>} : memref<1008xf32, #tpu.memory_space<vmem>>, vector<16xf32>,
        %mul3A_249 = arith.mulf %neg3A_242, %get3A_148 : vector<16xf32>
        %swap3A_250 = arith.index_cast %mul3A_137 : i32 to index
        %swap3A_251 = tpu.vector_load %arg28[%swap3A_250] {strides = array<i32>} : memref<1008xf32, #tpu.memory_space<vmem>>, vector<16xf32>,
        tpu.vector_store %arg28[%swap3A_250], %mul3A_249 {strides = array<i32>} : memref<1008xf32, #tpu.memory_space<vmem>>, vector<16xf32>,
        %mul3A_252 = arith.mulf %add3A_239, %get3A_150 : vector<16xf32>
        %add3A_253 = arith.addf %scan3A_135, %mul3A_252 : vector<16xf32>
        scf.yield %add3A_253 : vector<16xf32>
      }
      %scan3A_115 = arith.constant 63 : i32
      %dma_start3A_116 = arith.constant 0 : i32
      %dma_start3A_117 = tpu.memref_slice %arg35[%dma_start3A_116] : memref<50176xf32, #tpu.memory_space<vmem_shared>> -> memref<50176xf32, #tpu.memory_space<vmem_shared>>
      tpu.enqueue_indirect_dma source(%arg26 : memref<1008xf32, #tpu.memory_space<vmem>>) target(%dma_start3A_117 : memref<50176xf32, #tpu.memory_space<vmem_shared>>) offsets(%arg20 : memref<1008xi32, #tpu.memory_space<vmem>>) semaphore(%arg40 : memref<!tpu.dma_semaphore, #tpu.memory_space<semaphore_mem>>) {add = true}
      %dma_start3A_118 = arith.constant 0 : i32
      %dma_start3A_119 = tpu.memref_slice %arg36[%dma_start3A_118] : memref<50176xf32, #tpu.memory_space<vmem_shared>> -> memref<50176xf32, #tpu.memory_space<vmem_shared>>
      tpu.enqueue_indirect_dma source(%arg27 : memref<1008xf32, #tpu.memory_space<vmem>>) target(%dma_start3A_119 : memref<50176xf32, #tpu.memory_space<vmem_shared>>) offsets(%arg20 : memref<1008xi32, #tpu.memory_space<vmem>>) semaphore(%arg40 : memref<!tpu.dma_semaphore, #tpu.memory_space<semaphore_mem>>) {add = true}
      %dma_start3A_120 = arith.constant 0 : i32
      %dma_start3A_121 = tpu.memref_slice %arg37[%dma_start3A_120] : memref<50176xf32, #tpu.memory_space<vmem_shared>> -> memref<50176xf32, #tpu.memory_space<vmem_shared>>
      tpu.enqueue_indirect_dma source(%arg28 : memref<1008xf32, #tpu.memory_space<vmem>>) target(%dma_start3A_121 : memref<50176xf32, #tpu.memory_space<vmem_shared>>) offsets(%arg20 : memref<1008xi32, #tpu.memory_space<vmem>>) semaphore(%arg40 : memref<!tpu.dma_semaphore, #tpu.memory_space<semaphore_mem>>) {add = true}
      %dma_wait3A_122 = arith.constant 0 : i32
      %dma_wait3A_123 = tpu.memref_slice %arg35[%dma_wait3A_122] : memref<50176xf32, #tpu.memory_space<vmem_shared>> -> memref<50176xf32, #tpu.memory_space<vmem_shared>>
      tpu.wait_indirect_dma semaphore(%arg40 : memref<!tpu.dma_semaphore, #tpu.memory_space<semaphore_mem>>) src(%arg22 : memref<992xf32, #tpu.memory_space<vmem>>) dst(%dma_wait3A_123 : memref<50176xf32, #tpu.memory_space<vmem_shared>>)
      %dma_wait3A_124 = arith.constant 0 : i32
      %dma_wait3A_125 = tpu.memref_slice %arg36[%dma_wait3A_124] : memref<50176xf32, #tpu.memory_space<vmem_shared>> -> memref<50176xf32, #tpu.memory_space<vmem_shared>>
      tpu.wait_indirect_dma semaphore(%arg40 : memref<!tpu.dma_semaphore, #tpu.memory_space<semaphore_mem>>) src(%arg23 : memref<992xf32, #tpu.memory_space<vmem>>) dst(%dma_wait3A_125 : memref<50176xf32, #tpu.memory_space<vmem_shared>>)
      %dma_wait3A_126 = arith.constant 0 : i32
      %dma_wait3A_127 = tpu.memref_slice %arg37[%dma_wait3A_126] : memref<50176xf32, #tpu.memory_space<vmem_shared>> -> memref<50176xf32, #tpu.memory_space<vmem_shared>>
      tpu.wait_indirect_dma semaphore(%arg40 : memref<!tpu.dma_semaphore, #tpu.memory_space<semaphore_mem>>) src(%arg24 : memref<992xf32, #tpu.memory_space<vmem>>) dst(%dma_wait3A_127 : memref<50176xf32, #tpu.memory_space<vmem_shared>>)
      %dma_wait3A_128 = arith.constant 0 : i32
      %dma_wait3A_129 = tpu.memref_slice %arg35[%dma_wait3A_128] : memref<50176xf32, #tpu.memory_space<vmem_shared>> -> memref<50176xf32, #tpu.memory_space<vmem_shared>>
      tpu.wait_indirect_dma semaphore(%arg40 : memref<!tpu.dma_semaphore, #tpu.memory_space<semaphore_mem>>) src(%arg26 : memref<1008xf32, #tpu.memory_space<vmem>>) dst(%dma_wait3A_129 : memref<50176xf32, #tpu.memory_space<vmem_shared>>)
      %dma_wait3A_130 = arith.constant 0 : i32
      %dma_wait3A_131 = tpu.memref_slice %arg36[%dma_wait3A_130] : memref<50176xf32, #tpu.memory_space<vmem_shared>> -> memref<50176xf32, #tpu.memory_space<vmem_shared>>
      tpu.wait_indirect_dma semaphore(%arg40 : memref<!tpu.dma_semaphore, #tpu.memory_space<semaphore_mem>>) src(%arg27 : memref<1008xf32, #tpu.memory_space<vmem>>) dst(%dma_wait3A_131 : memref<50176xf32, #tpu.memory_space<vmem_shared>>)
      %dma_wait3A_132 = arith.constant 0 : i32
      %dma_wait3A_133 = tpu.memref_slice %arg37[%dma_wait3A_132] : memref<50176xf32, #tpu.memory_space<vmem_shared>> -> memref<50176xf32, #tpu.memory_space<vmem_shared>>
      tpu.wait_indirect_dma semaphore(%arg40 : memref<!tpu.dma_semaphore, #tpu.memory_space<semaphore_mem>>) src(%arg28 : memref<1008xf32, #tpu.memory_space<vmem>>) dst(%dma_wait3A_133 : memref<50176xf32, #tpu.memory_space<vmem_shared>>)
      scf.yield %scan3A_114 : vector<16xf32>
    }
    %scan3A_30 = arith.constant 25 : i32
    %barrier3A_31 = arith.constant 0 : index
    tpu.barrier barrier_id(%barrier3A_31)
    %run_scoped3A = arith.constant 0 : i32
    "tpu.region"() ({
      %run_scoped3A_35 = tpu.sem_alloc : memref<!tpu.dma_semaphore, #tpu.memory_space<semaphore_mem>>
      %dma_start3A = tpu.memref_slice %arg13[%arg0, %run_scoped3A, %mul3A_7] : memref<2x3x50176xf32, #tpu.memory_space<hbm>> -> memref<1x1x3136xf32, #tpu.memory_space<hbm>>
      %dma_start3A_36 = tpu.memref_squeeze %dma_start3A : memref<1x1x3136xf32, #tpu.memory_space<hbm>> -> memref<3136xf32, #tpu.memory_space<hbm>>
      %dma_start3A_37 = tpu.memref_slice %arg35[%mul3A_7] : memref<50176xf32, #tpu.memory_space<vmem_shared>> -> memref<3136xf32, #tpu.memory_space<vmem_shared>>
      tpu.enqueue_dma source(%dma_start3A_37 : memref<3136xf32, #tpu.memory_space<vmem_shared>>) target(%dma_start3A_36 : memref<3136xf32, #tpu.memory_space<hbm>>) target_semaphore(%run_scoped3A_35 : memref<!tpu.dma_semaphore, #tpu.memory_space<semaphore_mem>>)
      %dma_wait3A = tpu.memref_slice %arg13[%arg0, %run_scoped3A, %mul3A_7] : memref<2x3x50176xf32, #tpu.memory_space<hbm>> -> memref<1x1x3136xf32, #tpu.memory_space<hbm>>
      %dma_wait3A_38 = tpu.memref_squeeze %dma_wait3A : memref<1x1x3136xf32, #tpu.memory_space<hbm>> -> memref<3136xf32, #tpu.memory_space<hbm>>
      %dma_wait3A_39 = tpu.memref_slice %arg35[%mul3A_7] : memref<50176xf32, #tpu.memory_space<vmem_shared>> -> memref<3136xf32, #tpu.memory_space<vmem_shared>>
      tpu.wait_dma2 semaphore(%run_scoped3A_35 : memref<!tpu.dma_semaphore, #tpu.memory_space<semaphore_mem>>) src(%dma_wait3A_39 : memref<3136xf32, #tpu.memory_space<vmem_shared>>) dst(%dma_wait3A_38 : memref<3136xf32, #tpu.memory_space<hbm>>)
      tpu.yield
    }) : () -> ()
    %run_scoped3A_32 = arith.constant 1 : i32
    "tpu.region"() ({
      %run_scoped3A_35 = tpu.sem_alloc : memref<!tpu.dma_semaphore, #tpu.memory_space<semaphore_mem>>
      %dma_start3A = tpu.memref_slice %arg13[%arg0, %run_scoped3A_32, %mul3A_7] : memref<2x3x50176xf32, #tpu.memory_space<hbm>> -> memref<1x1x3136xf32, #tpu.memory_space<hbm>>
      %dma_start3A_36 = tpu.memref_squeeze %dma_start3A : memref<1x1x3136xf32, #tpu.memory_space<hbm>> -> memref<3136xf32, #tpu.memory_space<hbm>>
      %dma_start3A_37 = tpu.memref_slice %arg36[%mul3A_7] : memref<50176xf32, #tpu.memory_space<vmem_shared>> -> memref<3136xf32, #tpu.memory_space<vmem_shared>>
      tpu.enqueue_dma source(%dma_start3A_37 : memref<3136xf32, #tpu.memory_space<vmem_shared>>) target(%dma_start3A_36 : memref<3136xf32, #tpu.memory_space<hbm>>) target_semaphore(%run_scoped3A_35 : memref<!tpu.dma_semaphore, #tpu.memory_space<semaphore_mem>>)
      %dma_wait3A = tpu.memref_slice %arg13[%arg0, %run_scoped3A_32, %mul3A_7] : memref<2x3x50176xf32, #tpu.memory_space<hbm>> -> memref<1x1x3136xf32, #tpu.memory_space<hbm>>
      %dma_wait3A_38 = tpu.memref_squeeze %dma_wait3A : memref<1x1x3136xf32, #tpu.memory_space<hbm>> -> memref<3136xf32, #tpu.memory_space<hbm>>
      %dma_wait3A_39 = tpu.memref_slice %arg36[%mul3A_7] : memref<50176xf32, #tpu.memory_space<vmem_shared>> -> memref<3136xf32, #tpu.memory_space<vmem_shared>>
      tpu.wait_dma2 semaphore(%run_scoped3A_35 : memref<!tpu.dma_semaphore, #tpu.memory_space<semaphore_mem>>) src(%dma_wait3A_39 : memref<3136xf32, #tpu.memory_space<vmem_shared>>) dst(%dma_wait3A_38 : memref<3136xf32, #tpu.memory_space<hbm>>)
      tpu.yield
    }) : () -> ()
    %run_scoped3A_33 = arith.constant 2 : i32
    "tpu.region"() ({
      %run_scoped3A_35 = tpu.sem_alloc : memref<!tpu.dma_semaphore, #tpu.memory_space<semaphore_mem>>
      %dma_start3A = tpu.memref_slice %arg13[%arg0, %run_scoped3A_33, %mul3A_7] : memref<2x3x50176xf32, #tpu.memory_space<hbm>> -> memref<1x1x3136xf32, #tpu.memory_space<hbm>>
      %dma_start3A_36 = tpu.memref_squeeze %dma_start3A : memref<1x1x3136xf32, #tpu.memory_space<hbm>> -> memref<3136xf32, #tpu.memory_space<hbm>>
      %dma_start3A_37 = tpu.memref_slice %arg37[%mul3A_7] : memref<50176xf32, #tpu.memory_space<vmem_shared>> -> memref<3136xf32, #tpu.memory_space<vmem_shared>>
      tpu.enqueue_dma source(%dma_start3A_37 : memref<3136xf32, #tpu.memory_space<vmem_shared>>) target(%dma_start3A_36 : memref<3136xf32, #tpu.memory_space<hbm>>) target_semaphore(%run_scoped3A_35 : memref<!tpu.dma_semaphore, #tpu.memory_space<semaphore_mem>>)
      %dma_wait3A = tpu.memref_slice %arg13[%arg0, %run_scoped3A_33, %mul3A_7] : memref<2x3x50176xf32, #tpu.memory_space<hbm>> -> memref<1x1x3136xf32, #tpu.memory_space<hbm>>
      %dma_wait3A_38 = tpu.memref_squeeze %dma_wait3A : memref<1x1x3136xf32, #tpu.memory_space<hbm>> -> memref<3136xf32, #tpu.memory_space<hbm>>
      %dma_wait3A_39 = tpu.memref_slice %arg37[%mul3A_7] : memref<50176xf32, #tpu.memory_space<vmem_shared>> -> memref<3136xf32, #tpu.memory_space<vmem_shared>>
      tpu.wait_dma2 semaphore(%run_scoped3A_35 : memref<!tpu.dma_semaphore, #tpu.memory_space<semaphore_mem>>) src(%dma_wait3A_39 : memref<3136xf32, #tpu.memory_space<vmem_shared>>) dst(%dma_wait3A_38 : memref<3136xf32, #tpu.memory_space<hbm>>)
      tpu.yield
    }) : () -> ()
    %swap3A = arith.constant 0 : index
    %swap3A_34 = tpu.vector_load %arg34[%swap3A] {strides = array<i32>} : memref<16xf32, #tpu.memory_space<vmem>>, vector<16xf32>,
    tpu.vector_store %arg34[%swap3A], %scan3A_29 {strides = array<i32>} : memref<16xf32, #tpu.memory_space<vmem>>, vector<16xf32>,
    "tpu.region"() ({
      %run_scoped3A_35 = tpu.sem_alloc : memref<!tpu.dma_semaphore, #tpu.memory_space<semaphore_mem>>
      %dma_start3A = arith.constant 0 : i32
      %dma_start3A_36 = tpu.memref_slice %arg14[%add3A, %dma_start3A] : memref<32x16xf32, #tpu.memory_space<hbm>> -> memref<1x16xf32, #tpu.memory_space<hbm>>
      %dma_start3A_37 = tpu.memref_squeeze %dma_start3A_36 : memref<1x16xf32, #tpu.memory_space<hbm>> -> memref<16xf32, #tpu.memory_space<hbm>>
      %dma_start3A_38 = arith.constant 0 : i32
      %dma_start3A_39 = tpu.memref_slice %arg14[%add3A, %dma_start3A_38] : memref<32x16xf32, #tpu.memory_space<hbm>> -> memref<1x16xf32, #tpu.memory_space<hbm>>
      %dma_start3A_40 = tpu.memref_squeeze %dma_start3A_39 : memref<1x16xf32, #tpu.memory_space<hbm>> -> memref<16xf32, #tpu.memory_space<hbm>>
      tpu.enqueue_dma source(%arg34 : memref<16xf32, #tpu.memory_space<vmem>>) target(%dma_start3A_40 : memref<16xf32, #tpu.memory_space<hbm>>) target_semaphore(%run_scoped3A_35 : memref<!tpu.dma_semaphore, #tpu.memory_space<semaphore_mem>>)
      %dma_wait3A = arith.constant 0 : i32
      %dma_wait3A_41 = tpu.memref_slice %arg14[%add3A, %dma_wait3A] : memref<32x16xf32, #tpu.memory_space<hbm>> -> memref<1x16xf32, #tpu.memory_space<hbm>>
      %dma_wait3A_42 = tpu.memref_squeeze %dma_wait3A_41 : memref<1x16xf32, #tpu.memory_space<hbm>> -> memref<16xf32, #tpu.memory_space<hbm>>
      %dma_wait3A_43 = arith.constant 0 : i32
      %dma_wait3A_44 = tpu.memref_slice %arg14[%add3A, %dma_wait3A_43] : memref<32x16xf32, #tpu.memory_space<hbm>> -> memref<1x16xf32, #tpu.memory_space<hbm>>
      %dma_wait3A_45 = tpu.memref_squeeze %dma_wait3A_44 : memref<1x16xf32, #tpu.memory_space<hbm>> -> memref<16xf32, #tpu.memory_space<hbm>>
      tpu.wait_dma2 semaphore(%run_scoped3A_35 : memref<!tpu.dma_semaphore, #tpu.memory_space<semaphore_mem>>) src(%arg34 : memref<16xf32, #tpu.memory_space<vmem>>) dst(%dma_wait3A_45 : memref<16xf32, #tpu.memory_space<hbm>>)
      tpu.yield
    }) : () -> ()
    return
  }
}

#map = affine_map<(d0, d1) -> (0)>
#map1 = affine_map<(d0, d1) -> (0, 0)>
module attributes {stable_mosaic.version = 14 : i64} {
  func.func @pass_a(%arg0: i32, %arg1: i32, %arg2: memref<1600000xi32, #tpu.memory_space<hbm>>, %arg3: memref<1600000xi32, #tpu.memory_space<hbm>>, %arg4: memref<50000xf32, #tpu.memory_space<hbm>>, %arg5: memref<50000xf32, #tpu.memory_space<hbm>>, %arg6: memref<50000xf32, #tpu.memory_space<hbm>>, %arg7: memref<16384xf32, #tpu.memory_space<hbm>>, %arg8: memref<32768xf32, #tpu.memory_space<hbm>>, %arg9: memref<16xf32, #tpu.memory_space<hbm>>, %arg10: memref<32x50176xf32, #tpu.memory_space<hbm>>, %arg11: memref<1600000xf32, #tpu.memory_space<hbm>>, %arg12: memref<1600000xf32, #tpu.memory_space<hbm>>, %arg13: memref<1600000xf32, #tpu.memory_space<hbm>>, %arg14: memref<1600000xf32, #tpu.memory_space<hbm>>, %arg15: memref<1600000xi32, #tpu.memory_space<hbm>>, %arg16: memref<32x16xf32, #tpu.memory_space<hbm>>, %arg17: memref<16384xf32, #tpu.memory_space<vmem>>, %arg18: memref<32768xf32, #tpu.memory_space<vmem>>, %arg19: memref<50176xf32, #tpu.memory_space<vmem>>, %arg20: memref<992xi32, #tpu.memory_space<vmem>>, %arg21: memref<1008xi32, #tpu.memory_space<vmem>>, %arg22: memref<992xi32, #tpu.memory_space<vmem>>, %arg23: memref<1008xi32, #tpu.memory_space<vmem>>, %arg24: memref<992xf32, #tpu.memory_space<vmem>>, %arg25: memref<992xf32, #tpu.memory_space<vmem>>, %arg26: memref<992xf32, #tpu.memory_space<vmem>>, %arg27: memref<992xf32, #tpu.memory_space<vmem>>, %arg28: memref<992xf32, #tpu.memory_space<vmem>>, %arg29: memref<992xf32, #tpu.memory_space<vmem>>, %arg30: memref<1008xf32, #tpu.memory_space<vmem>>, %arg31: memref<1008xf32, #tpu.memory_space<vmem>>, %arg32: memref<1008xf32, #tpu.memory_space<vmem>>, %arg33: memref<1008xf32, #tpu.memory_space<vmem>>, %arg34: memref<1008xf32, #tpu.memory_space<vmem>>, %arg35: memref<1008xf32, #tpu.memory_space<vmem>>, %arg36: memref<992xf32, #tpu.memory_space<vmem>>, %arg37: memref<1008xf32, #tpu.memory_space<vmem>>, %arg38: memref<992xi32, #tpu.memory_space<vmem>>, %arg39: memref<1008xi32, #tpu.memory_space<vmem>>, %arg40: memref<16xf32, #tpu.memory_space<vmem>>, %arg41: memref<16xf32, #tpu.memory_space<vmem>>, %arg42: memref<!tpu.dma_semaphore, #tpu.memory_space<semaphore_mem>>, %arg43: memref<!tpu.dma_semaphore, #tpu.memory_space<semaphore_mem>>, %arg44: memref<!tpu.dma_semaphore, #tpu.memory_space<semaphore_mem>>, %arg45: memref<!tpu.dma_semaphore, #tpu.memory_space<semaphore_mem>>) attributes {dimension_semantics = [#tpu.dimension_semantics<core_parallel>, #tpu.dimension_semantics<subcore_parallel>], iteration_bounds = array<i64: 2, 16>, scalar_prefetch = 0 : i64, scratch_operands = 29 : i64, tpu.core_type = #tpu.core_type<sc_vector_subcore>, window_params = [{transform_indices = #map}, {transform_indices = #map}, {transform_indices = #map}, {transform_indices = #map}, {transform_indices = #map}, {transform_indices = #map}, {transform_indices = #map}, {transform_indices = #map}, {transform_indices = #map1}, {transform_indices = #map}, {transform_indices = #map}, {transform_indices = #map}, {transform_indices = #map}, {transform_indices = #map}, {transform_indices = #map1}]} {
    %mul3A = arith.constant 16 : i32
    %mul3A_0 = arith.muli %arg0, %mul3A : i32
    %add3A = arith.addi %mul3A_0, %arg1 : i32
    "tpu.region"() ({
      %run_scoped3A = tpu.sem_alloc : memref<!tpu.dma_semaphore, #tpu.memory_space<semaphore_mem>>
      tpu.enqueue_dma source(%arg7 : memref<16384xf32, #tpu.memory_space<hbm>>) target(%arg17 : memref<16384xf32, #tpu.memory_space<vmem>>) target_semaphore(%run_scoped3A : memref<!tpu.dma_semaphore, #tpu.memory_space<semaphore_mem>>)
      tpu.wait_dma2 semaphore(%run_scoped3A : memref<!tpu.dma_semaphore, #tpu.memory_space<semaphore_mem>>) src(%arg7 : memref<16384xf32, #tpu.memory_space<hbm>>) dst(%arg17 : memref<16384xf32, #tpu.memory_space<vmem>>)
      tpu.yield
    }) : () -> ()
    "tpu.region"() ({
      %run_scoped3A = tpu.sem_alloc : memref<!tpu.dma_semaphore, #tpu.memory_space<semaphore_mem>>
      tpu.enqueue_dma source(%arg8 : memref<32768xf32, #tpu.memory_space<hbm>>) target(%arg18 : memref<32768xf32, #tpu.memory_space<vmem>>) target_semaphore(%run_scoped3A : memref<!tpu.dma_semaphore, #tpu.memory_space<semaphore_mem>>)
      tpu.wait_dma2 semaphore(%run_scoped3A : memref<!tpu.dma_semaphore, #tpu.memory_space<semaphore_mem>>) src(%arg8 : memref<32768xf32, #tpu.memory_space<hbm>>) dst(%arg18 : memref<32768xf32, #tpu.memory_space<vmem>>)
      tpu.yield
    }) : () -> ()
    "tpu.region"() ({
      %run_scoped3A = tpu.sem_alloc : memref<!tpu.dma_semaphore, #tpu.memory_space<semaphore_mem>>
      tpu.enqueue_dma source(%arg9 : memref<16xf32, #tpu.memory_space<hbm>>) target(%arg40 : memref<16xf32, #tpu.memory_space<vmem>>) target_semaphore(%run_scoped3A : memref<!tpu.dma_semaphore, #tpu.memory_space<semaphore_mem>>)
      tpu.wait_dma2 semaphore(%run_scoped3A : memref<!tpu.dma_semaphore, #tpu.memory_space<semaphore_mem>>) src(%arg9 : memref<16xf32, #tpu.memory_space<hbm>>) dst(%arg40 : memref<16xf32, #tpu.memory_space<vmem>>)
      tpu.yield
    }) : () -> ()
    %scan3A = arith.constant 0 : i32
    %scan3A_1 = arith.constant 0 : i32
    %scan3A_2 = arith.constant 3136 : i32
    %scan3A_3 = arith.addi %scan3A_1, %scan3A_2 : i32
    %scan3A_4 = arith.constant 1 : i32
    scf.for %scan3A_30 = %scan3A_1 to %scan3A_3 step %scan3A_4  : i32 {
      %broadcast_in_dim3A_31 = arith.constant 0.000000e+00 : f32
      %broadcast_in_dim3A_32 = vector.broadcast %broadcast_in_dim3A_31 : f32 to vector<16xf32>
      %mul3A_33 = arith.constant 16 : i32
      %mul3A_34 = arith.muli %scan3A_30, %mul3A_33 : i32
      %swap3A_35 = arith.index_cast %mul3A_34 : i32 to index
      %swap3A_36 = tpu.vector_load %arg19[%swap3A_35] {strides = array<i32>} : memref<50176xf32, #tpu.memory_space<vmem>>, vector<16xf32>,
      tpu.vector_store %arg19[%swap3A_35], %broadcast_in_dim3A_32 {strides = array<i32>} : memref<50176xf32, #tpu.memory_space<vmem>>, vector<16xf32>,
    }
    %scan3A_5 = arith.constant 3136 : i32
    %broadcast_in_dim3A = arith.constant 1 : i32
    %broadcast_in_dim3A_6 = vector.broadcast %broadcast_in_dim3A : i32 to vector<16xi32>
    %gather3A = tpu.vector_load_idx %arg40[%broadcast_in_dim3A_6] : memref<16xf32, #tpu.memory_space<vmem>>[vector<16xi32>], vector<16xf32>,
    %broadcast_in_dim3A_7 = arith.constant 2 : i32
    %broadcast_in_dim3A_8 = vector.broadcast %broadcast_in_dim3A_7 : i32 to vector<16xi32>
    %gather3A_9 = tpu.vector_load_idx %arg40[%broadcast_in_dim3A_8] : memref<16xf32, #tpu.memory_space<vmem>>[vector<16xi32>], vector<16xf32>,
    %broadcast_in_dim3A_10 = arith.constant 3 : i32
    %broadcast_in_dim3A_11 = vector.broadcast %broadcast_in_dim3A_10 : i32 to vector<16xi32>
    %gather3A_12 = tpu.vector_load_idx %arg40[%broadcast_in_dim3A_11] : memref<16xf32, #tpu.memory_space<vmem>>[vector<16xi32>], vector<16xf32>,
    %broadcast_in_dim3A_13 = arith.constant 4 : i32
    %broadcast_in_dim3A_14 = vector.broadcast %broadcast_in_dim3A_13 : i32 to vector<16xi32>
    %gather3A_15 = tpu.vector_load_idx %arg40[%broadcast_in_dim3A_14] : memref<16xf32, #tpu.memory_space<vmem>>[vector<16xi32>], vector<16xf32>,
    %broadcast_in_dim3A_16 = arith.constant 5 : i32
    %broadcast_in_dim3A_17 = vector.broadcast %broadcast_in_dim3A_16 : i32 to vector<16xi32>
    %gather3A_18 = tpu.vector_load_idx %arg40[%broadcast_in_dim3A_17] : memref<16xf32, #tpu.memory_space<vmem>>[vector<16xi32>], vector<16xf32>,
    %mul3A_19 = arith.constant 50000 : i32
    %mul3A_20 = arith.muli %add3A, %mul3A_19 : i32
    %broadcast_in_dim3A_21 = arith.constant 0.000000e+00 : f32
    %broadcast_in_dim3A_22 = vector.broadcast %broadcast_in_dim3A_21 : f32 to vector<16xf32>
    %scan3A_23 = arith.constant 0 : i32
    %scan3A_24 = arith.constant 25 : i32
    %scan3A_25 = arith.addi %scan3A_23, %scan3A_24 : i32
    %scan3A_26 = arith.constant 1 : i32
    %scan3A_27 = scf.for %scan3A_30 = %scan3A_23 to %scan3A_25 step %scan3A_26 iter_args(%scan3A_31 = %broadcast_in_dim3A_22) -> (vector<16xf32>)  : i32 {
      %mul3A_32 = arith.constant 2000 : i32
      %mul3A_33 = arith.muli %scan3A_30, %mul3A_32 : i32
      %add3A_34 = arith.addi %mul3A_20, %mul3A_33 : i32
      %add3A_35 = arith.constant 0 : i32
      %add3A_36 = arith.addi %add3A_34, %add3A_35 : i32
      %dma_start3A = tpu.memref_slice %arg2[%add3A_36] : memref<1600000xi32, #tpu.memory_space<hbm>> -> memref<992xi32, #tpu.memory_space<hbm>>
      %dma_start3A_37 = tpu.memref_slice %arg2[%add3A_36] : memref<1600000xi32, #tpu.memory_space<hbm>> -> memref<992xi32, #tpu.memory_space<hbm>>
      tpu.enqueue_dma source(%dma_start3A_37 : memref<992xi32, #tpu.memory_space<hbm>>) target(%arg20 : memref<992xi32, #tpu.memory_space<vmem>>) target_semaphore(%arg42 : memref<!tpu.dma_semaphore, #tpu.memory_space<semaphore_mem>>)
      %add3A_38 = arith.constant 0 : i32
      %add3A_39 = arith.addi %add3A_34, %add3A_38 : i32
      %dma_start3A_40 = tpu.memref_slice %arg3[%add3A_39] : memref<1600000xi32, #tpu.memory_space<hbm>> -> memref<992xi32, #tpu.memory_space<hbm>>
      %dma_start3A_41 = tpu.memref_slice %arg3[%add3A_39] : memref<1600000xi32, #tpu.memory_space<hbm>> -> memref<992xi32, #tpu.memory_space<hbm>>
      tpu.enqueue_dma source(%dma_start3A_41 : memref<992xi32, #tpu.memory_space<hbm>>) target(%arg22 : memref<992xi32, #tpu.memory_space<vmem>>) target_semaphore(%arg42 : memref<!tpu.dma_semaphore, #tpu.memory_space<semaphore_mem>>)
      %add3A_42 = arith.constant 992 : i32
      %add3A_43 = arith.addi %add3A_34, %add3A_42 : i32
      %dma_start3A_44 = tpu.memref_slice %arg2[%add3A_43] : memref<1600000xi32, #tpu.memory_space<hbm>> -> memref<1008xi32, #tpu.memory_space<hbm>>
      %dma_start3A_45 = tpu.memref_slice %arg2[%add3A_43] : memref<1600000xi32, #tpu.memory_space<hbm>> -> memref<1008xi32, #tpu.memory_space<hbm>>
      tpu.enqueue_dma source(%dma_start3A_45 : memref<1008xi32, #tpu.memory_space<hbm>>) target(%arg21 : memref<1008xi32, #tpu.memory_space<vmem>>) target_semaphore(%arg42 : memref<!tpu.dma_semaphore, #tpu.memory_space<semaphore_mem>>)
      %add3A_46 = arith.constant 992 : i32
      %add3A_47 = arith.addi %add3A_34, %add3A_46 : i32
      %dma_start3A_48 = tpu.memref_slice %arg3[%add3A_47] : memref<1600000xi32, #tpu.memory_space<hbm>> -> memref<1008xi32, #tpu.memory_space<hbm>>
      %dma_start3A_49 = tpu.memref_slice %arg3[%add3A_47] : memref<1600000xi32, #tpu.memory_space<hbm>> -> memref<1008xi32, #tpu.memory_space<hbm>>
      tpu.enqueue_dma source(%dma_start3A_49 : memref<1008xi32, #tpu.memory_space<hbm>>) target(%arg23 : memref<1008xi32, #tpu.memory_space<vmem>>) target_semaphore(%arg42 : memref<!tpu.dma_semaphore, #tpu.memory_space<semaphore_mem>>)
      %dma_wait3A = tpu.memref_slice %arg2[%add3A_36] : memref<1600000xi32, #tpu.memory_space<hbm>> -> memref<992xi32, #tpu.memory_space<hbm>>
      %dma_wait3A_50 = tpu.memref_slice %arg2[%add3A_36] : memref<1600000xi32, #tpu.memory_space<hbm>> -> memref<992xi32, #tpu.memory_space<hbm>>
      tpu.wait_dma2 semaphore(%arg42 : memref<!tpu.dma_semaphore, #tpu.memory_space<semaphore_mem>>) src(%dma_wait3A_50 : memref<992xi32, #tpu.memory_space<hbm>>) dst(%arg20 : memref<992xi32, #tpu.memory_space<vmem>>)
      %dma_wait3A_51 = tpu.memref_slice %arg3[%add3A_39] : memref<1600000xi32, #tpu.memory_space<hbm>> -> memref<992xi32, #tpu.memory_space<hbm>>
      %dma_wait3A_52 = tpu.memref_slice %arg3[%add3A_39] : memref<1600000xi32, #tpu.memory_space<hbm>> -> memref<992xi32, #tpu.memory_space<hbm>>
      tpu.wait_dma2 semaphore(%arg42 : memref<!tpu.dma_semaphore, #tpu.memory_space<semaphore_mem>>) src(%dma_wait3A_52 : memref<992xi32, #tpu.memory_space<hbm>>) dst(%arg22 : memref<992xi32, #tpu.memory_space<vmem>>)
      %dma_wait3A_53 = tpu.memref_slice %arg2[%add3A_43] : memref<1600000xi32, #tpu.memory_space<hbm>> -> memref<1008xi32, #tpu.memory_space<hbm>>
      %dma_wait3A_54 = tpu.memref_slice %arg2[%add3A_43] : memref<1600000xi32, #tpu.memory_space<hbm>> -> memref<1008xi32, #tpu.memory_space<hbm>>
      tpu.wait_dma2 semaphore(%arg42 : memref<!tpu.dma_semaphore, #tpu.memory_space<semaphore_mem>>) src(%dma_wait3A_54 : memref<1008xi32, #tpu.memory_space<hbm>>) dst(%arg21 : memref<1008xi32, #tpu.memory_space<vmem>>)
      %dma_wait3A_55 = tpu.memref_slice %arg3[%add3A_47] : memref<1600000xi32, #tpu.memory_space<hbm>> -> memref<1008xi32, #tpu.memory_space<hbm>>
      %dma_wait3A_56 = tpu.memref_slice %arg3[%add3A_47] : memref<1600000xi32, #tpu.memory_space<hbm>> -> memref<1008xi32, #tpu.memory_space<hbm>>
      tpu.wait_dma2 semaphore(%arg42 : memref<!tpu.dma_semaphore, #tpu.memory_space<semaphore_mem>>) src(%dma_wait3A_56 : memref<1008xi32, #tpu.memory_space<hbm>>) dst(%arg23 : memref<1008xi32, #tpu.memory_space<vmem>>)
      %dma_start3A_57 = arith.constant 0 : i32
      %dma_start3A_58 = tpu.memref_slice %arg4[%dma_start3A_57] : memref<50000xf32, #tpu.memory_space<hbm>> -> memref<50000xf32, #tpu.memory_space<hbm>>
      tpu.enqueue_indirect_dma source(%dma_start3A_58 : memref<50000xf32, #tpu.memory_space<hbm>>) target(%arg24 : memref<992xf32, #tpu.memory_space<vmem>>) offsets(%arg20 : memref<992xi32, #tpu.memory_space<vmem>>) semaphore(%arg43 : memref<!tpu.dma_semaphore, #tpu.memory_space<semaphore_mem>>)
      %dma_start3A_59 = arith.constant 0 : i32
      %dma_start3A_60 = tpu.memref_slice %arg5[%dma_start3A_59] : memref<50000xf32, #tpu.memory_space<hbm>> -> memref<50000xf32, #tpu.memory_space<hbm>>
      tpu.enqueue_indirect_dma source(%dma_start3A_60 : memref<50000xf32, #tpu.memory_space<hbm>>) target(%arg25 : memref<992xf32, #tpu.memory_space<vmem>>) offsets(%arg20 : memref<992xi32, #tpu.memory_space<vmem>>) semaphore(%arg43 : memref<!tpu.dma_semaphore, #tpu.memory_space<semaphore_mem>>)
      %dma_start3A_61 = arith.constant 0 : i32
      %dma_start3A_62 = tpu.memref_slice %arg6[%dma_start3A_61] : memref<50000xf32, #tpu.memory_space<hbm>> -> memref<50000xf32, #tpu.memory_space<hbm>>
      tpu.enqueue_indirect_dma source(%dma_start3A_62 : memref<50000xf32, #tpu.memory_space<hbm>>) target(%arg26 : memref<992xf32, #tpu.memory_space<vmem>>) offsets(%arg20 : memref<992xi32, #tpu.memory_space<vmem>>) semaphore(%arg43 : memref<!tpu.dma_semaphore, #tpu.memory_space<semaphore_mem>>)
      %dma_start3A_63 = arith.constant 0 : i32
      %dma_start3A_64 = tpu.memref_slice %arg4[%dma_start3A_63] : memref<50000xf32, #tpu.memory_space<hbm>> -> memref<50000xf32, #tpu.memory_space<hbm>>
      tpu.enqueue_indirect_dma source(%dma_start3A_64 : memref<50000xf32, #tpu.memory_space<hbm>>) target(%arg27 : memref<992xf32, #tpu.memory_space<vmem>>) offsets(%arg22 : memref<992xi32, #tpu.memory_space<vmem>>) semaphore(%arg43 : memref<!tpu.dma_semaphore, #tpu.memory_space<semaphore_mem>>)
      %dma_start3A_65 = arith.constant 0 : i32
      %dma_start3A_66 = tpu.memref_slice %arg5[%dma_start3A_65] : memref<50000xf32, #tpu.memory_space<hbm>> -> memref<50000xf32, #tpu.memory_space<hbm>>
      tpu.enqueue_indirect_dma source(%dma_start3A_66 : memref<50000xf32, #tpu.memory_space<hbm>>) target(%arg28 : memref<992xf32, #tpu.memory_space<vmem>>) offsets(%arg22 : memref<992xi32, #tpu.memory_space<vmem>>) semaphore(%arg43 : memref<!tpu.dma_semaphore, #tpu.memory_space<semaphore_mem>>)
      %dma_start3A_67 = arith.constant 0 : i32
      %dma_start3A_68 = tpu.memref_slice %arg6[%dma_start3A_67] : memref<50000xf32, #tpu.memory_space<hbm>> -> memref<50000xf32, #tpu.memory_space<hbm>>
      tpu.enqueue_indirect_dma source(%dma_start3A_68 : memref<50000xf32, #tpu.memory_space<hbm>>) target(%arg29 : memref<992xf32, #tpu.memory_space<vmem>>) offsets(%arg22 : memref<992xi32, #tpu.memory_space<vmem>>) semaphore(%arg43 : memref<!tpu.dma_semaphore, #tpu.memory_space<semaphore_mem>>)
      %dma_start3A_69 = arith.constant 0 : i32
      %dma_start3A_70 = tpu.memref_slice %arg4[%dma_start3A_69] : memref<50000xf32, #tpu.memory_space<hbm>> -> memref<50000xf32, #tpu.memory_space<hbm>>
      tpu.enqueue_indirect_dma source(%dma_start3A_70 : memref<50000xf32, #tpu.memory_space<hbm>>) target(%arg30 : memref<1008xf32, #tpu.memory_space<vmem>>) offsets(%arg21 : memref<1008xi32, #tpu.memory_space<vmem>>) semaphore(%arg44 : memref<!tpu.dma_semaphore, #tpu.memory_space<semaphore_mem>>)
      %dma_start3A_71 = arith.constant 0 : i32
      %dma_start3A_72 = tpu.memref_slice %arg5[%dma_start3A_71] : memref<50000xf32, #tpu.memory_space<hbm>> -> memref<50000xf32, #tpu.memory_space<hbm>>
      tpu.enqueue_indirect_dma source(%dma_start3A_72 : memref<50000xf32, #tpu.memory_space<hbm>>) target(%arg31 : memref<1008xf32, #tpu.memory_space<vmem>>) offsets(%arg21 : memref<1008xi32, #tpu.memory_space<vmem>>) semaphore(%arg44 : memref<!tpu.dma_semaphore, #tpu.memory_space<semaphore_mem>>)
      %dma_start3A_73 = arith.constant 0 : i32
      %dma_start3A_74 = tpu.memref_slice %arg6[%dma_start3A_73] : memref<50000xf32, #tpu.memory_space<hbm>> -> memref<50000xf32, #tpu.memory_space<hbm>>
      tpu.enqueue_indirect_dma source(%dma_start3A_74 : memref<50000xf32, #tpu.memory_space<hbm>>) target(%arg32 : memref<1008xf32, #tpu.memory_space<vmem>>) offsets(%arg21 : memref<1008xi32, #tpu.memory_space<vmem>>) semaphore(%arg44 : memref<!tpu.dma_semaphore, #tpu.memory_space<semaphore_mem>>)
      %dma_start3A_75 = arith.constant 0 : i32
      %dma_start3A_76 = tpu.memref_slice %arg4[%dma_start3A_75] : memref<50000xf32, #tpu.memory_space<hbm>> -> memref<50000xf32, #tpu.memory_space<hbm>>
      tpu.enqueue_indirect_dma source(%dma_start3A_76 : memref<50000xf32, #tpu.memory_space<hbm>>) target(%arg33 : memref<1008xf32, #tpu.memory_space<vmem>>) offsets(%arg23 : memref<1008xi32, #tpu.memory_space<vmem>>) semaphore(%arg44 : memref<!tpu.dma_semaphore, #tpu.memory_space<semaphore_mem>>)
      %dma_start3A_77 = arith.constant 0 : i32
      %dma_start3A_78 = tpu.memref_slice %arg5[%dma_start3A_77] : memref<50000xf32, #tpu.memory_space<hbm>> -> memref<50000xf32, #tpu.memory_space<hbm>>
      tpu.enqueue_indirect_dma source(%dma_start3A_78 : memref<50000xf32, #tpu.memory_space<hbm>>) target(%arg34 : memref<1008xf32, #tpu.memory_space<vmem>>) offsets(%arg23 : memref<1008xi32, #tpu.memory_space<vmem>>) semaphore(%arg44 : memref<!tpu.dma_semaphore, #tpu.memory_space<semaphore_mem>>)
      %dma_start3A_79 = arith.constant 0 : i32
      %dma_start3A_80 = tpu.memref_slice %arg6[%dma_start3A_79] : memref<50000xf32, #tpu.memory_space<hbm>> -> memref<50000xf32, #tpu.memory_space<hbm>>
      tpu.enqueue_indirect_dma source(%dma_start3A_80 : memref<50000xf32, #tpu.memory_space<hbm>>) target(%arg35 : memref<1008xf32, #tpu.memory_space<vmem>>) offsets(%arg23 : memref<1008xi32, #tpu.memory_space<vmem>>) semaphore(%arg44 : memref<!tpu.dma_semaphore, #tpu.memory_space<semaphore_mem>>)
      %dma_wait3A_81 = arith.constant 0 : i32
      %dma_wait3A_82 = tpu.memref_slice %arg4[%dma_wait3A_81] : memref<50000xf32, #tpu.memory_space<hbm>> -> memref<50000xf32, #tpu.memory_space<hbm>>
      tpu.wait_indirect_dma semaphore(%arg43 : memref<!tpu.dma_semaphore, #tpu.memory_space<semaphore_mem>>) src(%dma_wait3A_82 : memref<50000xf32, #tpu.memory_space<hbm>>) dst(%arg24 : memref<992xf32, #tpu.memory_space<vmem>>)
      %dma_wait3A_83 = arith.constant 0 : i32
      %dma_wait3A_84 = tpu.memref_slice %arg5[%dma_wait3A_83] : memref<50000xf32, #tpu.memory_space<hbm>> -> memref<50000xf32, #tpu.memory_space<hbm>>
      tpu.wait_indirect_dma semaphore(%arg43 : memref<!tpu.dma_semaphore, #tpu.memory_space<semaphore_mem>>) src(%dma_wait3A_84 : memref<50000xf32, #tpu.memory_space<hbm>>) dst(%arg25 : memref<992xf32, #tpu.memory_space<vmem>>)
      %dma_wait3A_85 = arith.constant 0 : i32
      %dma_wait3A_86 = tpu.memref_slice %arg6[%dma_wait3A_85] : memref<50000xf32, #tpu.memory_space<hbm>> -> memref<50000xf32, #tpu.memory_space<hbm>>
      tpu.wait_indirect_dma semaphore(%arg43 : memref<!tpu.dma_semaphore, #tpu.memory_space<semaphore_mem>>) src(%dma_wait3A_86 : memref<50000xf32, #tpu.memory_space<hbm>>) dst(%arg26 : memref<992xf32, #tpu.memory_space<vmem>>)
      %dma_wait3A_87 = arith.constant 0 : i32
      %dma_wait3A_88 = tpu.memref_slice %arg4[%dma_wait3A_87] : memref<50000xf32, #tpu.memory_space<hbm>> -> memref<50000xf32, #tpu.memory_space<hbm>>
      tpu.wait_indirect_dma semaphore(%arg43 : memref<!tpu.dma_semaphore, #tpu.memory_space<semaphore_mem>>) src(%dma_wait3A_88 : memref<50000xf32, #tpu.memory_space<hbm>>) dst(%arg27 : memref<992xf32, #tpu.memory_space<vmem>>)
      %dma_wait3A_89 = arith.constant 0 : i32
      %dma_wait3A_90 = tpu.memref_slice %arg5[%dma_wait3A_89] : memref<50000xf32, #tpu.memory_space<hbm>> -> memref<50000xf32, #tpu.memory_space<hbm>>
      tpu.wait_indirect_dma semaphore(%arg43 : memref<!tpu.dma_semaphore, #tpu.memory_space<semaphore_mem>>) src(%dma_wait3A_90 : memref<50000xf32, #tpu.memory_space<hbm>>) dst(%arg28 : memref<992xf32, #tpu.memory_space<vmem>>)
      %dma_wait3A_91 = arith.constant 0 : i32
      %dma_wait3A_92 = tpu.memref_slice %arg6[%dma_wait3A_91] : memref<50000xf32, #tpu.memory_space<hbm>> -> memref<50000xf32, #tpu.memory_space<hbm>>
      tpu.wait_indirect_dma semaphore(%arg43 : memref<!tpu.dma_semaphore, #tpu.memory_space<semaphore_mem>>) src(%dma_wait3A_92 : memref<50000xf32, #tpu.memory_space<hbm>>) dst(%arg29 : memref<992xf32, #tpu.memory_space<vmem>>)
      %scan3A_93 = arith.constant 0 : i32
      %scan3A_94 = arith.constant 62 : i32
      %scan3A_95 = arith.addi %scan3A_93, %scan3A_94 : i32
      %scan3A_96 = arith.constant 1 : i32
      %scan3A_97 = scf.for %scan3A_161 = %scan3A_93 to %scan3A_95 step %scan3A_96 iter_args(%scan3A_162 = %scan3A_31) -> (vector<16xf32>)  : i32 {
        %mul3A_163 = arith.constant 16 : i32
        %mul3A_164 = arith.muli %scan3A_161, %mul3A_163 : i32
        %get3A = arith.index_cast %mul3A_164 : i32 to index
        %get3A_165 = tpu.vector_load %arg24[%get3A] {strides = array<i32>} : memref<992xf32, #tpu.memory_space<vmem>>, vector<16xf32>,
        %get3A_166 = arith.index_cast %mul3A_164 : i32 to index
        %get3A_167 = tpu.vector_load %arg27[%get3A_166] {strides = array<i32>} : memref<992xf32, #tpu.memory_space<vmem>>, vector<16xf32>,
        %mul3A_168 = arith.constant 6.250000e-02 : f32
        %mul3A_169 = vector.broadcast %mul3A_168 : f32 to vector<16xf32>
        %mul3A_170 = arith.mulf %get3A_165, %mul3A_169 : vector<16xf32>
        %convert_element_type3A = arith.fptosi %mul3A_170 : vector<16xf32> to vector<16xi32>
        %mul3A_171 = arith.constant 6.250000e-02 : f32
        %mul3A_172 = vector.broadcast %mul3A_171 : f32 to vector<16xf32>
        %mul3A_173 = arith.mulf %get3A_167, %mul3A_172 : vector<16xf32>
        %convert_element_type3A_174 = arith.fptosi %mul3A_173 : vector<16xf32> to vector<16xi32>
        %convert_element_type3A_175 = arith.sitofp %convert_element_type3A : vector<16xi32> to vector<16xf32>
        %mul3A_176 = arith.constant 1.600000e+01 : f32
        %mul3A_177 = vector.broadcast %mul3A_176 : f32 to vector<16xf32>
        %mul3A_178 = arith.mulf %convert_element_type3A_175, %mul3A_177 : vector<16xf32>
        %sub3A = arith.subf %get3A_165, %mul3A_178 : vector<16xf32>
        %convert_element_type3A_179 = arith.sitofp %convert_element_type3A_174 : vector<16xi32> to vector<16xf32>
        %mul3A_180 = arith.constant 1.600000e+01 : f32
        %mul3A_181 = vector.broadcast %mul3A_180 : f32 to vector<16xf32>
        %mul3A_182 = arith.mulf %convert_element_type3A_179, %mul3A_181 : vector<16xf32>
        %sub3A_183 = arith.subf %get3A_167, %mul3A_182 : vector<16xf32>
        %get3A_184 = arith.index_cast %mul3A_164 : i32 to index
        %get3A_185 = tpu.vector_load %arg25[%get3A_184] {strides = array<i32>} : memref<992xf32, #tpu.memory_space<vmem>>, vector<16xf32>,
        %get3A_186 = arith.index_cast %mul3A_164 : i32 to index
        %get3A_187 = tpu.vector_load %arg28[%get3A_186] {strides = array<i32>} : memref<992xf32, #tpu.memory_space<vmem>>, vector<16xf32>,
        %get3A_188 = arith.index_cast %mul3A_164 : i32 to index
        %get3A_189 = tpu.vector_load %arg26[%get3A_188] {strides = array<i32>} : memref<992xf32, #tpu.memory_space<vmem>>, vector<16xf32>,
        %get3A_190 = arith.index_cast %mul3A_164 : i32 to index
        %get3A_191 = tpu.vector_load %arg29[%get3A_190] {strides = array<i32>} : memref<992xf32, #tpu.memory_space<vmem>>, vector<16xf32>,
        %sub3A_192 = arith.subf %sub3A, %sub3A_183 : vector<16xf32>
        %gt3A = arith.cmpf ogt, %sub3A_192, %gather3A_9 : vector<16xf32>
        %jit3A = arith.constant 0.000000e+00 : f32
        %broadcast_in_dim3A_193 = vector.broadcast %jit3A : f32 to vector<16xf32>
        %select_n3A = arith.select %gt3A, %gather3A, %broadcast_in_dim3A_193 : vector<16xi1>, vector<16xf32>
        %sub3A_194 = arith.subf %sub3A_192, %select_n3A : vector<16xf32>
        %neg3A = arith.constant 0.000000e+00 : f32
        %neg3A_195 = vector.broadcast %neg3A : f32 to vector<16xf32>
        %neg3A_196 = arith.subf %neg3A_195, %gather3A_9 : vector<16xf32>
        %lt3A = arith.cmpf olt, %sub3A_194, %neg3A_196 : vector<16xf32>
        %jit3A_197 = arith.constant 0.000000e+00 : f32
        %broadcast_in_dim3A_198 = vector.broadcast %jit3A_197 : f32 to vector<16xf32>
        %select_n3A_199 = arith.select %lt3A, %gather3A, %broadcast_in_dim3A_198 : vector<16xi1>, vector<16xf32>
        %add3A_200 = arith.addf %sub3A_194, %select_n3A_199 : vector<16xf32>
        %sub3A_201 = arith.subf %get3A_185, %get3A_187 : vector<16xf32>
        %gt3A_202 = arith.cmpf ogt, %sub3A_201, %gather3A_9 : vector<16xf32>
        %jit3A_203 = arith.constant 0.000000e+00 : f32
        %broadcast_in_dim3A_204 = vector.broadcast %jit3A_203 : f32 to vector<16xf32>
        %select_n3A_205 = arith.select %gt3A_202, %gather3A, %broadcast_in_dim3A_204 : vector<16xi1>, vector<16xf32>
        %sub3A_206 = arith.subf %sub3A_201, %select_n3A_205 : vector<16xf32>
        %neg3A_207 = arith.constant 0.000000e+00 : f32
        %neg3A_208 = vector.broadcast %neg3A_207 : f32 to vector<16xf32>
        %neg3A_209 = arith.subf %neg3A_208, %gather3A_9 : vector<16xf32>
        %lt3A_210 = arith.cmpf olt, %sub3A_206, %neg3A_209 : vector<16xf32>
        %jit3A_211 = arith.constant 0.000000e+00 : f32
        %broadcast_in_dim3A_212 = vector.broadcast %jit3A_211 : f32 to vector<16xf32>
        %select_n3A_213 = arith.select %lt3A_210, %gather3A, %broadcast_in_dim3A_212 : vector<16xi1>, vector<16xf32>
        %add3A_214 = arith.addf %sub3A_206, %select_n3A_213 : vector<16xf32>
        %sub3A_215 = arith.subf %get3A_189, %get3A_191 : vector<16xf32>
        %gt3A_216 = arith.cmpf ogt, %sub3A_215, %gather3A_9 : vector<16xf32>
        %jit3A_217 = arith.constant 0.000000e+00 : f32
        %broadcast_in_dim3A_218 = vector.broadcast %jit3A_217 : f32 to vector<16xf32>
        %select_n3A_219 = arith.select %gt3A_216, %gather3A, %broadcast_in_dim3A_218 : vector<16xi1>, vector<16xf32>
        %sub3A_220 = arith.subf %sub3A_215, %select_n3A_219 : vector<16xf32>
        %neg3A_221 = arith.constant 0.000000e+00 : f32
        %neg3A_222 = vector.broadcast %neg3A_221 : f32 to vector<16xf32>
        %neg3A_223 = arith.subf %neg3A_222, %gather3A_9 : vector<16xf32>
        %lt3A_224 = arith.cmpf olt, %sub3A_220, %neg3A_223 : vector<16xf32>
        %jit3A_225 = arith.constant 0.000000e+00 : f32
        %broadcast_in_dim3A_226 = vector.broadcast %jit3A_225 : f32 to vector<16xf32>
        %select_n3A_227 = arith.select %lt3A_224, %gather3A, %broadcast_in_dim3A_226 : vector<16xi1>, vector<16xf32>
        %add3A_228 = arith.addf %sub3A_220, %select_n3A_227 : vector<16xf32>
        %mul3A_229 = arith.mulf %add3A_200, %add3A_200 : vector<16xf32>
        %mul3A_230 = arith.mulf %add3A_214, %add3A_214 : vector<16xf32>
        %add3A_231 = arith.addf %mul3A_229, %mul3A_230 : vector<16xf32>
        %mul3A_232 = arith.mulf %add3A_228, %add3A_228 : vector<16xf32>
        %add3A_233 = arith.addf %add3A_231, %mul3A_232 : vector<16xf32>
        %add3A_234 = arith.constant 9.99999996E-13 : f32
        %add3A_235 = vector.broadcast %add3A_234 : f32 to vector<16xf32>
        %add3A_236 = arith.addf %add3A_233, %add3A_235 : vector<16xf32>
        %bitcast3A = vector.bitcast %add3A_236 : vector<16xf32> to vector<16xi32>
        %shift_right_arithmetic3A = arith.constant 1 : i32
        %shift_right_arithmetic3A_237 = vector.broadcast %shift_right_arithmetic3A : i32 to vector<16xi32>
        %shift_right_arithmetic3A_238 = arith.shrsi %bitcast3A, %shift_right_arithmetic3A_237 : vector<16xi32>
        %sub3A_239 = arith.constant 1597463007 : i32
        %sub3A_240 = vector.broadcast %sub3A_239 : i32 to vector<16xi32>
        %sub3A_241 = arith.subi %sub3A_240, %shift_right_arithmetic3A_238 : vector<16xi32>
        %bitcast3A_242 = vector.bitcast %sub3A_241 : vector<16xi32> to vector<16xf32>
        %mul3A_243 = arith.constant 5.000000e-01 : f32
        %mul3A_244 = vector.broadcast %mul3A_243 : f32 to vector<16xf32>
        %mul3A_245 = arith.mulf %mul3A_244, %add3A_236 : vector<16xf32>
        %mul3A_246 = arith.mulf %mul3A_245, %bitcast3A_242 : vector<16xf32>
        %mul3A_247 = arith.mulf %mul3A_246, %bitcast3A_242 : vector<16xf32>
        %sub3A_248 = arith.constant 1.500000e+00 : f32
        %sub3A_249 = vector.broadcast %sub3A_248 : f32 to vector<16xf32>
        %sub3A_250 = arith.subf %sub3A_249, %mul3A_247 : vector<16xf32>
        %mul3A_251 = arith.mulf %bitcast3A_242, %sub3A_250 : vector<16xf32>
        %mul3A_252 = arith.constant 5.000000e-01 : f32
        %mul3A_253 = vector.broadcast %mul3A_252 : f32 to vector<16xf32>
        %mul3A_254 = arith.mulf %mul3A_253, %add3A_236 : vector<16xf32>
        %mul3A_255 = arith.mulf %mul3A_254, %mul3A_251 : vector<16xf32>
        %mul3A_256 = arith.mulf %mul3A_255, %mul3A_251 : vector<16xf32>
        %sub3A_257 = arith.constant 1.500000e+00 : f32
        %sub3A_258 = vector.broadcast %sub3A_257 : f32 to vector<16xf32>
        %sub3A_259 = arith.subf %sub3A_258, %mul3A_256 : vector<16xf32>
        %mul3A_260 = arith.mulf %mul3A_251, %sub3A_259 : vector<16xf32>
        %mul3A_261 = arith.constant 5.000000e-01 : f32
        %mul3A_262 = vector.broadcast %mul3A_261 : f32 to vector<16xf32>
        %mul3A_263 = arith.mulf %mul3A_262, %add3A_236 : vector<16xf32>
        %mul3A_264 = arith.mulf %mul3A_263, %mul3A_260 : vector<16xf32>
        %mul3A_265 = arith.mulf %mul3A_264, %mul3A_260 : vector<16xf32>
        %sub3A_266 = arith.constant 1.500000e+00 : f32
        %sub3A_267 = vector.broadcast %sub3A_266 : f32 to vector<16xf32>
        %sub3A_268 = arith.subf %sub3A_267, %mul3A_265 : vector<16xf32>
        %mul3A_269 = arith.mulf %mul3A_260, %sub3A_268 : vector<16xf32>
        %mul3A_270 = arith.mulf %add3A_236, %mul3A_269 : vector<16xf32>
        %lt3A_271 = arith.cmpf olt, %mul3A_270, %gather3A_15 : vector<16xf32>
        %gt3A_272 = arith.constant 9.99999997E-7 : f32
        %gt3A_273 = vector.broadcast %gt3A_272 : f32 to vector<16xf32>
        %gt3A_274 = arith.cmpf ogt, %mul3A_270, %gt3A_273 : vector<16xf32>
        %and3A = arith.andi %lt3A_271, %gt3A_274 : vector<16xi1>
        %jit3A_275 = arith.constant 1.000000e+00 : f32
        %jit3A_276 = arith.constant 0.000000e+00 : f32
        %broadcast_in_dim3A_277 = vector.broadcast %jit3A_275 : f32 to vector<16xf32>
        %broadcast_in_dim3A_278 = vector.broadcast %jit3A_276 : f32 to vector<16xf32>
        %select_n3A_279 = arith.select %and3A, %broadcast_in_dim3A_277, %broadcast_in_dim3A_278 : vector<16xi1>, vector<16xf32>
        %min3A = arith.minimumf %mul3A_270, %gather3A_18 : vector<16xf32>
        %mul3A_280 = arith.mulf %min3A, %gather3A_12 : vector<16xf32>
        %convert_element_type3A_281 = arith.fptosi %mul3A_280 : vector<16xf32> to vector<16xi32>
        %convert_element_type3A_282 = arith.sitofp %convert_element_type3A_281 : vector<16xi32> to vector<16xf32>
        %sub3A_283 = arith.subf %mul3A_280, %convert_element_type3A_282 : vector<16xf32>
        %add3A_284 = arith.constant 1 : i32
        %add3A_285 = vector.broadcast %add3A_284 : i32 to vector<16xi32>
        %add3A_286 = arith.addi %convert_element_type3A_281, %add3A_285 : vector<16xi32>
        %min3A_287 = arith.constant 8191 : i32
        %min3A_288 = vector.broadcast %min3A_287 : i32 to vector<16xi32>
        %min3A_289 = arith.minsi %add3A_286, %min3A_288 : vector<16xi32>
        %mul3A_290 = arith.constant 8192 : i32
        %mul3A_291 = vector.broadcast %mul3A_290 : i32 to vector<16xi32>
        %mul3A_292 = arith.muli %convert_element_type3A_174, %mul3A_291 : vector<16xi32>
        %add3A_293 = arith.addi %mul3A_292, %convert_element_type3A_281 : vector<16xi32>
        %mul3A_294 = arith.constant 8192 : i32
        %mul3A_295 = vector.broadcast %mul3A_294 : i32 to vector<16xi32>
        %mul3A_296 = arith.muli %convert_element_type3A_174, %mul3A_295 : vector<16xi32>
        %add3A_297 = arith.addi %mul3A_296, %min3A_289 : vector<16xi32>
        %gather3A_298 = tpu.vector_load_idx %arg17[%add3A_293] : memref<16384xf32, #tpu.memory_space<vmem>>[vector<16xi32>], vector<16xf32>,
        %gather3A_299 = tpu.vector_load_idx %arg17[%add3A_297] : memref<16384xf32, #tpu.memory_space<vmem>>[vector<16xi32>], vector<16xf32>,
        %sub3A_300 = arith.subf %gather3A_299, %gather3A_298 : vector<16xf32>
        %mul3A_301 = arith.mulf %sub3A_283, %sub3A_300 : vector<16xf32>
        %add3A_302 = arith.addf %gather3A_298, %mul3A_301 : vector<16xf32>
        %mul3A_303 = arith.mulf %add3A_302, %select_n3A_279 : vector<16xf32>
        %get3A_304 = arith.index_cast %mul3A_164 : i32 to index
        %get3A_305 = tpu.vector_load %arg20[%get3A_304] {strides = array<i32>} : memref<992xi32, #tpu.memory_space<vmem>>, vector<16xi32>,
        tpu.vector_store_idx %arg19[%get3A_305], %mul3A_303 {add = true} : memref<50176xf32, #tpu.memory_space<vmem>>[vector<16xi32>], vector<16xf32>,
        %mul3A_306 = arith.constant 2 : i32
        %mul3A_307 = vector.broadcast %mul3A_306 : i32 to vector<16xi32>
        %mul3A_308 = arith.muli %convert_element_type3A, %mul3A_307 : vector<16xi32>
        %add3A_309 = arith.addi %mul3A_308, %convert_element_type3A_174 : vector<16xi32>
        %mul3A_310 = arith.constant 8192 : i32
        %mul3A_311 = vector.broadcast %mul3A_310 : i32 to vector<16xi32>
        %mul3A_312 = arith.muli %add3A_309, %mul3A_311 : vector<16xi32>
        %add3A_313 = arith.addi %mul3A_312, %convert_element_type3A_281 : vector<16xi32>
        %add3A_314 = arith.addi %mul3A_312, %min3A_289 : vector<16xi32>
        %gather3A_315 = tpu.vector_load_idx %arg18[%add3A_313] : memref<32768xf32, #tpu.memory_space<vmem>>[vector<16xi32>], vector<16xf32>,
        %gather3A_316 = tpu.vector_load_idx %arg18[%add3A_314] : memref<32768xf32, #tpu.memory_space<vmem>>[vector<16xi32>], vector<16xf32>,
        %sub3A_317 = arith.subf %gather3A_316, %gather3A_315 : vector<16xf32>
        %mul3A_318 = arith.mulf %sub3A_283, %sub3A_317 : vector<16xf32>
        %add3A_319 = arith.addf %gather3A_315, %mul3A_318 : vector<16xf32>
        %mul3A_320 = arith.mulf %add3A_319, %select_n3A_279 : vector<16xf32>
        %swap3A_321 = arith.index_cast %mul3A_164 : i32 to index
        %swap3A_322 = tpu.vector_load %arg24[%swap3A_321] {strides = array<i32>} : memref<992xf32, #tpu.memory_space<vmem>>, vector<16xf32>,
        tpu.vector_store %arg24[%swap3A_321], %add3A_200 {strides = array<i32>} : memref<992xf32, #tpu.memory_space<vmem>>, vector<16xf32>,
        %swap3A_323 = arith.index_cast %mul3A_164 : i32 to index
        %swap3A_324 = tpu.vector_load %arg25[%swap3A_323] {strides = array<i32>} : memref<992xf32, #tpu.memory_space<vmem>>, vector<16xf32>,
        tpu.vector_store %arg25[%swap3A_323], %add3A_214 {strides = array<i32>} : memref<992xf32, #tpu.memory_space<vmem>>, vector<16xf32>,
        %swap3A_325 = arith.index_cast %mul3A_164 : i32 to index
        %swap3A_326 = tpu.vector_load %arg26[%swap3A_325] {strides = array<i32>} : memref<992xf32, #tpu.memory_space<vmem>>, vector<16xf32>,
        tpu.vector_store %arg26[%swap3A_325], %add3A_228 {strides = array<i32>} : memref<992xf32, #tpu.memory_space<vmem>>, vector<16xf32>,
        %swap3A_327 = arith.index_cast %mul3A_164 : i32 to index
        %swap3A_328 = tpu.vector_load %arg36[%swap3A_327] {strides = array<i32>} : memref<992xf32, #tpu.memory_space<vmem>>, vector<16xf32>,
        tpu.vector_store %arg36[%swap3A_327], %mul3A_270 {strides = array<i32>} : memref<992xf32, #tpu.memory_space<vmem>>, vector<16xf32>,
        %mul3A_329 = arith.constant 2 : i32
        %mul3A_330 = vector.broadcast %mul3A_329 : i32 to vector<16xi32>
        %mul3A_331 = arith.muli %convert_element_type3A, %mul3A_330 : vector<16xi32>
        %add3A_332 = arith.addi %mul3A_331, %convert_element_type3A_174 : vector<16xi32>
        %swap3A_333 = arith.index_cast %mul3A_164 : i32 to index
        %swap3A_334 = tpu.vector_load %arg38[%swap3A_333] {strides = array<i32>} : memref<992xi32, #tpu.memory_space<vmem>>, vector<16xi32>,
        tpu.vector_store %arg38[%swap3A_333], %add3A_332 {strides = array<i32>} : memref<992xi32, #tpu.memory_space<vmem>>, vector<16xi32>,
        %add3A_335 = arith.addf %scan3A_162, %mul3A_320 : vector<16xf32>
        scf.yield %add3A_335 : vector<16xf32>
      }
      %scan3A_98 = arith.constant 62 : i32
      %add3A_99 = arith.constant 0 : i32
      %add3A_100 = arith.addi %add3A_34, %add3A_99 : i32
      %dma_start3A_101 = tpu.memref_slice %arg11[%add3A_100] : memref<1600000xf32, #tpu.memory_space<hbm>> -> memref<992xf32, #tpu.memory_space<hbm>>
      %dma_start3A_102 = tpu.memref_slice %arg11[%add3A_100] : memref<1600000xf32, #tpu.memory_space<hbm>> -> memref<992xf32, #tpu.memory_space<hbm>>
      tpu.enqueue_dma source(%arg24 : memref<992xf32, #tpu.memory_space<vmem>>) target(%dma_start3A_102 : memref<992xf32, #tpu.memory_space<hbm>>) target_semaphore(%arg45 : memref<!tpu.dma_semaphore, #tpu.memory_space<semaphore_mem>>)
      %dma_start3A_103 = tpu.memref_slice %arg12[%add3A_100] : memref<1600000xf32, #tpu.memory_space<hbm>> -> memref<992xf32, #tpu.memory_space<hbm>>
      %dma_start3A_104 = tpu.memref_slice %arg12[%add3A_100] : memref<1600000xf32, #tpu.memory_space<hbm>> -> memref<992xf32, #tpu.memory_space<hbm>>
      tpu.enqueue_dma source(%arg25 : memref<992xf32, #tpu.memory_space<vmem>>) target(%dma_start3A_104 : memref<992xf32, #tpu.memory_space<hbm>>) target_semaphore(%arg45 : memref<!tpu.dma_semaphore, #tpu.memory_space<semaphore_mem>>)
      %dma_start3A_105 = tpu.memref_slice %arg13[%add3A_100] : memref<1600000xf32, #tpu.memory_space<hbm>> -> memref<992xf32, #tpu.memory_space<hbm>>
      %dma_start3A_106 = tpu.memref_slice %arg13[%add3A_100] : memref<1600000xf32, #tpu.memory_space<hbm>> -> memref<992xf32, #tpu.memory_space<hbm>>
      tpu.enqueue_dma source(%arg26 : memref<992xf32, #tpu.memory_space<vmem>>) target(%dma_start3A_106 : memref<992xf32, #tpu.memory_space<hbm>>) target_semaphore(%arg45 : memref<!tpu.dma_semaphore, #tpu.memory_space<semaphore_mem>>)
      %dma_start3A_107 = tpu.memref_slice %arg14[%add3A_100] : memref<1600000xf32, #tpu.memory_space<hbm>> -> memref<992xf32, #tpu.memory_space<hbm>>
      %dma_start3A_108 = tpu.memref_slice %arg14[%add3A_100] : memref<1600000xf32, #tpu.memory_space<hbm>> -> memref<992xf32, #tpu.memory_space<hbm>>
      tpu.enqueue_dma source(%arg36 : memref<992xf32, #tpu.memory_space<vmem>>) target(%dma_start3A_108 : memref<992xf32, #tpu.memory_space<hbm>>) target_semaphore(%arg45 : memref<!tpu.dma_semaphore, #tpu.memory_space<semaphore_mem>>)
      %dma_start3A_109 = tpu.memref_slice %arg15[%add3A_100] : memref<1600000xi32, #tpu.memory_space<hbm>> -> memref<992xi32, #tpu.memory_space<hbm>>
      %dma_start3A_110 = tpu.memref_slice %arg15[%add3A_100] : memref<1600000xi32, #tpu.memory_space<hbm>> -> memref<992xi32, #tpu.memory_space<hbm>>
      tpu.enqueue_dma source(%arg38 : memref<992xi32, #tpu.memory_space<vmem>>) target(%dma_start3A_110 : memref<992xi32, #tpu.memory_space<hbm>>) target_semaphore(%arg45 : memref<!tpu.dma_semaphore, #tpu.memory_space<semaphore_mem>>)
      %dma_wait3A_111 = arith.constant 0 : i32
      %dma_wait3A_112 = tpu.memref_slice %arg4[%dma_wait3A_111] : memref<50000xf32, #tpu.memory_space<hbm>> -> memref<50000xf32, #tpu.memory_space<hbm>>
      tpu.wait_indirect_dma semaphore(%arg44 : memref<!tpu.dma_semaphore, #tpu.memory_space<semaphore_mem>>) src(%dma_wait3A_112 : memref<50000xf32, #tpu.memory_space<hbm>>) dst(%arg30 : memref<1008xf32, #tpu.memory_space<vmem>>)
      %dma_wait3A_113 = arith.constant 0 : i32
      %dma_wait3A_114 = tpu.memref_slice %arg5[%dma_wait3A_113] : memref<50000xf32, #tpu.memory_space<hbm>> -> memref<50000xf32, #tpu.memory_space<hbm>>
      tpu.wait_indirect_dma semaphore(%arg44 : memref<!tpu.dma_semaphore, #tpu.memory_space<semaphore_mem>>) src(%dma_wait3A_114 : memref<50000xf32, #tpu.memory_space<hbm>>) dst(%arg31 : memref<1008xf32, #tpu.memory_space<vmem>>)
      %dma_wait3A_115 = arith.constant 0 : i32
      %dma_wait3A_116 = tpu.memref_slice %arg6[%dma_wait3A_115] : memref<50000xf32, #tpu.memory_space<hbm>> -> memref<50000xf32, #tpu.memory_space<hbm>>
      tpu.wait_indirect_dma semaphore(%arg44 : memref<!tpu.dma_semaphore, #tpu.memory_space<semaphore_mem>>) src(%dma_wait3A_116 : memref<50000xf32, #tpu.memory_space<hbm>>) dst(%arg32 : memref<1008xf32, #tpu.memory_space<vmem>>)
      %dma_wait3A_117 = arith.constant 0 : i32
      %dma_wait3A_118 = tpu.memref_slice %arg4[%dma_wait3A_117] : memref<50000xf32, #tpu.memory_space<hbm>> -> memref<50000xf32, #tpu.memory_space<hbm>>
      tpu.wait_indirect_dma semaphore(%arg44 : memref<!tpu.dma_semaphore, #tpu.memory_space<semaphore_mem>>) src(%dma_wait3A_118 : memref<50000xf32, #tpu.memory_space<hbm>>) dst(%arg33 : memref<1008xf32, #tpu.memory_space<vmem>>)
      %dma_wait3A_119 = arith.constant 0 : i32
      %dma_wait3A_120 = tpu.memref_slice %arg5[%dma_wait3A_119] : memref<50000xf32, #tpu.memory_space<hbm>> -> memref<50000xf32, #tpu.memory_space<hbm>>
      tpu.wait_indirect_dma semaphore(%arg44 : memref<!tpu.dma_semaphore, #tpu.memory_space<semaphore_mem>>) src(%dma_wait3A_120 : memref<50000xf32, #tpu.memory_space<hbm>>) dst(%arg34 : memref<1008xf32, #tpu.memory_space<vmem>>)
      %dma_wait3A_121 = arith.constant 0 : i32
      %dma_wait3A_122 = tpu.memref_slice %arg6[%dma_wait3A_121] : memref<50000xf32, #tpu.memory_space<hbm>> -> memref<50000xf32, #tpu.memory_space<hbm>>
      tpu.wait_indirect_dma semaphore(%arg44 : memref<!tpu.dma_semaphore, #tpu.memory_space<semaphore_mem>>) src(%dma_wait3A_122 : memref<50000xf32, #tpu.memory_space<hbm>>) dst(%arg35 : memref<1008xf32, #tpu.memory_space<vmem>>)
      %scan3A_123 = arith.constant 0 : i32
      %scan3A_124 = arith.constant 63 : i32
      %scan3A_125 = arith.addi %scan3A_123, %scan3A_124 : i32
      %scan3A_126 = arith.constant 1 : i32
      %scan3A_127 = scf.for %scan3A_161 = %scan3A_123 to %scan3A_125 step %scan3A_126 iter_args(%scan3A_162 = %scan3A_97) -> (vector<16xf32>)  : i32 {
        %mul3A_163 = arith.constant 16 : i32
        %mul3A_164 = arith.muli %scan3A_161, %mul3A_163 : i32
        %get3A = arith.index_cast %mul3A_164 : i32 to index
        %get3A_165 = tpu.vector_load %arg30[%get3A] {strides = array<i32>} : memref<1008xf32, #tpu.memory_space<vmem>>, vector<16xf32>,
        %get3A_166 = arith.index_cast %mul3A_164 : i32 to index
        %get3A_167 = tpu.vector_load %arg33[%get3A_166] {strides = array<i32>} : memref<1008xf32, #tpu.memory_space<vmem>>, vector<16xf32>,
        %mul3A_168 = arith.constant 6.250000e-02 : f32
        %mul3A_169 = vector.broadcast %mul3A_168 : f32 to vector<16xf32>
        %mul3A_170 = arith.mulf %get3A_165, %mul3A_169 : vector<16xf32>
        %convert_element_type3A = arith.fptosi %mul3A_170 : vector<16xf32> to vector<16xi32>
        %mul3A_171 = arith.constant 6.250000e-02 : f32
        %mul3A_172 = vector.broadcast %mul3A_171 : f32 to vector<16xf32>
        %mul3A_173 = arith.mulf %get3A_167, %mul3A_172 : vector<16xf32>
        %convert_element_type3A_174 = arith.fptosi %mul3A_173 : vector<16xf32> to vector<16xi32>
        %convert_element_type3A_175 = arith.sitofp %convert_element_type3A : vector<16xi32> to vector<16xf32>
        %mul3A_176 = arith.constant 1.600000e+01 : f32
        %mul3A_177 = vector.broadcast %mul3A_176 : f32 to vector<16xf32>
        %mul3A_178 = arith.mulf %convert_element_type3A_175, %mul3A_177 : vector<16xf32>
        %sub3A = arith.subf %get3A_165, %mul3A_178 : vector<16xf32>
        %convert_element_type3A_179 = arith.sitofp %convert_element_type3A_174 : vector<16xi32> to vector<16xf32>
        %mul3A_180 = arith.constant 1.600000e+01 : f32
        %mul3A_181 = vector.broadcast %mul3A_180 : f32 to vector<16xf32>
        %mul3A_182 = arith.mulf %convert_element_type3A_179, %mul3A_181 : vector<16xf32>
        %sub3A_183 = arith.subf %get3A_167, %mul3A_182 : vector<16xf32>
        %get3A_184 = arith.index_cast %mul3A_164 : i32 to index
        %get3A_185 = tpu.vector_load %arg31[%get3A_184] {strides = array<i32>} : memref<1008xf32, #tpu.memory_space<vmem>>, vector<16xf32>,
        %get3A_186 = arith.index_cast %mul3A_164 : i32 to index
        %get3A_187 = tpu.vector_load %arg34[%get3A_186] {strides = array<i32>} : memref<1008xf32, #tpu.memory_space<vmem>>, vector<16xf32>,
        %get3A_188 = arith.index_cast %mul3A_164 : i32 to index
        %get3A_189 = tpu.vector_load %arg32[%get3A_188] {strides = array<i32>} : memref<1008xf32, #tpu.memory_space<vmem>>, vector<16xf32>,
        %get3A_190 = arith.index_cast %mul3A_164 : i32 to index
        %get3A_191 = tpu.vector_load %arg35[%get3A_190] {strides = array<i32>} : memref<1008xf32, #tpu.memory_space<vmem>>, vector<16xf32>,
        %sub3A_192 = arith.subf %sub3A, %sub3A_183 : vector<16xf32>
        %gt3A = arith.cmpf ogt, %sub3A_192, %gather3A_9 : vector<16xf32>
        %jit3A = arith.constant 0.000000e+00 : f32
        %broadcast_in_dim3A_193 = vector.broadcast %jit3A : f32 to vector<16xf32>
        %select_n3A = arith.select %gt3A, %gather3A, %broadcast_in_dim3A_193 : vector<16xi1>, vector<16xf32>
        %sub3A_194 = arith.subf %sub3A_192, %select_n3A : vector<16xf32>
        %neg3A = arith.constant 0.000000e+00 : f32
        %neg3A_195 = vector.broadcast %neg3A : f32 to vector<16xf32>
        %neg3A_196 = arith.subf %neg3A_195, %gather3A_9 : vector<16xf32>
        %lt3A = arith.cmpf olt, %sub3A_194, %neg3A_196 : vector<16xf32>
        %jit3A_197 = arith.constant 0.000000e+00 : f32
        %broadcast_in_dim3A_198 = vector.broadcast %jit3A_197 : f32 to vector<16xf32>
        %select_n3A_199 = arith.select %lt3A, %gather3A, %broadcast_in_dim3A_198 : vector<16xi1>, vector<16xf32>
        %add3A_200 = arith.addf %sub3A_194, %select_n3A_199 : vector<16xf32>
        %sub3A_201 = arith.subf %get3A_185, %get3A_187 : vector<16xf32>
        %gt3A_202 = arith.cmpf ogt, %sub3A_201, %gather3A_9 : vector<16xf32>
        %jit3A_203 = arith.constant 0.000000e+00 : f32
        %broadcast_in_dim3A_204 = vector.broadcast %jit3A_203 : f32 to vector<16xf32>
        %select_n3A_205 = arith.select %gt3A_202, %gather3A, %broadcast_in_dim3A_204 : vector<16xi1>, vector<16xf32>
        %sub3A_206 = arith.subf %sub3A_201, %select_n3A_205 : vector<16xf32>
        %neg3A_207 = arith.constant 0.000000e+00 : f32
        %neg3A_208 = vector.broadcast %neg3A_207 : f32 to vector<16xf32>
        %neg3A_209 = arith.subf %neg3A_208, %gather3A_9 : vector<16xf32>
        %lt3A_210 = arith.cmpf olt, %sub3A_206, %neg3A_209 : vector<16xf32>
        %jit3A_211 = arith.constant 0.000000e+00 : f32
        %broadcast_in_dim3A_212 = vector.broadcast %jit3A_211 : f32 to vector<16xf32>
        %select_n3A_213 = arith.select %lt3A_210, %gather3A, %broadcast_in_dim3A_212 : vector<16xi1>, vector<16xf32>
        %add3A_214 = arith.addf %sub3A_206, %select_n3A_213 : vector<16xf32>
        %sub3A_215 = arith.subf %get3A_189, %get3A_191 : vector<16xf32>
        %gt3A_216 = arith.cmpf ogt, %sub3A_215, %gather3A_9 : vector<16xf32>
        %jit3A_217 = arith.constant 0.000000e+00 : f32
        %broadcast_in_dim3A_218 = vector.broadcast %jit3A_217 : f32 to vector<16xf32>
        %select_n3A_219 = arith.select %gt3A_216, %gather3A, %broadcast_in_dim3A_218 : vector<16xi1>, vector<16xf32>
        %sub3A_220 = arith.subf %sub3A_215, %select_n3A_219 : vector<16xf32>
        %neg3A_221 = arith.constant 0.000000e+00 : f32
        %neg3A_222 = vector.broadcast %neg3A_221 : f32 to vector<16xf32>
        %neg3A_223 = arith.subf %neg3A_222, %gather3A_9 : vector<16xf32>
        %lt3A_224 = arith.cmpf olt, %sub3A_220, %neg3A_223 : vector<16xf32>
        %jit3A_225 = arith.constant 0.000000e+00 : f32
        %broadcast_in_dim3A_226 = vector.broadcast %jit3A_225 : f32 to vector<16xf32>
        %select_n3A_227 = arith.select %lt3A_224, %gather3A, %broadcast_in_dim3A_226 : vector<16xi1>, vector<16xf32>
        %add3A_228 = arith.addf %sub3A_220, %select_n3A_227 : vector<16xf32>
        %mul3A_229 = arith.mulf %add3A_200, %add3A_200 : vector<16xf32>
        %mul3A_230 = arith.mulf %add3A_214, %add3A_214 : vector<16xf32>
        %add3A_231 = arith.addf %mul3A_229, %mul3A_230 : vector<16xf32>
        %mul3A_232 = arith.mulf %add3A_228, %add3A_228 : vector<16xf32>
        %add3A_233 = arith.addf %add3A_231, %mul3A_232 : vector<16xf32>
        %add3A_234 = arith.constant 9.99999996E-13 : f32
        %add3A_235 = vector.broadcast %add3A_234 : f32 to vector<16xf32>
        %add3A_236 = arith.addf %add3A_233, %add3A_235 : vector<16xf32>
        %bitcast3A = vector.bitcast %add3A_236 : vector<16xf32> to vector<16xi32>
        %shift_right_arithmetic3A = arith.constant 1 : i32
        %shift_right_arithmetic3A_237 = vector.broadcast %shift_right_arithmetic3A : i32 to vector<16xi32>
        %shift_right_arithmetic3A_238 = arith.shrsi %bitcast3A, %shift_right_arithmetic3A_237 : vector<16xi32>
        %sub3A_239 = arith.constant 1597463007 : i32
        %sub3A_240 = vector.broadcast %sub3A_239 : i32 to vector<16xi32>
        %sub3A_241 = arith.subi %sub3A_240, %shift_right_arithmetic3A_238 : vector<16xi32>
        %bitcast3A_242 = vector.bitcast %sub3A_241 : vector<16xi32> to vector<16xf32>
        %mul3A_243 = arith.constant 5.000000e-01 : f32
        %mul3A_244 = vector.broadcast %mul3A_243 : f32 to vector<16xf32>
        %mul3A_245 = arith.mulf %mul3A_244, %add3A_236 : vector<16xf32>
        %mul3A_246 = arith.mulf %mul3A_245, %bitcast3A_242 : vector<16xf32>
        %mul3A_247 = arith.mulf %mul3A_246, %bitcast3A_242 : vector<16xf32>
        %sub3A_248 = arith.constant 1.500000e+00 : f32
        %sub3A_249 = vector.broadcast %sub3A_248 : f32 to vector<16xf32>
        %sub3A_250 = arith.subf %sub3A_249, %mul3A_247 : vector<16xf32>
        %mul3A_251 = arith.mulf %bitcast3A_242, %sub3A_250 : vector<16xf32>
        %mul3A_252 = arith.constant 5.000000e-01 : f32
        %mul3A_253 = vector.broadcast %mul3A_252 : f32 to vector<16xf32>
        %mul3A_254 = arith.mulf %mul3A_253, %add3A_236 : vector<16xf32>
        %mul3A_255 = arith.mulf %mul3A_254, %mul3A_251 : vector<16xf32>
        %mul3A_256 = arith.mulf %mul3A_255, %mul3A_251 : vector<16xf32>
        %sub3A_257 = arith.constant 1.500000e+00 : f32
        %sub3A_258 = vector.broadcast %sub3A_257 : f32 to vector<16xf32>
        %sub3A_259 = arith.subf %sub3A_258, %mul3A_256 : vector<16xf32>
        %mul3A_260 = arith.mulf %mul3A_251, %sub3A_259 : vector<16xf32>
        %mul3A_261 = arith.constant 5.000000e-01 : f32
        %mul3A_262 = vector.broadcast %mul3A_261 : f32 to vector<16xf32>
        %mul3A_263 = arith.mulf %mul3A_262, %add3A_236 : vector<16xf32>
        %mul3A_264 = arith.mulf %mul3A_263, %mul3A_260 : vector<16xf32>
        %mul3A_265 = arith.mulf %mul3A_264, %mul3A_260 : vector<16xf32>
        %sub3A_266 = arith.constant 1.500000e+00 : f32
        %sub3A_267 = vector.broadcast %sub3A_266 : f32 to vector<16xf32>
        %sub3A_268 = arith.subf %sub3A_267, %mul3A_265 : vector<16xf32>
        %mul3A_269 = arith.mulf %mul3A_260, %sub3A_268 : vector<16xf32>
        %mul3A_270 = arith.mulf %add3A_236, %mul3A_269 : vector<16xf32>
        %lt3A_271 = arith.cmpf olt, %mul3A_270, %gather3A_15 : vector<16xf32>
        %gt3A_272 = arith.constant 9.99999997E-7 : f32
        %gt3A_273 = vector.broadcast %gt3A_272 : f32 to vector<16xf32>
        %gt3A_274 = arith.cmpf ogt, %mul3A_270, %gt3A_273 : vector<16xf32>
        %and3A = arith.andi %lt3A_271, %gt3A_274 : vector<16xi1>
        %jit3A_275 = arith.constant 1.000000e+00 : f32
        %jit3A_276 = arith.constant 0.000000e+00 : f32
        %broadcast_in_dim3A_277 = vector.broadcast %jit3A_275 : f32 to vector<16xf32>
        %broadcast_in_dim3A_278 = vector.broadcast %jit3A_276 : f32 to vector<16xf32>
        %select_n3A_279 = arith.select %and3A, %broadcast_in_dim3A_277, %broadcast_in_dim3A_278 : vector<16xi1>, vector<16xf32>
        %min3A = arith.minimumf %mul3A_270, %gather3A_18 : vector<16xf32>
        %mul3A_280 = arith.mulf %min3A, %gather3A_12 : vector<16xf32>
        %convert_element_type3A_281 = arith.fptosi %mul3A_280 : vector<16xf32> to vector<16xi32>
        %convert_element_type3A_282 = arith.sitofp %convert_element_type3A_281 : vector<16xi32> to vector<16xf32>
        %sub3A_283 = arith.subf %mul3A_280, %convert_element_type3A_282 : vector<16xf32>
        %add3A_284 = arith.constant 1 : i32
        %add3A_285 = vector.broadcast %add3A_284 : i32 to vector<16xi32>
        %add3A_286 = arith.addi %convert_element_type3A_281, %add3A_285 : vector<16xi32>
        %min3A_287 = arith.constant 8191 : i32
        %min3A_288 = vector.broadcast %min3A_287 : i32 to vector<16xi32>
        %min3A_289 = arith.minsi %add3A_286, %min3A_288 : vector<16xi32>
        %mul3A_290 = arith.constant 8192 : i32
        %mul3A_291 = vector.broadcast %mul3A_290 : i32 to vector<16xi32>
        %mul3A_292 = arith.muli %convert_element_type3A_174, %mul3A_291 : vector<16xi32>
        %add3A_293 = arith.addi %mul3A_292, %convert_element_type3A_281 : vector<16xi32>
        %mul3A_294 = arith.constant 8192 : i32
        %mul3A_295 = vector.broadcast %mul3A_294 : i32 to vector<16xi32>
        %mul3A_296 = arith.muli %convert_element_type3A_174, %mul3A_295 : vector<16xi32>
        %add3A_297 = arith.addi %mul3A_296, %min3A_289 : vector<16xi32>
        %gather3A_298 = tpu.vector_load_idx %arg17[%add3A_293] : memref<16384xf32, #tpu.memory_space<vmem>>[vector<16xi32>], vector<16xf32>,
        %gather3A_299 = tpu.vector_load_idx %arg17[%add3A_297] : memref<16384xf32, #tpu.memory_space<vmem>>[vector<16xi32>], vector<16xf32>,
        %sub3A_300 = arith.subf %gather3A_299, %gather3A_298 : vector<16xf32>
        %mul3A_301 = arith.mulf %sub3A_283, %sub3A_300 : vector<16xf32>
        %add3A_302 = arith.addf %gather3A_298, %mul3A_301 : vector<16xf32>
        %mul3A_303 = arith.mulf %add3A_302, %select_n3A_279 : vector<16xf32>
        %get3A_304 = arith.index_cast %mul3A_164 : i32 to index
        %get3A_305 = tpu.vector_load %arg21[%get3A_304] {strides = array<i32>} : memref<1008xi32, #tpu.memory_space<vmem>>, vector<16xi32>,
        tpu.vector_store_idx %arg19[%get3A_305], %mul3A_303 {add = true} : memref<50176xf32, #tpu.memory_space<vmem>>[vector<16xi32>], vector<16xf32>,
        %mul3A_306 = arith.constant 2 : i32
        %mul3A_307 = vector.broadcast %mul3A_306 : i32 to vector<16xi32>
        %mul3A_308 = arith.muli %convert_element_type3A, %mul3A_307 : vector<16xi32>
        %add3A_309 = arith.addi %mul3A_308, %convert_element_type3A_174 : vector<16xi32>
        %mul3A_310 = arith.constant 8192 : i32
        %mul3A_311 = vector.broadcast %mul3A_310 : i32 to vector<16xi32>
        %mul3A_312 = arith.muli %add3A_309, %mul3A_311 : vector<16xi32>
        %add3A_313 = arith.addi %mul3A_312, %convert_element_type3A_281 : vector<16xi32>
        %add3A_314 = arith.addi %mul3A_312, %min3A_289 : vector<16xi32>
        %gather3A_315 = tpu.vector_load_idx %arg18[%add3A_313] : memref<32768xf32, #tpu.memory_space<vmem>>[vector<16xi32>], vector<16xf32>,
        %gather3A_316 = tpu.vector_load_idx %arg18[%add3A_314] : memref<32768xf32, #tpu.memory_space<vmem>>[vector<16xi32>], vector<16xf32>,
        %sub3A_317 = arith.subf %gather3A_316, %gather3A_315 : vector<16xf32>
        %mul3A_318 = arith.mulf %sub3A_283, %sub3A_317 : vector<16xf32>
        %add3A_319 = arith.addf %gather3A_315, %mul3A_318 : vector<16xf32>
        %mul3A_320 = arith.mulf %add3A_319, %select_n3A_279 : vector<16xf32>
        %swap3A_321 = arith.index_cast %mul3A_164 : i32 to index
        %swap3A_322 = tpu.vector_load %arg30[%swap3A_321] {strides = array<i32>} : memref<1008xf32, #tpu.memory_space<vmem>>, vector<16xf32>,
        tpu.vector_store %arg30[%swap3A_321], %add3A_200 {strides = array<i32>} : memref<1008xf32, #tpu.memory_space<vmem>>, vector<16xf32>,
        %swap3A_323 = arith.index_cast %mul3A_164 : i32 to index
        %swap3A_324 = tpu.vector_load %arg31[%swap3A_323] {strides = array<i32>} : memref<1008xf32, #tpu.memory_space<vmem>>, vector<16xf32>,
        tpu.vector_store %arg31[%swap3A_323], %add3A_214 {strides = array<i32>} : memref<1008xf32, #tpu.memory_space<vmem>>, vector<16xf32>,
        %swap3A_325 = arith.index_cast %mul3A_164 : i32 to index
        %swap3A_326 = tpu.vector_load %arg32[%swap3A_325] {strides = array<i32>} : memref<1008xf32, #tpu.memory_space<vmem>>, vector<16xf32>,
        tpu.vector_store %arg32[%swap3A_325], %add3A_228 {strides = array<i32>} : memref<1008xf32, #tpu.memory_space<vmem>>, vector<16xf32>,
        %swap3A_327 = arith.index_cast %mul3A_164 : i32 to index
        %swap3A_328 = tpu.vector_load %arg37[%swap3A_327] {strides = array<i32>} : memref<1008xf32, #tpu.memory_space<vmem>>, vector<16xf32>,
        tpu.vector_store %arg37[%swap3A_327], %mul3A_270 {strides = array<i32>} : memref<1008xf32, #tpu.memory_space<vmem>>, vector<16xf32>,
        %mul3A_329 = arith.constant 2 : i32
        %mul3A_330 = vector.broadcast %mul3A_329 : i32 to vector<16xi32>
        %mul3A_331 = arith.muli %convert_element_type3A, %mul3A_330 : vector<16xi32>
        %add3A_332 = arith.addi %mul3A_331, %convert_element_type3A_174 : vector<16xi32>
        %swap3A_333 = arith.index_cast %mul3A_164 : i32 to index
        %swap3A_334 = tpu.vector_load %arg39[%swap3A_333] {strides = array<i32>} : memref<1008xi32, #tpu.memory_space<vmem>>, vector<16xi32>,
        tpu.vector_store %arg39[%swap3A_333], %add3A_332 {strides = array<i32>} : memref<1008xi32, #tpu.memory_space<vmem>>, vector<16xi32>,
        %add3A_335 = arith.addf %scan3A_162, %mul3A_320 : vector<16xf32>
        scf.yield %add3A_335 : vector<16xf32>
      }
      %scan3A_128 = arith.constant 63 : i32
      %add3A_129 = arith.constant 992 : i32
      %add3A_130 = arith.addi %add3A_34, %add3A_129 : i32
      %dma_start3A_131 = tpu.memref_slice %arg11[%add3A_130] : memref<1600000xf32, #tpu.memory_space<hbm>> -> memref<1008xf32, #tpu.memory_space<hbm>>
      %dma_start3A_132 = tpu.memref_slice %arg11[%add3A_130] : memref<1600000xf32, #tpu.memory_space<hbm>> -> memref<1008xf32, #tpu.memory_space<hbm>>
      tpu.enqueue_dma source(%arg30 : memref<1008xf32, #tpu.memory_space<vmem>>) target(%dma_start3A_132 : memref<1008xf32, #tpu.memory_space<hbm>>) target_semaphore(%arg45 : memref<!tpu.dma_semaphore, #tpu.memory_space<semaphore_mem>>)
      %dma_start3A_133 = tpu.memref_slice %arg12[%add3A_130] : memref<1600000xf32, #tpu.memory_space<hbm>> -> memref<1008xf32, #tpu.memory_space<hbm>>
      %dma_start3A_134 = tpu.memref_slice %arg12[%add3A_130] : memref<1600000xf32, #tpu.memory_space<hbm>> -> memref<1008xf32, #tpu.memory_space<hbm>>
      tpu.enqueue_dma source(%arg31 : memref<1008xf32, #tpu.memory_space<vmem>>) target(%dma_start3A_134 : memref<1008xf32, #tpu.memory_space<hbm>>) target_semaphore(%arg45 : memref<!tpu.dma_semaphore, #tpu.memory_space<semaphore_mem>>)
      %dma_start3A_135 = tpu.memref_slice %arg13[%add3A_130] : memref<1600000xf32, #tpu.memory_space<hbm>> -> memref<1008xf32, #tpu.memory_space<hbm>>
      %dma_start3A_136 = tpu.memref_slice %arg13[%add3A_130] : memref<1600000xf32, #tpu.memory_space<hbm>> -> memref<1008xf32, #tpu.memory_space<hbm>>
      tpu.enqueue_dma source(%arg32 : memref<1008xf32, #tpu.memory_space<vmem>>) target(%dma_start3A_136 : memref<1008xf32, #tpu.memory_space<hbm>>) target_semaphore(%arg45 : memref<!tpu.dma_semaphore, #tpu.memory_space<semaphore_mem>>)
      %dma_start3A_137 = tpu.memref_slice %arg14[%add3A_130] : memref<1600000xf32, #tpu.memory_space<hbm>> -> memref<1008xf32, #tpu.memory_space<hbm>>
      %dma_start3A_138 = tpu.memref_slice %arg14[%add3A_130] : memref<1600000xf32, #tpu.memory_space<hbm>> -> memref<1008xf32, #tpu.memory_space<hbm>>
      tpu.enqueue_dma source(%arg37 : memref<1008xf32, #tpu.memory_space<vmem>>) target(%dma_start3A_138 : memref<1008xf32, #tpu.memory_space<hbm>>) target_semaphore(%arg45 : memref<!tpu.dma_semaphore, #tpu.memory_space<semaphore_mem>>)
      %dma_start3A_139 = tpu.memref_slice %arg15[%add3A_130] : memref<1600000xi32, #tpu.memory_space<hbm>> -> memref<1008xi32, #tpu.memory_space<hbm>>
      %dma_start3A_140 = tpu.memref_slice %arg15[%add3A_130] : memref<1600000xi32, #tpu.memory_space<hbm>> -> memref<1008xi32, #tpu.memory_space<hbm>>
      tpu.enqueue_dma source(%arg39 : memref<1008xi32, #tpu.memory_space<vmem>>) target(%dma_start3A_140 : memref<1008xi32, #tpu.memory_space<hbm>>) target_semaphore(%arg45 : memref<!tpu.dma_semaphore, #tpu.memory_space<semaphore_mem>>)
      %dma_wait3A_141 = tpu.memref_slice %arg11[%add3A_100] : memref<1600000xf32, #tpu.memory_space<hbm>> -> memref<992xf32, #tpu.memory_space<hbm>>
      %dma_wait3A_142 = tpu.memref_slice %arg11[%add3A_100] : memref<1600000xf32, #tpu.memory_space<hbm>> -> memref<992xf32, #tpu.memory_space<hbm>>
      tpu.wait_dma2 semaphore(%arg45 : memref<!tpu.dma_semaphore, #tpu.memory_space<semaphore_mem>>) src(%arg24 : memref<992xf32, #tpu.memory_space<vmem>>) dst(%dma_wait3A_142 : memref<992xf32, #tpu.memory_space<hbm>>)
      %dma_wait3A_143 = tpu.memref_slice %arg12[%add3A_100] : memref<1600000xf32, #tpu.memory_space<hbm>> -> memref<992xf32, #tpu.memory_space<hbm>>
      %dma_wait3A_144 = tpu.memref_slice %arg12[%add3A_100] : memref<1600000xf32, #tpu.memory_space<hbm>> -> memref<992xf32, #tpu.memory_space<hbm>>
      tpu.wait_dma2 semaphore(%arg45 : memref<!tpu.dma_semaphore, #tpu.memory_space<semaphore_mem>>) src(%arg25 : memref<992xf32, #tpu.memory_space<vmem>>) dst(%dma_wait3A_144 : memref<992xf32, #tpu.memory_space<hbm>>)
      %dma_wait3A_145 = tpu.memref_slice %arg13[%add3A_100] : memref<1600000xf32, #tpu.memory_space<hbm>> -> memref<992xf32, #tpu.memory_space<hbm>>
      %dma_wait3A_146 = tpu.memref_slice %arg13[%add3A_100] : memref<1600000xf32, #tpu.memory_space<hbm>> -> memref<992xf32, #tpu.memory_space<hbm>>
      tpu.wait_dma2 semaphore(%arg45 : memref<!tpu.dma_semaphore, #tpu.memory_space<semaphore_mem>>) src(%arg26 : memref<992xf32, #tpu.memory_space<vmem>>) dst(%dma_wait3A_146 : memref<992xf32, #tpu.memory_space<hbm>>)
      %dma_wait3A_147 = tpu.memref_slice %arg14[%add3A_100] : memref<1600000xf32, #tpu.memory_space<hbm>> -> memref<992xf32, #tpu.memory_space<hbm>>
      %dma_wait3A_148 = tpu.memref_slice %arg14[%add3A_100] : memref<1600000xf32, #tpu.memory_space<hbm>> -> memref<992xf32, #tpu.memory_space<hbm>>
      tpu.wait_dma2 semaphore(%arg45 : memref<!tpu.dma_semaphore, #tpu.memory_space<semaphore_mem>>) src(%arg36 : memref<992xf32, #tpu.memory_space<vmem>>) dst(%dma_wait3A_148 : memref<992xf32, #tpu.memory_space<hbm>>)
      %dma_wait3A_149 = tpu.memref_slice %arg15[%add3A_100] : memref<1600000xi32, #tpu.memory_space<hbm>> -> memref<992xi32, #tpu.memory_space<hbm>>
      %dma_wait3A_150 = tpu.memref_slice %arg15[%add3A_100] : memref<1600000xi32, #tpu.memory_space<hbm>> -> memref<992xi32, #tpu.memory_space<hbm>>
      tpu.wait_dma2 semaphore(%arg45 : memref<!tpu.dma_semaphore, #tpu.memory_space<semaphore_mem>>) src(%arg38 : memref<992xi32, #tpu.memory_space<vmem>>) dst(%dma_wait3A_150 : memref<992xi32, #tpu.memory_space<hbm>>)
      %dma_wait3A_151 = tpu.memref_slice %arg11[%add3A_130] : memref<1600000xf32, #tpu.memory_space<hbm>> -> memref<1008xf32, #tpu.memory_space<hbm>>
      %dma_wait3A_152 = tpu.memref_slice %arg11[%add3A_130] : memref<1600000xf32, #tpu.memory_space<hbm>> -> memref<1008xf32, #tpu.memory_space<hbm>>
      tpu.wait_dma2 semaphore(%arg45 : memref<!tpu.dma_semaphore, #tpu.memory_space<semaphore_mem>>) src(%arg30 : memref<1008xf32, #tpu.memory_space<vmem>>) dst(%dma_wait3A_152 : memref<1008xf32, #tpu.memory_space<hbm>>)
      %dma_wait3A_153 = tpu.memref_slice %arg12[%add3A_130] : memref<1600000xf32, #tpu.memory_space<hbm>> -> memref<1008xf32, #tpu.memory_space<hbm>>
      %dma_wait3A_154 = tpu.memref_slice %arg12[%add3A_130] : memref<1600000xf32, #tpu.memory_space<hbm>> -> memref<1008xf32, #tpu.memory_space<hbm>>
      tpu.wait_dma2 semaphore(%arg45 : memref<!tpu.dma_semaphore, #tpu.memory_space<semaphore_mem>>) src(%arg31 : memref<1008xf32, #tpu.memory_space<vmem>>) dst(%dma_wait3A_154 : memref<1008xf32, #tpu.memory_space<hbm>>)
      %dma_wait3A_155 = tpu.memref_slice %arg13[%add3A_130] : memref<1600000xf32, #tpu.memory_space<hbm>> -> memref<1008xf32, #tpu.memory_space<hbm>>
      %dma_wait3A_156 = tpu.memref_slice %arg13[%add3A_130] : memref<1600000xf32, #tpu.memory_space<hbm>> -> memref<1008xf32, #tpu.memory_space<hbm>>
      tpu.wait_dma2 semaphore(%arg45 : memref<!tpu.dma_semaphore, #tpu.memory_space<semaphore_mem>>) src(%arg32 : memref<1008xf32, #tpu.memory_space<vmem>>) dst(%dma_wait3A_156 : memref<1008xf32, #tpu.memory_space<hbm>>)
      %dma_wait3A_157 = tpu.memref_slice %arg14[%add3A_130] : memref<1600000xf32, #tpu.memory_space<hbm>> -> memref<1008xf32, #tpu.memory_space<hbm>>
      %dma_wait3A_158 = tpu.memref_slice %arg14[%add3A_130] : memref<1600000xf32, #tpu.memory_space<hbm>> -> memref<1008xf32, #tpu.memory_space<hbm>>
      tpu.wait_dma2 semaphore(%arg45 : memref<!tpu.dma_semaphore, #tpu.memory_space<semaphore_mem>>) src(%arg37 : memref<1008xf32, #tpu.memory_space<vmem>>) dst(%dma_wait3A_158 : memref<1008xf32, #tpu.memory_space<hbm>>)
      %dma_wait3A_159 = tpu.memref_slice %arg15[%add3A_130] : memref<1600000xi32, #tpu.memory_space<hbm>> -> memref<1008xi32, #tpu.memory_space<hbm>>
      %dma_wait3A_160 = tpu.memref_slice %arg15[%add3A_130] : memref<1600000xi32, #tpu.memory_space<hbm>> -> memref<1008xi32, #tpu.memory_space<hbm>>
      tpu.wait_dma2 semaphore(%arg45 : memref<!tpu.dma_semaphore, #tpu.memory_space<semaphore_mem>>) src(%arg39 : memref<1008xi32, #tpu.memory_space<vmem>>) dst(%dma_wait3A_160 : memref<1008xi32, #tpu.memory_space<hbm>>)
      scf.yield %scan3A_127 : vector<16xf32>
    }
    %scan3A_28 = arith.constant 25 : i32
    "tpu.region"() ({
      %run_scoped3A = tpu.sem_alloc : memref<!tpu.dma_semaphore, #tpu.memory_space<semaphore_mem>>
      %dma_start3A = arith.constant 0 : i32
      %dma_start3A_30 = tpu.memref_slice %arg10[%add3A, %dma_start3A] : memref<32x50176xf32, #tpu.memory_space<hbm>> -> memref<1x50176xf32, #tpu.memory_space<hbm>>
      %dma_start3A_31 = tpu.memref_squeeze %dma_start3A_30 : memref<1x50176xf32, #tpu.memory_space<hbm>> -> memref<50176xf32, #tpu.memory_space<hbm>>
      %dma_start3A_32 = arith.constant 0 : i32
      %dma_start3A_33 = tpu.memref_slice %arg10[%add3A, %dma_start3A_32] : memref<32x50176xf32, #tpu.memory_space<hbm>> -> memref<1x50176xf32, #tpu.memory_space<hbm>>
      %dma_start3A_34 = tpu.memref_squeeze %dma_start3A_33 : memref<1x50176xf32, #tpu.memory_space<hbm>> -> memref<50176xf32, #tpu.memory_space<hbm>>
      tpu.enqueue_dma source(%arg19 : memref<50176xf32, #tpu.memory_space<vmem>>) target(%dma_start3A_34 : memref<50176xf32, #tpu.memory_space<hbm>>) target_semaphore(%run_scoped3A : memref<!tpu.dma_semaphore, #tpu.memory_space<semaphore_mem>>)
      %dma_wait3A = arith.constant 0 : i32
      %dma_wait3A_35 = tpu.memref_slice %arg10[%add3A, %dma_wait3A] : memref<32x50176xf32, #tpu.memory_space<hbm>> -> memref<1x50176xf32, #tpu.memory_space<hbm>>
      %dma_wait3A_36 = tpu.memref_squeeze %dma_wait3A_35 : memref<1x50176xf32, #tpu.memory_space<hbm>> -> memref<50176xf32, #tpu.memory_space<hbm>>
      %dma_wait3A_37 = arith.constant 0 : i32
      %dma_wait3A_38 = tpu.memref_slice %arg10[%add3A, %dma_wait3A_37] : memref<32x50176xf32, #tpu.memory_space<hbm>> -> memref<1x50176xf32, #tpu.memory_space<hbm>>
      %dma_wait3A_39 = tpu.memref_squeeze %dma_wait3A_38 : memref<1x50176xf32, #tpu.memory_space<hbm>> -> memref<50176xf32, #tpu.memory_space<hbm>>
      tpu.wait_dma2 semaphore(%run_scoped3A : memref<!tpu.dma_semaphore, #tpu.memory_space<semaphore_mem>>) src(%arg19 : memref<50176xf32, #tpu.memory_space<vmem>>) dst(%dma_wait3A_39 : memref<50176xf32, #tpu.memory_space<hbm>>)
      tpu.yield
    }) : () -> ()
    %swap3A = arith.constant 0 : index
    %swap3A_29 = tpu.vector_load %arg41[%swap3A] {strides = array<i32>} : memref<16xf32, #tpu.memory_space<vmem>>, vector<16xf32>,
    tpu.vector_store %arg41[%swap3A], %scan3A_27 {strides = array<i32>} : memref<16xf32, #tpu.memory_space<vmem>>, vector<16xf32>,
    "tpu.region"() ({
      %run_scoped3A = tpu.sem_alloc : memref<!tpu.dma_semaphore, #tpu.memory_space<semaphore_mem>>
      %dma_start3A = arith.constant 0 : i32
      %dma_start3A_30 = tpu.memref_slice %arg16[%add3A, %dma_start3A] : memref<32x16xf32, #tpu.memory_space<hbm>> -> memref<1x16xf32, #tpu.memory_space<hbm>>
      %dma_start3A_31 = tpu.memref_squeeze %dma_start3A_30 : memref<1x16xf32, #tpu.memory_space<hbm>> -> memref<16xf32, #tpu.memory_space<hbm>>
      %dma_start3A_32 = arith.constant 0 : i32
      %dma_start3A_33 = tpu.memref_slice %arg16[%add3A, %dma_start3A_32] : memref<32x16xf32, #tpu.memory_space<hbm>> -> memref<1x16xf32, #tpu.memory_space<hbm>>
      %dma_start3A_34 = tpu.memref_squeeze %dma_start3A_33 : memref<1x16xf32, #tpu.memory_space<hbm>> -> memref<16xf32, #tpu.memory_space<hbm>>
      tpu.enqueue_dma source(%arg41 : memref<16xf32, #tpu.memory_space<vmem>>) target(%dma_start3A_34 : memref<16xf32, #tpu.memory_space<hbm>>) target_semaphore(%run_scoped3A : memref<!tpu.dma_semaphore, #tpu.memory_space<semaphore_mem>>)
      %dma_wait3A = arith.constant 0 : i32
      %dma_wait3A_35 = tpu.memref_slice %arg16[%add3A, %dma_wait3A] : memref<32x16xf32, #tpu.memory_space<hbm>> -> memref<1x16xf32, #tpu.memory_space<hbm>>
      %dma_wait3A_36 = tpu.memref_squeeze %dma_wait3A_35 : memref<1x16xf32, #tpu.memory_space<hbm>> -> memref<16xf32, #tpu.memory_space<hbm>>
      %dma_wait3A_37 = arith.constant 0 : i32
      %dma_wait3A_38 = tpu.memref_slice %arg16[%add3A, %dma_wait3A_37] : memref<32x16xf32, #tpu.memory_space<hbm>> -> memref<1x16xf32, #tpu.memory_space<hbm>>
      %dma_wait3A_39 = tpu.memref_squeeze %dma_wait3A_38 : memref<1x16xf32, #tpu.memory_space<hbm>> -> memref<16xf32, #tpu.memory_space<hbm>>
      tpu.wait_dma2 semaphore(%run_scoped3A : memref<!tpu.dma_semaphore, #tpu.memory_space<semaphore_mem>>) src(%arg41 : memref<16xf32, #tpu.memory_space<vmem>>) dst(%dma_wait3A_39 : memref<16xf32, #tpu.memory_space<hbm>>)
      tpu.yield
    }) : () -> ()
    return
  }
}

</mosaic_0001>

<sc_bundles>
// kernel: kernel.11.cloned.1.call-start
scs
__scs_entry_jumppad:
0x0: {  	(pc) =	sbr.rel $0x88, $3  }
0x1: {  	(tag) =	ssettag $0x0;
	lr =	simm.s32 $0x1  }
0x2: {  	[smem:$0x3F94] =	sst lr;
	_ =	strace $0xD0000000  }
0x3: {  	_ = 	snop  }
0x4: {  	_ = 	snop  }
0x5: {  	_ = 	snop  }
0x6: {  	_ = 	snop  }
0x7: {  	_ = 	snop  }
__scs_overlays_trampoline_lowered:
0x8: {  	[smem:$0x3FA3] =	sst s0  }
0x9: {  	[smem:$0x3FA4] =	sst s1  }
0xa: {  	[smem:$0x3FA5] =	sst s2  }
0xb: {  	[smem:$0x3FA6] =	sst s3  }
0xc: {  	[smem:$0x3FA7] =	sst s4  }
0xd: {  	[smem:$0x3FA8] =	sst s5  }
0xe: {  	[smem:$0x3FA9] =	sst s6  }
0xf: {  	[smem:$0x3FAA] =	sst s7  }
0x10: {  	[smem:$0x3FAB] =	sst s8  }
0x11: {  	[smem:$0x3FAC] =	sst s9;
	s0 =	simm.s32 @!p0 $0x0  }
0x12: {  	s1 =	sld [smem:$0x3F92];
	s0 =	simm.s32 @p0 $0x1  }
0x13: {  	[smem:$0x3FAD] =	sst s0;
	s0 =	simm.s32 @!p1 $0x0  }
0x14: {  	s2 =	sld [smem:$0x3F91];
	s0 =	simm.s32 @p1 $0x1  }
0x15: {  	[smem:$0x3FAE] =	sst s0;
	s0 =	simm.s32 @!p2 $0x0  }
0x16: {  	s3 =	sld [smem:$0x3FDB];
	s0 =	simm.s32 @p2 $0x1  }
0x17: {  	s4 =	simm.s32 $0x1BF5;
	[smem:$0x3FB0] =	sst s0  }
0x18: {  	s0 =	sld [smem:$0x3F93];
	_ =	swait.ge [sflag:s4], $0x0  }
0x19: {  	s7 =	sld [smem:$0x3F94]  }
0x1a: {  	s8 =	sadd.s32 $0xFFFFE003, lr  }
0x1b: {  	s9 =	sadd.s32 $0xFFFFFEF7, lr;
	s5 =	simm.s32 $0xFFFFFFFF;
	p2 =	slt.u32 s8, $0xFFFFF086  }
0x1c: {  	p1 =	slt.u32 s9, $0xF7A;
	s5 =	simm.s32 @!p2 $0x0  }
0x1d: {  	s5 =	simm.s32 @p1 $0x1;
	p0 =	seq.s32 s7, s2  }
0x1e: {  	s7 =	smul.u32 @!p0 $0xF7A, s2;
	p2 =	seq.s32 @!p0 s5, $0x0  }
0x1f: {  	s9 =	smul.u32 $0xF7A, s1;
	s8 =	simm.s32 @!p0 $0x1BF5;
	p2 =	por !p2, p0  }
0x20: {  	[sflag:s8] =	ssyncset.s32 @!p0 $0xFFFFF086;
	s6 =	sadd.s32 @!p0 s3, s7;
	s7 =	simm.s32 @!p0 $0x108  }
0x21: {  	s3 =	sadd.s32 s3, s9;
	s6 =	sadd.s32 @!p0 $0x88, s6;
	s7 =	simm.s32 @p2 $0x1082  }
0x22: {  	[simem:s7], [sflag:s8] =	dma.local @!p0 [hbm:s6], $0xF7A  }
0x23: {  	s9 =	sor.u32 $0xD0000000, s2;
	s6 =	simm.s32 $0x108;
	_ =	swait.ge @!p0 [sflag:s8], $0x0  }
0x24: {  	s3 =	sadd.s32 $0x88, s3;
	s6 =	simm.s32 @!p1 $0x1082;
	[sflag:s4] =	ssyncset.s32 $0xFFFFF086  }
0x25: {  	[simem:s6], [sflag:s4] =	dma.local [hbm:s3], $0xF7A  }
0x26: {  	[smem:$0x3F94] =	sst s1;
	(tag) =	ssettag s2;
	_ =	strace s9  }
0x27: {  	s1 =	sld [smem:$0x3FA4]  }
0x28: {  	s2 =	sld [smem:$0x3FA5]  }
0x29: {  	s4 =	sld [smem:$0x3FA7]  }
0x2a: {  	p0 =	seq.s32 s5, $0x0;
	s5 =	sld [smem:$0x3FA8]  }
0x2b: {  	s6 =	sld [smem:$0x3FA9]  }
0x2c: {  	s7 =	sld [smem:$0x3FAA]  }
0x2d: {  	s3 =	simm.s32 $0x108;
	s8 =	sld [smem:$0x3FAB]  }
0x2e: {  	s3 =	simm.s32 @!p0 $0x1082;
	s9 =	sld [smem:$0x3FAC]  }
0x2f: {  	lr =	sadd.s32 s0, s3;
	s0 =	sld [smem:$0x3FA3]  }
0x30: {  	s3 =	sld [smem:$0x3FA6]  }
0x31: {  	[smem:$0x3FAF] =	sst s10  }
0x32: {  	s10 =	sld [smem:$0x3FAD];
	_ =	sdelay $0x3  }
0x33: {  	p0 =	seq.s32 s10, $0x1;
	s10 =	sld [smem:$0x3FAF];
	_ =	sdelay $0x3  }
0x34: {  	[smem:$0x3FAF] =	sst s10  }
0x35: {  	s10 =	sld [smem:$0x3FAE];
	_ =	sdelay $0x3  }
0x36: {  	p1 =	seq.s32 s10, $0x1;
	s10 =	sld [smem:$0x3FAF];
	_ =	sdelay $0x3  }
0x37: {  	[smem:$0x3FAF] =	sst s10  }
0x38: {  	s10 =	sld [smem:$0x3FB0]  }
0x39: {  	_ = 	snop;
	(pc) =	sbr.ind lr, $3  }
0x3a: {  	_ = 	snop  }
0x3b: {  	_ = 	snop  }
0x3c: {  	p2 =	seq.s32 s10, $0x1;
	s10 =	sld [smem:$0x3FAF]  }
0x3d: {  	_ =	shalt  }
0x3e: {  	_ =	shalt  }
0x3f: {  	_ =	shalt  }
0x40: {  	_ =	shalt  }
0x41: {  	_ =	shalt  }
0x42: {  	_ =	shalt  }
0x43: {  	_ =	shalt  }
0x44: {  	_ =	shalt  }
0x45: {  	_ =	shalt  }
0x46: {  	_ =	shalt  }
0x47: {  	_ =	shalt  }
0x48: {  	_ =	shalt  }
0x49: {  	_ =	shalt  }
0x4a: {  	_ =	shalt  }
0x4b: {  	_ =	shalt  }
0x4c: {  	_ =	shalt  }
0x4d: {  	_ =	shalt  }
0x4e: {  	_ =	shalt  }
0x4f: {  	_ =	shalt  }
0x50: {  	_ =	shalt  }
0x51: {  	_ =	shalt  }
0x52: {  	_ =	shalt  }
0x53: {  	_ =	shalt  }
0x54: {  	_ =	shalt  }
0x55: {  	_ =	shalt  }
0x56: {  	_ =	shalt  }
0x57: {  	_ =	shalt  }
0x58: {  	_ =	shalt  }
0x59: {  	_ =	shalt  }
0x5a: {  	_ =	shalt  }
0x5b: {  	_ =	shalt  }
0x5c: {  	_ =	shalt  }
0x5d: {  	_ =	shalt  }
0x5e: {  	_ =	shalt  }
0x5f: {  	_ =	shalt  }
0x60: {  	_ =	shalt  }
0x61: {  	_ =	shalt  }
0x62: {  	_ =	shalt  }
0x63: {  	_ =	shalt  }
0x64: {  	_ =	shalt  }
0x65: {  	_ =	shalt  }
0x66: {  	_ =	shalt  }
0x67: {  	_ =	shalt  }
0x68: {  	_ =	shalt  }
0x69: {  	_ =	shalt  }
0x6a: {  	_ =	shalt  }
0x6b: {  	_ =	shalt  }
0x6c: {  	_ =	shalt  }
0x6d: {  	_ =	shalt  }
0x6e: {  	_ =	shalt  }
0x6f: {  	_ =	shalt  }
0x70: {  	_ =	shalt  }
0x71: {  	_ =	shalt  }
0x72: {  	_ =	shalt  }
0x73: {  	_ =	shalt  }
0x74: {  	_ =	shalt  }
0x75: {  	_ =	shalt  }
0x76: {  	_ =	shalt  }
0x77: {  	_ =	shalt  }
0x78: {  	_ =	shalt  }
0x79: {  	_ =	shalt  }
0x7a: {  	_ =	shalt  }
0x7b: {  	_ =	shalt  }
0x7c: {  	_ =	shalt  }
0x7d: {  	_ =	shalt  }
0x7e: {  	_ =	shalt  }
0x7f: {  	_ =	shalt  }
0x80: {  	_ =	shalt  }
0x81: {  	_ =	shalt  }
0x82: {  	_ =	shalt  }
0x83: {  	_ =	shalt  }
0x84: {  	_ =	shalt  }
0x85: {  	_ =	shalt  }
0x86: {  	_ =	shalt  }
0x87: {  	_ =	shalt  }
.Lfunc_end0:
.L_simem_size_0:
called_computation.2_lowered:
.L_overlay_start_0:
0x88: {  	s2 =	sld [smem:$0x3FD9]  }
0x89: {  	s3 =	sld [smem:$0x3FFE];
	_ =	sdelay $0x1  }
0x8a: {  	s1 =	srdreg.scid  }
0x8b: {  	s0 =	sand.u32 $0x1, s1  }
0x8c: {  	s14 =	sshll.u32 s0, $0xA;
	s2 =	sadd.s32 s3, s2  }
0x8d: {  	s2 =	sadd.s32 s2, s14  }
0x8e: {  	[smem:$0x3FBB] =	sst s2  }
0x8f: {  	_ = 	snop  }
0x90: {  	s2 =	sld [smem:$0x3FD0];
	_ =	sdelay $0x2  }
0x91: {  	s15 =	simm.s32 $0xA;
	s4 =	simm.s32 $0x10  }
0x92: {  	[smem:s4], [sflag:s15] =	dma.local [hbm:s2], $0x1  }
0x93: {  	_ =	swait.eq [sflag:s15], $0x1  }
0x94: {  	[sflag:s15] =	ssyncset.done $0x0  }
0x95: {  	[sflag:s15] =	ssyncadd.s32 $0xFFFFFFFF  }
0x96: {  	s16 =	sld [smem:$0x11];
	(tm) =	ssettm $0x1  }
0x97: {  	s17 =	sld [smem:$0x3FFB];
	_ =	sdelay $0x3  }
0x98: {  	_ =	strace s17  }
0x99: {  	s3 =	sld [smem:$0x3FFC];
	_ =	sdelay $0x3  }
0x9a: {  	_ =	strace s3  }
0x9b: {  	s3 =	sld [smem:$0x3FFD];
	_ =	sdelay $0x3  }
0x9c: {  	_ =	strace s3  }
0x9d: {  	_ =	strace $0x8FFFFFFF  }
0x9e: {  	s18 =	sld [smem:$0x3FDB];
	_ =	sdelay $0x1  }
0x9f: {  	s19 =	simm.s32 $_scs_section_size  }
0xa0: {  	s5 =	simm.s32 $_size__tile_overlayer_lowered;
	s6 =	simm.s32 $_tile_overlayer_lowered  }
0xa1: {  	s22 =	simm.s32 $0x1BFF;
	s21 =	sshll.u32 s6, $0x1;
	s3 =	sadd.s32 s19, s18  }
0xa2: {  	s7 =	simm.s32 $0x0;
	s20 =	sshll.u32 s5, $0x1;
	s5 =	sadd.s32 s21, s3  }
0xa3: {  	[timem:s7], [sflag:s22] =	dma.local [hbm:s5], s20  }
0xa4: {  	_ =	swait.ge [sflag:s22], s20  }
0xa5: {  	s4 =	ssub.s32 $0x0, s20;
	[sflag:s22] =	ssyncset.done $0x0  }
0xa6: {  	[sflag:s22] =	ssyncadd.s32 s4;
	_ =	sdelay $0x1  }
0xa7: {  	s23 =	simm.s32 $0x1B8B  }
0xa8: {  	_ =	swait.ge [sflag:s23], $0x1  }
0xa9: {  	[sflag:s23] =	ssyncset.done $0x0  }
0xaa: {  	s25 =	simm.s32 $0x1B8E;
	s24 =	sld [smem:$0x3FFE];
	[sflag:s23] =	ssyncadd.s32 $0xFFFFFFFF  }
0xab: {  	s26 =	simm.s32 $execute0_lowered;
	[smem:$0x3FD2] =	sst s25  }
0xac: {  	s5 =	sshll.u32 s26, $0x1;
	_ =	strace $0x8000004C;
	[dreg:$0x1] =	wrdreg $0xFFFFFFFF  }
0xad: {  	s28 =	simm.s32 $_size_execute0_lowered;
	s3 =	sadd.s32 s3, s5;
	[dreg:$0x0] =	wrdreg $0x0  }
0xae: {  	s5 =	sshll.u32 s28, $0x1;
	[dreg:$0x2] =	wrdreg s3  }
0xaf: {  	[dreg:$0x3] =	wrdreg s5  }
0xb0: {  	[dreg:$0x4] =	wrdreg $0xC0  }
0xb1: {  	_ =	task [dreg:s7], $0x5FFFF  }
0xb2: {  	[dreg:$0x1] =	wrdreg $0xFFFFFFFF  }
0xb3: {  	[dreg:$0x0] =	wrdreg $0x60  }
0xb4: {  	[dreg:$0x2] =	wrdreg s24  }
0xb5: {  	[dreg:$0x3] =	wrdreg s16  }
0xb6: {  	[dreg:$0x4] =	wrdreg $0x1C2A00  }
0xb7: {  	[dreg:$0x5] =	wrdreg $0x1CEE00  }
0xb8: {  	[dreg:$0x6] =	wrdreg $0x1DB200  }
0xb9: {  	[dreg:$0x7] =	wrdreg $0x9  }
0xba: {  	_ =	task.clear_ibuf [dreg:s7], $0x8FFFF;
	_ =	strace $0x9000004C  }
0xbb: {  	s29 =	simm.s32 $0x9;
	_ =	strace $0x8000004E  }
0xbc: {  	_ =	swait.ge [sflag:s29], $0x1  }
0xbd: {  	[sflag:s29] =	ssyncadd.s32 $0xFFFFFFFF  }
0xbe: {  	_ =	strace $0x9000004E  }
0xbf: {  	_ =	sfence  }
0xc0: {  	s30 =	sld [smem:$0x0];
	_ =	sdelay $0x2  }
0xc1: {  	s31 =	sshll.u32 s1, $0xD;
	s1 =	sshrl.u32 s1, $0x2  }
0xc2: {  	s3 =	sand.u32 $0x4000, s31;
	s1 =	sadd.s32 s1, s30  }
0xc3: {  	s0 =	sor.u32 s3, s0;
	s1 =	sshll.u32 s1, $0x11  }
0xc4: {  	s0 =	sor.u32 s1, s0  }
0xc5: {  	s0 =	sadd.s32 $0x8F2B, s0  }
0xc6: {  	[sflag:s0] =	ssyncadd.remote.s32 $0x1  }
0xc7: {  	_ =	sfence.sel $0xFFFF  }
0xc8: {  	[dreg:$0x0] =	wrdreg $0xFFFFFFFF;
	(pc) =	sbr.abs _section_cstart, $3  }
0xc9: {  	[dreg:$0x1] =	wrdreg $0xFFFFFFFF  }
0xca: {  	_ =	task.clear_ibuf [dreg:s7], $0x2FFFF;
	_ =	strace $0x9FFFFFFF  }
0xcb: {  	(tm) =	ssettm $0x7FFFFFFF  }
tec
execute0_lowered:
.L_overlay_start_1:
0x0: {  	(tag) =	ssettag $0x1  }
0x1: {  	s0 =	rddreg [dreg:$0x0]  }
0x2: {  	s17 =	rddreg [dreg:$0x2]  }
0x3: {  	s18 =	rddreg [dreg:$0x3]  }
0x4: {  	s19 =	rddreg [dreg:$0x4]  }
0x5: {  	s5 =	simm.s32 $0x0;
	s1 =	srdreg.scid;
	s3 =	stileid.u32  }
0x6: {  	s31 =	simm.s32 $0xC400;
	s28 =	simm.s32 $0x1A320;
	s29 =	simm.s32 $0x1A710  }
0x7: {  	[smem:$0x7FF] =	sst s5;
	s7 =	sadd.s32 $0x31A00, s0;
	s8 =	sadd.s32 $0xC00, s0  }
0x8: {  	s9 =	sadd.s32 $0x98800, s0;
	s1 =	sand.u32 $0x1, s1;
	s2 =	smul.u32 $0xC40, s3  }
0x9: {  	s10 =	sadd.s32 $0xC9600, s0;
	s11 =	sadd.s32 $0xFA400, s0;
	s12 =	sadd.s32 $0x12B200, s0  }
0xa: {  	s13 =	sadd.s32 $0x15C000, s0;
	s4 =	sadd.s32 $0x63A00, s0;
	s25 =	sadd.s32 $0x62A00, s0  }
0xb: {  	s26 =	sadd.s32 $0x67600, s0;
	_ =	strace $0x8000004D;
	[dreg:$0x6] =	wrdreg s4  }
0xc: {  	s23 =	smov.u32 s19;
	s6 =	smul.u32 $0x24C00, s1;
	[dreg:$0x7] =	wrdreg s25  }
0xd: {  	s14 =	sshll.u32 s1, $0x4;
	[dreg:$0x8] =	wrdreg s26;
	s1 =	ssub.s32 $0x2, s1  }
0xe: {  	s14 =	sor.u32 s3, s14;
	s4 =	sshrl.u32 s1, $0x1;
	s16 =	sadd.s32 $0x7D0, s2  }
0xf: {  	s20 =	sadd.s32 s2, s17;
	s26 =	sadd.s32 s2, s18;
	s30 =	sadd.s32 s2, s19  }
0x10: {  	s3 =	simm.s32 $0x4;
	s6 =	sadd.s32 s2, s6;
	[dreg:$0x9] =	wrdreg s20  }
0x11: {  	s15 =	sshll.u32 s14, $0x1;
	s1 =	ssub.s32 s1, s4;
	[dreg:$0xb] =	wrdreg s26  }
0x12: {  	s4 =	smov.u32 s18;
	[dreg:$0xc] =	wrdreg s30;
	s6 =	sshrl.u32 s6, $0x3  }
0x13: {  	s25 =	smax.u32 s1, $0x1;
	s1 =	simm.s32 $0x1;
	s6 =	sadd.s32 s6, s0  }
0x14: {  	s0 =	sadd.s32 s15, s0;
	s15 =	sadd.s32 s16, s17;
	[dreg:$0x14] =	wrdreg s25  }
0x15: {  	s17 =	sadd.s32 s16, s18;
	s18 =	sadd.s32 s16, s19;
	[dreg:$0xa] =	wrdreg s15  }
0x16: {  	s19 =	smul.u32 $0xC350, s14;
	s14 =	simm.s32 $0x18400;
	[dreg:$0xd] =	wrdreg s17  }
0x17: {  	s16 =	simm.s32 $0x193A0;
	s25 =	simm.s32 $0x18BC0;
	[dreg:$0xe] =	wrdreg s18  }
0x18: {  	s21 =	sadd.s32 $0x67800, s6;
	s22 =	sadd.s32 $0x69080, s6;
	[dreg:$0xf] =	wrdreg s19  }
0x19: {  	s24 =	sadd.s32 $0x6A900, s6;
	s0 =	sadd.s32 $0x64200, s0;
	[dreg:$0x10] =	wrdreg s21  }
0x1a: {  	s18 =	simm.s32 $0x19780;
	s17 =	simm.s32 $0x1AB00;
	[dreg:$0x11] =	wrdreg s22  }
0x1b: {  	s6 =	simm.s32 $0x3E0;
	s15 =	simm.s32 $0x2;
	[dreg:$0x12] =	wrdreg s24  }
0x1c: {  	v0 =	vimm.f32 $0.0e+00;
	v1 =	vimm.s32 $0x3;
	[dreg:$0x13] =	wrdreg s0;
	s0 =	simm.s32 $0x10400;
	s21 =	simm.s32 $0x19B60  }
0x1d: {  	v2 =	vimm.s32 $0x4;
	v3 =	vimm.s32 $0x5;
	v4 =	vimm.s32 $0x0;
	s22 =	simm.s32 $0x3F0;
	s24 =	simm.s32 $0x3;
	s19 =	simm.s32 $0x0  }
.LBB2_1:
0x1e: {  	[dreg:$0x15] =	wrdreg s19  }
0x1f: {  	s2 =	rddreg [dreg:$0x1]  }
0x20: {  	[tilespmem:s5], [sflag:$0x4] =	stream.linear.gather [hbm4b:s2+s5], $0xC400, $0x38;
	[tilespmem:$0x1E760] =	vst v63  }
0x21: {  	_ =	swait.ge [sflag:s3], $0xC400  }
0x22: {  	[sflag:s3] =	ssyncset.done $0x0  }
0x23: {  	s19 =	rddreg [dreg:$0x6];
	[sflag:s3] =	ssyncadd.s32 $0xFFFF3C00  }
0x24: {  	[tilespmem:s31], [sflag:$0x4] =	stream.linear.gather [hbm4b:s19+s5], $0x4000, $0x38;
	[tilespmem:$0x1E760] =	vst v63  }
0x25: {  	_ =	swait.ge [sflag:s3], $0x4000  }
0x26: {  	[sflag:s3] =	ssyncset.done $0x0  }
0x27: {  	s19 =	rddreg [dreg:$0x7];
	[sflag:s3] =	ssyncadd.s32 $0xFFFFC000  }
0x28: {  	[tilespmem:s0], [sflag:$0x4] =	stream.linear.gather [hbm4b:s19+s5], $0x8000, $0x38;
	[tilespmem:$0x1E760] =	vst v63  }
0x29: {  	_ =	swait.ge [sflag:s3], $0x8000  }
0x2a: {  	[sflag:s3] =	ssyncset.done $0x0  }
0x2b: {  	s19 =	simm.s32 $0x1C280;
	s2 =	rddreg [dreg:$0x8];
	[sflag:s3] =	ssyncadd.s32 $0xFFFF8000  }
0x2c: {  	[tilespmem:s19], [sflag:$0x4] =	stream.linear.gather [hbm4b:s2+s5], $0x10, $0x38;
	[tilespmem:$0x1E760] =	vst v63  }
0x2d: {  	_ =	swait.ge [sflag:s3], $0x10  }
0x2e: {  	[sflag:s3] =	ssyncset.done $0x0  }
0x2f: {  	s2 =	simm.s32 $0x40;
	s19 =	simm.s32 $0x0;
	[sflag:s3] =	ssyncadd.s32 $0xFFFFFFF0  }
.LBB2_2:
0x30: {  	p0 =	sne.s32 s2, $0x1F00;
	[tilespmem:s19+$0x1BAB0] =	vst v0;
	s19 =	smov.u32 s2;
	s2 =	sadd.s32 $0x40, s2  }
.Ltmp0:
0x31: {  	(pc) =	sbr.rel @p0 .LBB2_2-.Ltmp0, $2  }
0x32: {  	_ =	sdelay $0x2  }
0x33: {  	s19 =	sshra.s32 s19, $0x2  }
0x34: {  	[tilespmem:s19+$0x1BAB0] =	vst v0;
	s19 =	simm.s32 $0x1BAB0  }
0x35: {  	[spmem:s20] =	stream.linear.scatter [tilespmem:s19], [sflag:$0x4], $0x7D0, $0x38;
	[tilespmem:$0x1E760] =	vst v63  }
0x36: {  	_ =	swait.ge [sflag:s3], $0x7D0  }
0x37: {  	[sflag:s3] =	ssyncset.done $0x0  }
0x38: {  	s2 =	rddreg [dreg:$0xa];
	[sflag:s3] =	ssyncadd.s32 $0xFFFFF830  }
0x39: {  	[spmem:s2] =	stream.linear.scatter [tilespmem:s19], [sflag:$0x4], $0x470, $0x38;
	[tilespmem:$0x1E760] =	vst v63  }
0x3a: {  	_ =	swait.ge [sflag:s3], $0x470  }
0x3b: {  	[sflag:s3] =	ssyncset.done $0x0  }
0x3c: {  	[sflag:s3] =	ssyncadd.s32 $0xFFFFFB90  }
0x3d: {  	[spmem:s26] =	stream.linear.scatter [tilespmem:s19], [sflag:$0x4], $0x7D0, $0x38;
	[tilespmem:$0x1E760] =	vst v63  }
0x3e: {  	_ =	swait.ge [sflag:s3], $0x7D0  }
0x3f: {  	[sflag:s3] =	ssyncset.done $0x0  }
0x40: {  	s20 =	rddreg [dreg:$0xd];
	[sflag:s3] =	ssyncadd.s32 $0xFFFFF830  }
0x41: {  	[spmem:s20] =	stream.linear.scatter [tilespmem:s19], [sflag:$0x4], $0x470, $0x38;
	[tilespmem:$0x1E760] =	vst v63  }
0x42: {  	_ =	swait.ge [sflag:s3], $0x470  }
0x43: {  	[sflag:s3] =	ssyncset.done $0x0  }
0x44: {  	[sflag:s3] =	ssyncadd.s32 $0xFFFFFB90  }
0x45: {  	[spmem:s30] =	stream.linear.scatter [tilespmem:s19], [sflag:$0x4], $0x7D0, $0x38;
	[tilespmem:$0x1E760] =	vst v63  }
0x46: {  	_ =	swait.ge [sflag:s3], $0x7D0  }
0x47: {  	[sflag:s3] =	ssyncset.done $0x0  }
0x48: {  	s26 =	rddreg [dreg:$0xe];
	[sflag:s3] =	ssyncadd.s32 $0xFFFFF830  }
0x49: {  	[spmem:s26] =	stream.linear.scatter [tilespmem:s19], [sflag:$0x4], $0x470, $0x38;
	[tilespmem:$0x1E760] =	vst v63  }
0x4a: {  	_ =	swait.ge [sflag:s3], $0x470  }
0x4b: {  	[sflag:s3] =	ssyncset.done $0x0  }
0x4c: {  	[sflag:s3] =	ssyncadd.s32 $0xFFFFFB90  }
0x4d: {  	s30 =	simm.s32 $0x1C280;
	[bflag:$0x0] =	sbarrier.arrive $0xFFFF  }
0x4e: {  	v5 =	vld.idx.msk [tilespmem:v1+s30+$0x0], $0xffff  }
0x4f: {  	v7 =	vld.idx.msk [tilespmem:v3+s30+$0x0], $0xffff  }
0x50: {  	v8 =	vimm.f32 $0.0e+00;
	s26 =	simm.s32 $0x0;
	s19 =	simm.s32 $0x0;
	v6 =	vld.idx.msk [tilespmem:v2+s30+$0x0], $0xffff  }
.LBB2_4:
0x51: {  	s2 =	smul.u32 $0x7D0, s19  }
0x52: {  	s20 =	rddreg [dreg:$0xf]  }
0x53: {  	s2 =	sadd.s32 s20, s2  }
0x54: {  	s2 =	sshrl.u32 s2, $0x3  }
0x55: {  	s20 =	sadd.s32 s7, s2  }
0x56: {  	[tilespmem:s14], [sflag:$0x1] =	stream.linear.gather [hbm4b:s20+s26], $0x3E0, $0x38;
	[tilespmem:$0x1E760] =	vst v63  }
0x57: {  	s30 =	simm.s32 $0x187E0;
	s20 =	sadd.s32 s8, s2  }
0x58: {  	[tilespmem:s30], [sflag:$0x1] =	stream.linear.gather [hbm4b:s20+s26], $0x3E0, $0x38;
	[tilespmem:$0x1E760] =	vst v63  }
0x59: {  	s20 =	sadd.s32 s9, s2  }
0x5a: {  	[tilespmem:s16], [sflag:$0x1] =	stream.linear.gather [hbm4b:s20+s26], $0x3E0, $0x38;
	[tilespmem:$0x1E760] =	vst v63  }
0x5b: {  	s20 =	sadd.s32 s10, s2  }
0x5c: {  	[tilespmem:s18], [sflag:$0x1] =	stream.linear.gather [hbm4b:s20+s26], $0x3E0, $0x38;
	[tilespmem:$0x1E760] =	vst v63  }
0x5d: {  	s20 =	sadd.s32 s11, s2  }
0x5e: {  	[tilespmem:s21], [sflag:$0x1] =	stream.linear.gather [hbm4b:s20+s26], $0x3E0, $0x38;
	[tilespmem:$0x1E760] =	vst v63  }
0x5f: {  	s30 =	simm.s32 $0x19F40;
	s20 =	sadd.s32 s12, s2  }
0x60: {  	[tilespmem:s30], [sflag:$0x1] =	stream.linear.gather [hbm4b:s20+s26], $0x3E0, $0x38;
	[tilespmem:$0x1E760] =	vst v63  }
0x61: {  	s20 =	sadd.s32 s13, s2;
	s30 =	simm.s32 $0x1B2E0;
	s2 =	sadd.s32 $0x7C, s2  }
0x62: {  	[tilespmem:s30], [sflag:$0x1] =	stream.linear.gather [hbm4b:s20+s26], $0x3E0, $0x38;
	[tilespmem:$0x1E760] =	vst v63  }
0x63: {  	s20 =	sadd.s32 s7, s2  }
0x64: {  	[tilespmem:s25], [sflag:$0x2] =	stream.linear.gather [hbm4b:s20+s26], $0x3F0, $0x38;
	[tilespmem:$0x1E760] =	vst v63  }
0x65: {  	s30 =	simm.s32 $0x18FB0;
	s20 =	sadd.s32 s8, s2  }
0x66: {  	[tilespmem:s30], [sflag:$0x2] =	stream.linear.gather [hbm4b:s20+s26], $0x3F0, $0x38;
	[tilespmem:$0x1E760] =	vst v63  }
0x67: {  	s20 =	sadd.s32 s9, s2  }
0x68: {  	[tilespmem:s28], [sflag:$0x2] =	stream.linear.gather [hbm4b:s20+s26], $0x3F0, $0x38;
	[tilespmem:$0x1E760] =	vst v63  }
0x69: {  	s20 =	sadd.s32 s10, s2  }
0x6a: {  	[tilespmem:s29], [sflag:$0x2] =	stream.linear.gather [hbm4b:s20+s26], $0x3F0, $0x38;
	[tilespmem:$0x1E760] =	vst v63  }
0x6b: {  	s20 =	sadd.s32 s11, s2  }
0x6c: {  	[tilespmem:s17], [sflag:$0x2] =	stream.linear.gather [hbm4b:s20+s26], $0x3F0, $0x38;
	[tilespmem:$0x1E760] =	vst v63  }
0x6d: {  	s30 =	simm.s32 $0x1AEF0;
	s20 =	sadd.s32 s12, s2  }
0x6e: {  	[tilespmem:s30], [sflag:$0x2] =	stream.linear.gather [hbm4b:s20+s26], $0x3F0, $0x38;
	[tilespmem:$0x1E760] =	vst v63  }
0x6f: {  	s2 =	sadd.s32 s13, s2;
	s20 =	simm.s32 $0x1B6C0  }
0x70: {  	[tilespmem:s20], [sflag:$0x2] =	stream.linear.gather [hbm4b:s2+s26], $0x3F0, $0x38;
	[tilespmem:$0x1E760] =	vst v63  }
0x71: {  	_ =	swait.ge [sflag:s1], $0x3E0  }
0x72: {  	[sflag:s1] =	ssyncset.done $0x0  }
0x73: {  	[sflag:s1] =	ssyncadd.s32 $0xFFFFFC20  }
0x74: {  	_ =	swait.ge [sflag:s1], $0x3E0  }
0x75: {  	[sflag:s1] =	ssyncset.done $0x0  }
0x76: {  	[sflag:s1] =	ssyncadd.s32 $0xFFFFFC20  }
0x77: {  	_ =	swait.ge [sflag:s1], $0x3E0  }
0x78: {  	[sflag:s1] =	ssyncset.done $0x0  }
0x79: {  	[sflag:s1] =	ssyncadd.s32 $0xFFFFFC20  }
0x7a: {  	_ =	swait.ge [sflag:s1], $0x3E0  }
0x7b: {  	[sflag:s1] =	ssyncset.done $0x0  }
0x7c: {  	[sflag:s1] =	ssyncadd.s32 $0xFFFFFC20  }
0x7d: {  	_ =	swait.ge [sflag:s1], $0x3E0  }
0x7e: {  	[sflag:s1] =	ssyncset.done $0x0  }
0x7f: {  	[sflag:s1] =	ssyncadd.s32 $0xFFFFFC20  }
0x80: {  	_ =	swait.ge [sflag:s1], $0x3E0  }
0x81: {  	[sflag:s1] =	ssyncset.done $0x0  }
0x82: {  	[sflag:s1] =	ssyncadd.s32 $0xFFFFFC20  }
0x83: {  	_ =	swait.ge [sflag:s1], $0x3E0  }
0x84: {  	[sflag:s1] =	ssyncset.done $0x0  }
0x85: {  	s20 =	simm.s32 $0x0;
	[sflag:s1] =	ssyncadd.s32 $0xFFFFFC20  }
0x86: {  	v9 =	vld [tilespmem:s20+$0x19F40];
	_ =	sdelay $0x1  }
0x87: {  	v10 =	vld [tilespmem:s20+$0x1B2E0];
	_ =	sdelay $0x2  }
0x88: {  	v11 =	vmin.f32 v9, v7  }
0x89: {  	v11 =	vmul.f32 v11, v5  }
0x8a: {  	v12 =	vshrl.u32 v10, $0x1F;
	v13 =	vand.u32 $0x1, v10  }
0x8b: {  	vm0 =	vlt.s32 v10, $0x1;
	vm1 =	veq.s32 v13, $0x1;
	v13 =	vtrunc.f32 v11  }
0x8c: {  	v12 =	vadd.s32 v12, v10;
	vm0 =	vmand vm0, vm1;
	v13 =	vcvt.f32.s32 v13  }
0x8d: {  	v12 =	vshra.s32 v12, $0x1;
	v14 =	vsel vm0, $0xFFFFFFFF, v4  }
0x8e: {  	v10 =	vshll.u32 v10, $0xD;
	v12 =	vadd.s32 v14, v12;
	v14 =	vadd.s32 $0x1, v13  }
0x8f: {  	v15 =	vshll.u32 v12, $0xD;
	v12 =	vshll.u32 v12, $0xE;
	vm13 =	vlt.s32 v14, $0x1FFF  }
0x90: {  	v12 =	vsub.s32 v10, v12;
	v16 =	vadd.s32 v13, v15;
	v14 =	vnsel vm13, $0x1FFF, v14  }
0x91: {  	v17 =	vadd.s32 v14, v12  }
0x92: {  	v12 =	vadd.s32 v13, v12  }
0x93: {  	v18 =	vld [tilespmem:s20+$0x187E0];
	v15 =	vadd.s32 v14, v15  }
0x94: {  	v20 =	vld [tilespmem:s20+$0x18400];
	v14 =	vadd.s32 v10, v14  }
0x95: {  	v10 =	vadd.s32 v13, v10;
	v16 =	vld.idx.msk [tilespmem:v16+s31+$0x0], $0xffff  }
0x96: {  	v17 =	vld.idx.msk [tilespmem:v17+s31+$0x0], $0xffff  }
0x97: {  	v19 =	vld.idx.msk [tilespmem:v12+s31+$0x0], $0xffff  }
0x98: {  	v15 =	vld.idx.msk [tilespmem:v15+s31+$0x0], $0xffff  }
0x99: {  	v14 =	vld.idx.msk [tilespmem:v14+s0+$0x0], $0xffff  }
0x9a: {  	v13 =	vcvt.s32.f32 v13;
	v12 =	vld.idx.msk [tilespmem:v10+s0+$0x0], $0xffff;
	_ =	sdelay $0x1  }
0x9b: {  	v11 =	vsub.f32 v11, v13  }
0x9c: {  	v10 =	vsub.f32 v17, v19;
	v13 =	vsub.f32 v15, v16  }
0x9d: {  	(erf) = vrcp.f32 v9  }
0x9e: {  	v17 =	vsub.f32 v14, v12;
	v14 =	vld.idx.msk [tilespmem:v20+s5+$0x0], $0xffff;
	v10 =	vmul.f32 v11, v10;
	v15 =	vmul.f32 v13, v11  }
0x9f: {  	s30 =	simm.s32 $0x10;
	vm14 =	vlt.f32 v9, v6;
	vm15 =	vgt.f32 v9, $9.999999970e-07;
	v13 =	vld.idx.msk [tilespmem:v18+s5+$0x0], $0xffff  }
0xa0: {  	vm0 =	vmand vm14, vm15;
	v18 =	vadd.f32 v10, v19;
	v19 =	vadd.f32 v15, v16;
	v10 =	vld [tilespmem:s30+$0x1B2E0]  }
0xa1: {  	v15 =	vsel vm0, $0x3F800000, v0;
	v16 =	vmul.f32 v17, v11;
	v11 =	vld [tilespmem:s30+$0x19F40]  }
0xa2: {  	s2 =	simm.s32 $0x80;
	v17 =	vmul.f32 v18, v15;
	v18 =	vmul.f32 v19, v15  }
.LBB2_5:
0xa3: {  	p0 =	sne.s32 s2, $0xF40  }
0xa4: {  	v12 =	vadd.f32 v16, v12;
	v19 =	vmul.f32 v17, v14;
	v13 =	vmul.f32 v18, v13  }
0xa5: {  	v16 =	vshrl.u32 v10, $0x1F;
	v17 =	vand.u32 $0x1, v10  }
0xa6: {  	v12 =	vmul.f32 v12, v15;
	v18 =	vmin.f32 v11, v7;
	v13 =	vadd.f32 v13, v19;
	v14 =	vpop (erf)  }
0xa7: {  	vm0 =	vlt.s32 v10, $0x1;
	vm1 =	veq.s32 v17, $0x1;
	v15 =	vmul.f32 v18, v5  }
0xa8: {  	v16 =	vadd.s32 v16, v10;
	vm0 =	vmand vm0, vm1;
	v17 =	vld [tilespmem:s20+$0x193A0];
	v12 =	vadd.f32 v12, v13  }
0xa9: {  	v16 =	vshra.s32 v16, $0x1;
	v18 =	vsel vm0, $0xFFFFFFFF, v4;
	v13 =	vtrunc.f32 v15;
	v19 =	vld [tilespmem:s20+$0x19780]  }
0xaa: {  	v20 =	vcvt.f32.s32 v13;
	v13 =	vadd.s32 v18, v16;
	v16 =	vld [tilespmem:s20+$0x19B60];
	v14 =	vmul.f32 v12, v14  }
0xab: {  	v10 =	vshll.u32 v10, $0xD;
	v12 =	vmul.f32 v12, v9;
	v9 =	vmovc v11;
	v18 =	vshll.u32 v13, $0xD  }
0xac: {  	v13 =	vshll.u32 v13, $0xE;
	v11 =	vadd.s32 $0x1, v20;
	v14 =	vsub.f32 $0.0e+00, v14  }
0xad: {  	v13 =	vsub.s32 v10, v13;
	v21 =	vadd.s32 v20, v18;
	vm0 =	vlt.s32 v11, $0x1FFF  }
0xae: {  	v11 =	vnsel vm0, $0x1FFF, v11;
	v17 =	vmul.f32 v14, v17;
	v19 =	vmul.f32 v14, v19  }
0xaf: {  	v8 =	vadd.f32 v12, v8;
	v22 =	vadd.s32 v11, v13;
	v14 =	vmul.f32 v14, v16  }
0xb0: {  	v12 =	vadd.s32 v20, v13;
	[tilespmem:s20+$0x193A0] =	vst v17  }
0xb1: {  	v16 =	vadd.s32 v11, v18;
	v13 =	vld [tilespmem:s30+$0x187E0];
	[tilespmem:s20+$0x19780] =	vst v19  }
0xb2: {  	v11 =	vadd.s32 v10, v11;
	v17 =	vld [tilespmem:s30+$0x18400];
	[tilespmem:s20+$0x19B60] =	vst v14;
	s20 =	smov.u32 s30  }
0xb3: {  	v10 =	vadd.s32 v20, v10;
	v18 =	vld.idx.msk [tilespmem:v21+s31+$0x0], $0xffff  }
0xb4: {  	v19 =	vld.idx.msk [tilespmem:v22+s31+$0x0], $0xffff  }
0xb5: {  	v21 =	vld.idx.msk [tilespmem:v12+s31+$0x0], $0xffff  }
0xb6: {  	v16 =	vld.idx.msk [tilespmem:v16+s31+$0x0], $0xffff  }
0xb7: {  	v11 =	vld.idx.msk [tilespmem:v11+s0+$0x0], $0xffff  }
0xb8: {  	v12 =	vld.idx.msk [tilespmem:v10+s0+$0x0], $0xffff  }
0xb9: {  	v10 =	vcvt.s32.f32 v20;
	v13 =	vld.idx.msk [tilespmem:v13+s5+$0x0], $0xffff  }
0xba: {  	v14 =	vld.idx.msk [tilespmem:v17+s5+$0x0], $0xffff  }
0xbb: {  	v17 =	vsub.f32 v15, v10  }
0xbc: {  	v10 =	vsub.f32 v19, v21;
	v15 =	vsub.f32 v16, v18  }
0xbd: {  	(erf) = vrcp.f32 v9  }
.Ltmp1:
0xbe: {  	v16 =	vmul.f32 v17, v10;
	v15 =	vmul.f32 v15, v17;
	(pc) =	sbr.rel @p0 .LBB2_5-.Ltmp1, $4  }
0xbf: {  	vm1 =	vgt.f32 v9, $9.999999970e-07;
	vm0 =	vlt.f32 v9, v6;
	s30 =	sshra.s32 s2, $0x2;
	v19 =	vsub.f32 v11, v12  }
0xc0: {  	vm0 =	vmand vm0, vm1;
	v20 =	vadd.f32 v16, v21;
	v18 =	vadd.f32 v15, v18;
	v10 =	vld [tilespmem:s30+$0x1B2E0]  }
0xc1: {  	v15 =	vsel vm0, $0x3F800000, v0;
	v16 =	vmul.f32 v19, v17;
	v11 =	vld [tilespmem:s30+$0x19F40]  }
0xc2: {  	s2 =	sadd.s32 $0x40, s2;
	v17 =	vmul.f32 v20, v15;
	v18 =	vmul.f32 v18, v15  }
0xc3: {  	_ = 	snop  }
0xc4: {  	v12 =	vadd.f32 v16, v12;
	v14 =	vmul.f32 v17, v14;
	v13 =	vmul.f32 v18, v13;
	_ =	sdelay $0x1  }
0xc5: {  	v12 =	vmul.f32 v12, v15;
	v13 =	vadd.f32 v13, v14  }
0xc6: {  	v14 =	vshrl.u32 v10, $0x1F;
	v15 =	vmin.f32 v11, v7  }
0xc7: {  	v15 =	vmul.f32 v15, v5;
	v12 =	vadd.f32 v12, v13;
	v13 =	vand.u32 $0x1, v10  }
0xc8: {  	v17 =	vld [tilespmem:s20+$0x193A0];
	vm0 =	vlt.s32 v10, $0x1;
	v16 =	vpop (erf);
	vm1 =	veq.s32 v13, $0x1;
	v13 =	vadd.s32 v14, v10  }
0xc9: {  	v14 =	vmul.f32 v12, v16;
	vm0 =	vmand vm0, vm1;
	v16 =	vtrunc.f32 v15  }
0xca: {  	v18 =	vld [tilespmem:s20+$0x19780];
	v13 =	vshra.s32 v13, $0x1;
	v19 =	vsel vm0, $0xFFFFFFFF, v4;
	v16 =	vcvt.f32.s32 v16  }
0xcb: {  	v14 =	vsub.f32 $0.0e+00, v14;
	v13 =	vadd.s32 v19, v13;
	v19 =	vld [tilespmem:s20+$0x19B60]  }
0xcc: {  	v10 =	vshll.u32 v10, $0xD;
	v20 =	vadd.s32 $0x1, v16;
	v21 =	vshll.u32 v13, $0xE  }
0xcd: {  	v13 =	vshll.u32 v13, $0xD;
	v17 =	vmul.f32 v14, v17;
	vm8 =	vlt.s32 v20, $0x1FFF  }
0xce: {  	v21 =	vsub.s32 v10, v21;
	v22 =	vadd.s32 v16, v13;
	v20 =	vnsel vm8, $0x1FFF, v20  }
0xcf: {  	v18 =	vmul.f32 v14, v18;
	[tilespmem:s20+$0x193A0] =	vst v17;
	v17 =	vadd.s32 v20, v21  }
0xd0: {  	v13 =	vadd.s32 v20, v13;
	v14 =	vmul.f32 v14, v19  }
0xd1: {  	v23 =	vld [tilespmem:s30+$0x187E0];
	v19 =	vadd.s32 v16, v21;
	[tilespmem:s20+$0x19780] =	vst v18  }
0xd2: {  	v18 =	vld [tilespmem:s30+$0x18400];
	[tilespmem:s20+$0x19B60] =	vst v14  }
0xd3: {  	v14 =	vadd.s32 v10, v20;
	v20 =	vld.idx.msk [tilespmem:v22+s31+$0x0], $0xffff  }
0xd4: {  	v10 =	vadd.s32 v16, v10;
	v17 =	vld.idx.msk [tilespmem:v17+s31+$0x0], $0xffff  }
0xd5: {  	v13 =	vld.idx.msk [tilespmem:v13+s31+$0x0], $0xffff  }
0xd6: {  	v19 =	vld.idx.msk [tilespmem:v19+s31+$0x0], $0xffff;
	_ =	sdelay $0x1  }
0xd7: {  	v16 =	vcvt.s32.f32 v16;
	v14 =	vld.idx.msk [tilespmem:v14+s0+$0x0], $0xffff  }
0xd8: {  	v10 =	vld.idx.msk [tilespmem:v10+s0+$0x0], $0xffff  }
0xd9: {  	v15 =	vsub.f32 v15, v16  }
0xda: {  	v13 =	vsub.f32 v13, v20;
	v16 =	vsub.f32 v17, v19  }
0xdb: {  	(erf) = vrcp.f32 v11  }
0xdc: {  	v18 =	vld.idx.msk [tilespmem:v18+s5+$0x0], $0xffff;
	v13 =	vmul.f32 v13, v15;
	v16 =	vmul.f32 v15, v16  }
0xdd: {  	vm9 =	vlt.f32 v11, v6;
	vm10 =	vgt.f32 v11, $9.999999970e-07;
	v17 =	vld.idx.msk [tilespmem:v23+s5+$0x0], $0xffff;
	v14 =	vsub.f32 v14, v10  }
0xde: {  	vm0 =	vmand vm9, vm10;
	v13 =	vadd.f32 v13, v20;
	v16 =	vadd.f32 v16, v19  }
0xdf: {  	v19 =	vsel vm0, $0x3F800000, v0;
	v14 =	vmul.f32 v14, v15  }
0xe0: {  	v13 =	vmul.f32 v13, v19;
	v15 =	vmul.f32 v16, v19  }
0xe1: {  	v10 =	vadd.f32 v14, v10  }
0xe2: {  	v13 =	vmul.f32 v13, v17;
	v14 =	vmul.f32 v15, v18  }
0xe3: {  	v10 =	vmul.f32 v10, v19  }
0xe4: {  	v13 =	vadd.f32 v13, v14;
	_ =	sdelay $0x1  }
0xe5: {  	v14 =	vadd.f32 v10, v13  }
0xe6: {  	v10 =	vpop (erf);
	v13 =	vld [tilespmem:s30+$0x193A0]  }
0xe7: {  	v15 =	vld [tilespmem:s30+$0x19780];
	v10 =	vmul.f32 v14, v10  }
0xe8: {  	v16 =	vld [tilespmem:s30+$0x19B60]  }
0xe9: {  	v10 =	vsub.f32 $0.0e+00, v10;
	_ =	sdelay $0x1  }
0xea: {  	v13 =	vmul.f32 v10, v13  }
0xeb: {  	v15 =	vmul.f32 v10, v15  }
0xec: {  	v10 =	vmul.f32 v10, v16;
	[tilespmem:s30+$0x193A0] =	vst v13  }
0xed: {  	[tilespmem:s30+$0x19780] =	vst v15  }
0xee: {  	s2 =	rddreg [dreg:$0x2];
	[tilespmem:s30+$0x19B60] =	vst v10  }
0xef: {  	[spmem:s2] =	stream.indirect.scatter.add.f32 [tilespmem:s16], [sflag:$0x3], $0x1, s14, s6, $0xb8;
	[tilespmem:$0x1E760] =	vst v63  }
0xf0: {  	_ = 	snop  }
0xf1: {  	[spmem:s4] =	stream.indirect.scatter.add.f32 [tilespmem:s18], [sflag:$0x3], $0x1, s14, s6, $0xb8;
	[tilespmem:$0x1E760] =	vst v63  }
0xf2: {  	_ = 	snop  }
0xf3: {  	[spmem:s23] =	stream.indirect.scatter.add.f32 [tilespmem:s21], [sflag:$0x3], $0x1, s14, s6, $0xb8;
	[tilespmem:$0x1E760] =	vst v63  }
0xf4: {  	_ =	swait.ge [sflag:s15], $0x3F0  }
0xf5: {  	[sflag:s15] =	ssyncset.done $0x0  }
0xf6: {  	[sflag:s15] =	ssyncadd.s32 $0xFFFFFC10  }
0xf7: {  	_ =	swait.ge [sflag:s15], $0x3F0  }
0xf8: {  	[sflag:s15] =	ssyncset.done $0x0  }
0xf9: {  	[sflag:s15] =	ssyncadd.s32 $0xFFFFFC10  }
0xfa: {  	_ =	swait.ge [sflag:s15], $0x3F0  }
0xfb: {  	[sflag:s15] =	ssyncset.done $0x0  }
0xfc: {  	[sflag:s15] =	ssyncadd.s32 $0xFFFFFC10  }
0xfd: {  	_ =	swait.ge [sflag:s15], $0x3F0  }
0xfe: {  	[sflag:s15] =	ssyncset.done $0x0  }
0xff: {  	[sflag:s15] =	ssyncadd.s32 $0xFFFFFC10  }
0x100: {  	_ =	swait.ge [sflag:s15], $0x3F0  }
0x101: {  	[sflag:s15] =	ssyncset.done $0x0  }
0x102: {  	[sflag:s15] =	ssyncadd.s32 $0xFFFFFC10  }
0x103: {  	_ =	swait.ge [sflag:s15], $0x3F0  }
0x104: {  	[sflag:s15] =	ssyncset.done $0x0  }
0x105: {  	[sflag:s15] =	ssyncadd.s32 $0xFFFFFC10  }
0x106: {  	_ =	swait.ge [sflag:s15], $0x3F0  }
0x107: {  	[sflag:s15] =	ssyncset.done $0x0  }
0x108: {  	s20 =	simm.s32 $0x0;
	[sflag:s15] =	ssyncadd.s32 $0xFFFFFC10  }
0x109: {  	v10 =	vld [tilespmem:s20+$0x1AEF0];
	_ =	sdelay $0x1  }
0x10a: {  	v13 =	vld [tilespmem:s20+$0x1B6C0];
	_ =	sdelay $0x2  }
0x10b: {  	v15 =	vmin.f32 v10, v7  }
0x10c: {  	v15 =	vmul.f32 v15, v5  }
0x10d: {  	v16 =	vshrl.u32 v13, $0x1F;
	v17 =	vand.u32 $0x1, v13  }
0x10e: {  	vm11 =	vlt.s32 v13, $0x1;
	vm12 =	veq.s32 v17, $0x1;
	v17 =	vtrunc.f32 v15  }
0x10f: {  	v16 =	vadd.s32 v16, v13;
	vm0 =	vmand vm11, vm12;
	v17 =	vcvt.f32.s32 v17  }
0x110: {  	v16 =	vshra.s32 v16, $0x1;
	v18 =	vsel vm0, $0xFFFFFFFF, v4  }
0x111: {  	v13 =	vshll.u32 v13, $0xD;
	v16 =	vadd.s32 v18, v16;
	v18 =	vadd.s32 $0x1, v17  }
0x112: {  	v19 =	vshll.u32 v16, $0xD;
	v16 =	vshll.u32 v16, $0xE;
	vm13 =	vlt.s32 v18, $0x1FFF  }
0x113: {  	v16 =	vsub.s32 v13, v16;
	v20 =	vadd.s32 v17, v19;
	v18 =	vnsel vm13, $0x1FFF, v18  }
0x114: {  	v60 =	vadd.s32 v18, v16  }
0x115: {  	v16 =	vadd.s32 v17, v16  }
0x116: {  	v61 =	vld [tilespmem:s20+$0x18FB0];
	v19 =	vadd.s32 v18, v19  }
0x117: {  	v62 =	vld [tilespmem:s20+$0x18BC0]  }
0x118: {  	v18 =	vadd.s32 v13, v18;
	v20 =	vld.idx.msk [tilespmem:v20+s31+$0x0], $0xffff  }
0x119: {  	v13 =	vadd.s32 v17, v13;
	v21 =	vld.idx.msk [tilespmem:v60+s31+$0x0], $0xffff  }
0x11a: {  	v16 =	vld.idx.msk [tilespmem:v16+s31+$0x0], $0xffff  }
0x11b: {  	v19 =	vld.idx.msk [tilespmem:v19+s31+$0x0], $0xffff;
	_ =	sdelay $0x1  }
0x11c: {  	v17 =	vcvt.s32.f32 v17;
	v18 =	vld.idx.msk [tilespmem:v18+s0+$0x0], $0xffff  }
0x11d: {  	v13 =	vld.idx.msk [tilespmem:v13+s0+$0x0], $0xffff  }
0x11e: {  	v17 =	vsub.f32 v15, v17  }
0x11f: {  	v9 =	vmul.f32 v12, v9;
	v12 =	vsub.f32 v21, v16;
	v15 =	vsub.f32 v19, v20  }
0x120: {  	(erf) = vrcp.f32 v10;
	v19 =	vmul.f32 v14, v11  }
0x121: {  	v8 =	vadd.f32 v9, v8;
	v14 =	vld.idx.msk [tilespmem:v62+s5+$0x0], $0xffff;
	v9 =	vmul.f32 v17, v12;
	v11 =	vmul.f32 v15, v17  }
0x122: {  	s30 =	simm.s32 $0x10;
	vm14 =	vlt.f32 v10, v6;
	vm15 =	vgt.f32 v10, $9.999999970e-07;
	v18 =	vsub.f32 v18, v13;
	v12 =	vld.idx.msk [tilespmem:v61+s5+$0x0], $0xffff  }
0x123: {  	vm0 =	vmand vm14, vm15;
	v63 =	vadd.f32 v9, v16;
	v20 =	vadd.f32 v11, v20;
	v11 =	vld [tilespmem:s30+$0x1B6C0]  }
0x124: {  	v15 =	vsel vm0, $0x3F800000, v0;
	v16 =	vmul.f32 v18, v17;
	v9 =	vld [tilespmem:s30+$0x1AEF0]  }
0x125: {  	s2 =	simm.s32 $0x80;
	v8 =	vadd.f32 v19, v8;
	v17 =	vmul.f32 v63, v15;
	v18 =	vmul.f32 v20, v15  }
.LBB2_7:
0x126: {  	p0 =	sne.s32 s2, $0xF80  }
0x127: {  	v13 =	vadd.f32 v16, v13;
	v19 =	vmul.f32 v17, v14;
	v12 =	vmul.f32 v18, v12  }
0x128: {  	v16 =	vshrl.u32 v11, $0x1F;
	v17 =	vand.u32 $0x1, v11  }
0x129: {  	v13 =	vmul.f32 v13, v15;
	v18 =	vmin.f32 v9, v7;
	v12 =	vadd.f32 v12, v19;
	v14 =	vpop (erf)  }
0x12a: {  	vm0 =	vlt.s32 v11, $0x1;
	vm1 =	veq.s32 v17, $0x1;
	v15 =	vmul.f32 v18, v5  }
0x12b: {  	v16 =	vadd.s32 v16, v11;
	vm0 =	vmand vm0, vm1;
	v17 =	vld [tilespmem:s20+$0x1A320];
	v12 =	vadd.f32 v13, v12  }
0x12c: {  	v16 =	vshra.s32 v16, $0x1;
	v18 =	vsel vm0, $0xFFFFFFFF, v4;
	v13 =	vtrunc.f32 v15;
	v19 =	vld [tilespmem:s20+$0x1A710]  }
0x12d: {  	v20 =	vcvt.f32.s32 v13;
	v13 =	vadd.s32 v18, v16;
	v16 =	vld [tilespmem:s20+$0x1AB00];
	v14 =	vmul.f32 v12, v14  }
0x12e: {  	v11 =	vshll.u32 v11, $0xD;
	v12 =	vmul.f32 v12, v10;
	v10 =	vmovc v9;
	v18 =	vshll.u32 v13, $0xD  }
0x12f: {  	v13 =	vshll.u32 v13, $0xE;
	v9 =	vadd.s32 $0x1, v20;
	v14 =	vsub.f32 $0.0e+00, v14  }
0x130: {  	v13 =	vsub.s32 v11, v13;
	v21 =	vadd.s32 v20, v18;
	vm0 =	vlt.s32 v9, $0x1FFF  }
0x131: {  	v9 =	vnsel vm0, $0x1FFF, v9;
	v17 =	vmul.f32 v14, v17;
	v19 =	vmul.f32 v14, v19  }
0x132: {  	v8 =	vadd.f32 v12, v8;
	v22 =	vadd.s32 v9, v13;
	v14 =	vmul.f32 v14, v16  }
0x133: {  	v12 =	vadd.s32 v20, v13;
	[tilespmem:s20+$0x1A320] =	vst v17  }
0x134: {  	v13 =	vadd.s32 v9, v18;
	v16 =	vld [tilespmem:s30+$0x18FB0];
	[tilespmem:s20+$0x1A710] =	vst v19  }
0x135: {  	v9 =	vadd.s32 v11, v9;
	v17 =	vld [tilespmem:s30+$0x18BC0];
	[tilespmem:s20+$0x1AB00] =	vst v14;
	s20 =	smov.u32 s30  }
0x136: {  	v11 =	vadd.s32 v20, v11;
	v18 =	vld.idx.msk [tilespmem:v21+s31+$0x0], $0xffff  }
0x137: {  	v19 =	vld.idx.msk [tilespmem:v22+s31+$0x0], $0xffff  }
0x138: {  	v21 =	vld.idx.msk [tilespmem:v12+s31+$0x0], $0xffff  }
0x139: {  	v22 =	vld.idx.msk [tilespmem:v13+s31+$0x0], $0xffff  }
0x13a: {  	v9 =	vld.idx.msk [tilespmem:v9+s0+$0x0], $0xffff  }
0x13b: {  	v13 =	vld.idx.msk [tilespmem:v11+s0+$0x0], $0xffff  }
0x13c: {  	v11 =	vcvt.s32.f32 v20;
	v12 =	vld.idx.msk [tilespmem:v16+s5+$0x0], $0xffff  }
0x13d: {  	v14 =	vld.idx.msk [tilespmem:v17+s5+$0x0], $0xffff  }
0x13e: {  	v16 =	vsub.f32 v15, v11  }
0x13f: {  	v11 =	vsub.f32 v19, v21;
	v15 =	vsub.f32 v22, v18  }
0x140: {  	(erf) = vrcp.f32 v10  }
.Ltmp2:
0x141: {  	v17 =	vmul.f32 v16, v11;
	v15 =	vmul.f32 v15, v16;
	(pc) =	sbr.rel @p0 .LBB2_7-.Ltmp2, $4  }
0x142: {  	vm1 =	vgt.f32 v10, $9.999999970e-07;
	vm0 =	vlt.f32 v10, v6;
	s30 =	sshra.s32 s2, $0x2;
	v19 =	vsub.f32 v9, v13  }
0x143: {  	vm0 =	vmand vm0, vm1;
	v17 =	vadd.f32 v17, v21;
	v18 =	vadd.f32 v15, v18;
	v11 =	vld [tilespmem:s30+$0x1B6C0]  }
0x144: {  	v15 =	vsel vm0, $0x3F800000, v0;
	v16 =	vmul.f32 v19, v16;
	v9 =	vld [tilespmem:s30+$0x1AEF0]  }
0x145: {  	s2 =	sadd.s32 $0x40, s2;
	v17 =	vmul.f32 v17, v15;
	v18 =	vmul.f32 v18, v15  }
0x146: {  	v13 =	vadd.f32 v16, v13  }
0x147: {  	v14 =	vmul.f32 v17, v14;
	v12 =	vmul.f32 v18, v12  }
0x148: {  	v13 =	vmul.f32 v13, v15  }
0x149: {  	v41 =	vshrl.u32 v11, $0x1F;
	v43 =	vand.u32 $0x1, v11;
	v12 =	vadd.f32 v12, v14  }
0x14a: {  	vm0 =	vlt.s32 v11, $0x1;
	v42 =	vmin.f32 v9, v7;
	vm1 =	veq.s32 v43, $0x1  }
0x14b: {  	v46 =	vadd.s32 v41, v11;
	v15 =	vmul.f32 v42, v5;
	v12 =	vadd.f32 v13, v12  }
0x14c: {  	v45 =	vld [tilespmem:s20+$0x1A320];
	v44 =	vpop (erf);
	vm0 =	vmand vm0, vm1;
	v13 =	vshra.s32 v46, $0x1  }
0x14d: {  	v49 =	vld [tilespmem:s20+$0x1A710];
	v19 =	vsel vm0, $0xFFFFFFFF, v4;
	v48 =	vtrunc.f32 v15;
	v47 =	vmul.f32 v12, v44  }
0x14e: {  	v50 =	vld [tilespmem:s20+$0x1AB00];
	v13 =	vadd.s32 v19, v13;
	v16 =	vcvt.f32.s32 v48  }
0x14f: {  	v11 =	vshll.u32 v11, $0xD;
	v21 =	vshll.u32 v13, $0xE;
	v14 =	vsub.f32 $0.0e+00, v47  }
0x150: {  	v13 =	vshll.u32 v13, $0xD;
	v21 =	vsub.s32 v11, v21;
	v20 =	vadd.s32 $0x1, v16  }
0x151: {  	v22 =	vadd.s32 v16, v13;
	vm13 =	vlt.s32 v20, $0x1FFF;
	v17 =	vmul.f32 v14, v45  }
0x152: {  	v52 =	vadd.s32 v16, v21;
	v20 =	vnsel vm13, $0x1FFF, v20;
	v18 =	vmul.f32 v14, v49  }
0x153: {  	v14 =	vmul.f32 v14, v50;
	v51 =	vadd.s32 v20, v21;
	[tilespmem:s20+$0x1A320] =	vst v17  }
0x154: {  	v13 =	vadd.s32 v20, v13;
	v23 =	vld [tilespmem:s30+$0x18FB0];
	[tilespmem:s20+$0x1A710] =	vst v18  }
0x155: {  	v18 =	vld [tilespmem:s30+$0x18BC0];
	[tilespmem:s20+$0x1AB00] =	vst v14  }
0x156: {  	v53 =	vadd.s32 v11, v20;
	v54 =	vld.idx.msk [tilespmem:v22+s31+$0x0], $0xffff  }
0x157: {  	v11 =	vadd.s32 v16, v11;
	v19 =	vld.idx.msk [tilespmem:v52+s31+$0x0], $0xffff  }
0x158: {  	v17 =	vld.idx.msk [tilespmem:v51+s31+$0x0], $0xffff  }
0x159: {  	v13 =	vld.idx.msk [tilespmem:v13+s31+$0x0], $0xffff;
	_ =	sdelay $0x1  }
0x15a: {  	v16 =	vcvt.s32.f32 v16;
	v14 =	vld.idx.msk [tilespmem:v53+s0+$0x0], $0xffff  }
0x15b: {  	v11 =	vld.idx.msk [tilespmem:v11+s0+$0x0], $0xffff  }
0x15c: {  	v15 =	vsub.f32 v15, v16  }
0x15d: {  	v55 =	vsub.f32 v17, v19;
	v13 =	vsub.f32 v13, v54  }
0x15e: {  	(erf) = vrcp.f32 v9  }
0x15f: {  	v56 =	vld.idx.msk [tilespmem:v23+s5+$0x0], $0xffff;
	v16 =	vmul.f32 v15, v55;
	v13 =	vmul.f32 v13, v15  }
0x160: {  	vm14 =	vlt.f32 v9, v6;
	vm15 =	vgt.f32 v9, $9.999999970e-07;
	v14 =	vsub.f32 v14, v11;
	v18 =	vld.idx.msk [tilespmem:v18+s5+$0x0], $0xffff  }
0x161: {  	vm0 =	vmand vm14, vm15;
	v16 =	vadd.f32 v16, v19;
	v13 =	vadd.f32 v13, v54  }
0x162: {  	v57 =	vsel vm0, $0x3F800000, v0;
	v14 =	vmul.f32 v14, v15  }
0x163: {  	v58 =	vmul.f32 v16, v57;
	v13 =	vmul.f32 v13, v57;
	_ =	sdelay $0x1  }
0x164: {  	v11 =	vadd.f32 v14, v11;
	v59 =	vmul.f32 v58, v18;
	v13 =	vmul.f32 v13, v56;
	_ =	sdelay $0x1  }
0x165: {  	v11 =	vmul.f32 v11, v57;
	v13 =	vadd.f32 v13, v59;
	_ =	sdelay $0x1  }
0x166: {  	v11 =	vadd.f32 v11, v13  }
0x167: {  	v60 =	vpop (erf);
	v61 =	vld [tilespmem:s30+$0x1A320]  }
0x168: {  	v62 =	vld [tilespmem:s30+$0x1A710];
	v13 =	vmul.f32 v11, v60  }
0x169: {  	v63 =	vld [tilespmem:s30+$0x1AB00]  }
0x16a: {  	v13 =	vsub.f32 $0.0e+00, v13;
	_ =	sdelay $0x1  }
0x16b: {  	v14 =	vmul.f32 v13, v61  }
0x16c: {  	v15 =	vmul.f32 v13, v62  }
0x16d: {  	v13 =	vmul.f32 v13, v63;
	[tilespmem:s30+$0x1A320] =	vst v14  }
0x16e: {  	[tilespmem:s30+$0x1A710] =	vst v15  }
0x16f: {  	s2 =	rddreg [dreg:$0x2];
	[tilespmem:s30+$0x1AB00] =	vst v13  }
0x170: {  	[spmem:s2] =	stream.indirect.scatter.add.f32 [tilespmem:s28], [sflag:$0x3], $0x1, s25, s22, $0xb8;
	[tilespmem:$0x1E760] =	vst v63  }
0x171: {  	_ = 	snop  }
0x172: {  	[spmem:s4] =	stream.indirect.scatter.add.f32 [tilespmem:s29], [sflag:$0x3], $0x1, s25, s22, $0xb8;
	[tilespmem:$0x1E760] =	vst v63  }
0x173: {  	_ = 	snop  }
0x174: {  	[spmem:s23] =	stream.indirect.scatter.add.f32 [tilespmem:s17], [sflag:$0x3], $0x1, s25, s22, $0xb8;
	[tilespmem:$0x1E760] =	vst v63  }
0x175: {  	_ =	swait.ge [sflag:s24], $0x3E0  }
0x176: {  	[sflag:s24] =	ssyncset.done $0x0  }
0x177: {  	[sflag:s24] =	ssyncadd.s32 $0xFFFFFC20  }
0x178: {  	_ =	swait.ge [sflag:s24], $0x3E0  }
0x179: {  	[sflag:s24] =	ssyncset.done $0x0  }
0x17a: {  	[sflag:s24] =	ssyncadd.s32 $0xFFFFFC20  }
0x17b: {  	_ =	swait.ge [sflag:s24], $0x3E0  }
0x17c: {  	[sflag:s24] =	ssyncset.done $0x0  }
0x17d: {  	[sflag:s24] =	ssyncadd.s32 $0xFFFFFC20  }
0x17e: {  	_ =	swait.ge [sflag:s24], $0x3F0  }
0x17f: {  	[sflag:s24] =	ssyncset.done $0x0  }
0x180: {  	s19 =	sadd.s32 $0x1, s19;
	[sflag:s24] =	ssyncadd.s32 $0xFFFFFC10  }
0x181: {  	p0 =	sne.s32 s19, $0x19;
	_ =	swait.ge [sflag:s24], $0x3F0  }
.Ltmp3:
0x182: {  	v10 =	vmul.f32 v12, v10;
	[sflag:s24] =	ssyncset.done $0x0;
	(pc) =	sbr.rel @p0 .LBB2_4-.Ltmp3, $4  }
0x183: {  	[sflag:s24] =	ssyncadd.s32 $0xFFFFFC10  }
0x184: {  	v8 =	vadd.f32 v10, v8;
	v9 =	vmul.f32 v11, v9;
	_ =	swait.ge [sflag:s24], $0x3F0  }
0x185: {  	[sflag:s24] =	ssyncset.done $0x0  }
0x186: {  	v8 =	vadd.f32 v9, v8;
	[sflag:s24] =	ssyncadd.s32 $0xFFFFFC10  }
0x187: {  	s2 =	stileid.u32;
	[bflag:$0x0] =	sbarrier.arrive $0xFFFF  }
0x188: {  	s2 =	sshll.u32 s2, $0x6;
	s20 =	rddreg [dreg:$0x9]  }
0x189: {  	s26 =	rddreg [dreg:$0x10];
	s2 =	sor.u32 $0x1C04, s2;
	s19 =	sshrl.u32 s20, $0x3  }
0x18a: {  	[hbm:s26], [sflag:s2] =	dma.local [spmem:s19], $0x188  }
0x18b: {  	_ =	swait.ge [sflag:s3], $0x188  }
0x18c: {  	[sflag:s3] =	ssyncset.done $0x0;
	s26 =	rddreg [dreg:$0xb]  }
0x18d: {  	s30 =	rddreg [dreg:$0x11];
	[sflag:s3] =	ssyncadd.s32 $0xFFFFFE78;
	s19 =	sshrl.u32 s26, $0x3  }
0x18e: {  	[hbm:s30], [sflag:s2] =	dma.local [spmem:s19], $0x188  }
0x18f: {  	_ =	swait.ge [sflag:s3], $0x188  }
0x190: {  	[sflag:s3] =	ssyncset.done $0x0;
	s30 =	rddreg [dreg:$0xc]  }
0x191: {  	[sflag:s3] =	ssyncadd.s32 $0xFFFFFE78;
	s19 =	sshrl.u32 s30, $0x3;
	s3 =	rddreg [dreg:$0x12]  }
0x192: {  	[hbm:s3], [sflag:s2] =	dma.local [spmem:s19], $0x188  }
0x193: {  	s3 =	simm.s32 $0x4  }
0x194: {  	_ =	swait.ge [sflag:s3], $0x188  }
0x195: {  	[sflag:s3] =	ssyncset.done $0x0  }
0x196: {  	[sflag:s3] =	ssyncadd.s32 $0xFFFFFE78  }
0x197: {  	s19 =	simm.s32 $0x1C290;
	s2 =	rddreg [dreg:$0x13];
	[tilespmem:$0x1C290] =	vst v8  }
0x198: {  	[hbm4b:s2+s5] =	stream.linear.scatter [tilespmem:s19], [sflag:$0x4], $0x10, $0x38;
	[tilespmem:$0x1E760] =	vst v63  }
0x199: {  	_ =	swait.ge [sflag:s3], $0x10  }
0x19a: {  	s2 =	rddreg [dreg:$0x15]  }
0x19b: {  	s19 =	sadd.s32 $0x1, s2;
	s2 =	rddreg [dreg:$0x14]  }
0x19c: {  	p0 =	sne.s32 s19, s2  }
.Ltmp4:
0x19d: {  	_ = 	snop;
	(pc) =	sbr.rel @p0 .LBB2_1-.Ltmp4, $3  }
0x19e: {  	_ =	sdelay $0x1  }
0x19f: {  	[sflag:s3] =	ssyncset.done $0x0  }
0x1a0: {  	[sflag:s3] =	ssyncadd.s32 $0xFFFFFFF0  }
0x1a1: {  	_ =	sfence.sel $0x180000  }
0x1a2: {  	[bflag:$0x0] =	sbarrier.arrive $0xFFFF  }
0x1a3: {  	_ =	strace $0x9000004D  }
0x1a4: {  	s0 =	stileid.u32;
	[bflag:$0x2] =	sbarrier.arrive $0xFFFF  }
0x1a5: {  	p0 =	sne.s32 s0, $0x0;
	s0 =	rddreg [dreg:$0x5]  }
0x1a6: {  	s0 =	sadd.s32 @!p0 $0x100000, s0  }
0x1a7: {  	[sflag:s0] =	ssyncadd.tile.s32 @!p0 $0x1;
	_ =	shalt  }
.Lfunc_end2:
_tile_overlayer_lowered:
.L_overlay_start_2:
0x1a8: {  	(tag) =	ssettag $0x2  }
0x1a9: {  	s0 =	rddreg [dreg:$0x0];
	s2 =	stileid.u32  }
0x1aa: {  	s1 =	rddreg [dreg:$0x1];
	p0 =	sne.s32 s2, $0x0  }
0x1ab: {  	s3 =	rddreg [dreg:$0x2];
	[bflag:$0x3] =	sbarrier.arrive $0xFFFF;
	s2 =	simm.s32 @!p0 $0x1C04  }
0x1ac: {  	[timem:s3], [sflag:s2] =	dma.local @!p0 [hbm:s0], s1  }
0x1ad: {  	s0 =	simm.s32 @!p0 $0x4  }
0x1ae: {  	_ =	swait.ge @!p0 [sflag:s0], s1  }
0x1af: {  	s1 =	ssub.s32 @!p0 $0x0, s1;
	[sflag:s0] =	ssyncset.done @!p0 $0x0  }
0x1b0: {  	[sflag:s0] =	ssyncadd.s32 @!p0 s1  }
0x1b1: {  	[bflag:$0x3] =	sbarrier.arrive $0xFFFF  }
0x1b2: {  	_ =	shalt  }

// kernel: kernel.5.cloned.1.call-start
scs
__scs_entry_jumppad:
0x0: {  	(pc) =	sbr.rel $0x88, $3  }
0x1: {  	(tag) =	ssettag $0x0;
	lr =	simm.s32 $0x1  }
0x2: {  	[smem:$0x3F94] =	sst lr;
	_ =	strace $0xD0000000  }
0x3: {  	_ = 	snop  }
0x4: {  	_ = 	snop  }
0x5: {  	_ = 	snop  }
0x6: {  	_ = 	snop  }
0x7: {  	_ = 	snop  }
__scs_overlays_trampoline_lowered:
0x8: {  	[smem:$0x3FA3] =	sst s0  }
0x9: {  	[smem:$0x3FA4] =	sst s1  }
0xa: {  	[smem:$0x3FA5] =	sst s2  }
0xb: {  	[smem:$0x3FA6] =	sst s3  }
0xc: {  	[smem:$0x3FA7] =	sst s4  }
0xd: {  	[smem:$0x3FA8] =	sst s5  }
0xe: {  	[smem:$0x3FA9] =	sst s6  }
0xf: {  	[smem:$0x3FAA] =	sst s7  }
0x10: {  	[smem:$0x3FAB] =	sst s8  }
0x11: {  	[smem:$0x3FAC] =	sst s9;
	s0 =	simm.s32 @!p0 $0x0  }
0x12: {  	s1 =	sld [smem:$0x3F92];
	s0 =	simm.s32 @p0 $0x1  }
0x13: {  	[smem:$0x3FAD] =	sst s0;
	s0 =	simm.s32 @!p1 $0x0  }
0x14: {  	s2 =	sld [smem:$0x3F91];
	s0 =	simm.s32 @p1 $0x1  }
0x15: {  	[smem:$0x3FAE] =	sst s0;
	s0 =	simm.s32 @!p2 $0x0  }
0x16: {  	s3 =	sld [smem:$0x3FDB];
	s0 =	simm.s32 @p2 $0x1  }
0x17: {  	s4 =	simm.s32 $0x1BF5;
	[smem:$0x3FB0] =	sst s0  }
0x18: {  	s0 =	sld [smem:$0x3F93];
	_ =	swait.ge [sflag:s4], $0x0  }
0x19: {  	s7 =	sld [smem:$0x3F94]  }
0x1a: {  	s8 =	sadd.s32 $0xFFFFE003, lr  }
0x1b: {  	s9 =	sadd.s32 $0xFFFFFEF7, lr;
	s5 =	simm.s32 $0xFFFFFFFF;
	p2 =	slt.u32 s8, $0xFFFFF086  }
0x1c: {  	p1 =	slt.u32 s9, $0xF7A;
	s5 =	simm.s32 @!p2 $0x0  }
0x1d: {  	s5 =	simm.s32 @p1 $0x1;
	p0 =	seq.s32 s7, s2  }
0x1e: {  	s7 =	smul.u32 @!p0 $0xF7A, s2;
	p2 =	seq.s32 @!p0 s5, $0x0  }
0x1f: {  	s9 =	smul.u32 $0xF7A, s1;
	s8 =	simm.s32 @!p0 $0x1BF5;
	p2 =	por !p2, p0  }
0x20: {  	[sflag:s8] =	ssyncset.s32 @!p0 $0xFFFFF086;
	s6 =	sadd.s32 @!p0 s3, s7;
	s7 =	simm.s32 @!p0 $0x108  }
0x21: {  	s3 =	sadd.s32 s3, s9;
	s6 =	sadd.s32 @!p0 $0x88, s6;
	s7 =	simm.s32 @p2 $0x1082  }
0x22: {  	[simem:s7], [sflag:s8] =	dma.local @!p0 [hbm:s6], $0xF7A  }
0x23: {  	s9 =	sor.u32 $0xD0000000, s2;
	s6 =	simm.s32 $0x108;
	_ =	swait.ge @!p0 [sflag:s8], $0x0  }
0x24: {  	s3 =	sadd.s32 $0x88, s3;
	s6 =	simm.s32 @!p1 $0x1082;
	[sflag:s4] =	ssyncset.s32 $0xFFFFF086  }
0x25: {  	[simem:s6], [sflag:s4] =	dma.local [hbm:s3], $0xF7A  }
0x26: {  	[smem:$0x3F94] =	sst s1;
	(tag) =	ssettag s2;
	_ =	strace s9  }
0x27: {  	s1 =	sld [smem:$0x3FA4]  }
0x28: {  	s2 =	sld [smem:$0x3FA5]  }
0x29: {  	s4 =	sld [smem:$0x3FA7]  }
0x2a: {  	p0 =	seq.s32 s5, $0x0;
	s5 =	sld [smem:$0x3FA8]  }
0x2b: {  	s6 =	sld [smem:$0x3FA9]  }
0x2c: {  	s7 =	sld [smem:$0x3FAA]  }
0x2d: {  	s3 =	simm.s32 $0x108;
	s8 =	sld [smem:$0x3FAB]  }
0x2e: {  	s3 =	simm.s32 @!p0 $0x1082;
	s9 =	sld [smem:$0x3FAC]  }
0x2f: {  	lr =	sadd.s32 s0, s3;
	s0 =	sld [smem:$0x3FA3]  }
0x30: {  	s3 =	sld [smem:$0x3FA6]  }
0x31: {  	[smem:$0x3FAF] =	sst s10  }
0x32: {  	s10 =	sld [smem:$0x3FAD];
	_ =	sdelay $0x3  }
0x33: {  	p0 =	seq.s32 s10, $0x1;
	s10 =	sld [smem:$0x3FAF];
	_ =	sdelay $0x3  }
0x34: {  	[smem:$0x3FAF] =	sst s10  }
0x35: {  	s10 =	sld [smem:$0x3FAE];
	_ =	sdelay $0x3  }
0x36: {  	p1 =	seq.s32 s10, $0x1;
	s10 =	sld [smem:$0x3FAF];
	_ =	sdelay $0x3  }
0x37: {  	[smem:$0x3FAF] =	sst s10  }
0x38: {  	s10 =	sld [smem:$0x3FB0]  }
0x39: {  	_ = 	snop;
	(pc) =	sbr.ind lr, $3  }
0x3a: {  	_ = 	snop  }
0x3b: {  	_ = 	snop  }
0x3c: {  	p2 =	seq.s32 s10, $0x1;
	s10 =	sld [smem:$0x3FAF]  }
0x3d: {  	_ =	shalt  }
0x3e: {  	_ =	shalt  }
0x3f: {  	_ =	shalt  }
0x40: {  	_ =	shalt  }
0x41: {  	_ =	shalt  }
0x42: {  	_ =	shalt  }
0x43: {  	_ =	shalt  }
0x44: {  	_ =	shalt  }
0x45: {  	_ =	shalt  }
0x46: {  	_ =	shalt  }
0x47: {  	_ =	shalt  }
0x48: {  	_ =	shalt  }
0x49: {  	_ =	shalt  }
0x4a: {  	_ =	shalt  }
0x4b: {  	_ =	shalt  }
0x4c: {  	_ =	shalt  }
0x4d: {  	_ =	shalt  }
0x4e: {  	_ =	shalt  }
0x4f: {  	_ =	shalt  }
0x50: {  	_ =	shalt  }
0x51: {  	_ =	shalt  }
0x52: {  	_ =	shalt  }
0x53: {  	_ =	shalt  }
0x54: {  	_ =	shalt  }
0x55: {  	_ =	shalt  }
0x56: {  	_ =	shalt  }
0x57: {  	_ =	shalt  }
0x58: {  	_ =	shalt  }
0x59: {  	_ =	shalt  }
0x5a: {  	_ =	shalt  }
0x5b: {  	_ =	shalt  }
0x5c: {  	_ =	shalt  }
0x5d: {  	_ =	shalt  }
0x5e: {  	_ =	shalt  }
0x5f: {  	_ =	shalt  }
0x60: {  	_ =	shalt  }
0x61: {  	_ =	shalt  }
0x62: {  	_ =	shalt  }
0x63: {  	_ =	shalt  }
0x64: {  	_ =	shalt  }
0x65: {  	_ =	shalt  }
0x66: {  	_ =	shalt  }
0x67: {  	_ =	shalt  }
0x68: {  	_ =	shalt  }
0x69: {  	_ =	shalt  }
0x6a: {  	_ =	shalt  }
0x6b: {  	_ =	shalt  }
0x6c: {  	_ =	shalt  }
0x6d: {  	_ =	shalt  }
0x6e: {  	_ =	shalt  }
0x6f: {  	_ =	shalt  }
0x70: {  	_ =	shalt  }
0x71: {  	_ =	shalt  }
0x72: {  	_ =	shalt  }
0x73: {  	_ =	shalt  }
0x74: {  	_ =	shalt  }
0x75: {  	_ =	shalt  }
0x76: {  	_ =	shalt  }
0x77: {  	_ =	shalt  }
0x78: {  	_ =	shalt  }
0x79: {  	_ =	shalt  }
0x7a: {  	_ =	shalt  }
0x7b: {  	_ =	shalt  }
0x7c: {  	_ =	shalt  }
0x7d: {  	_ =	shalt  }
0x7e: {  	_ =	shalt  }
0x7f: {  	_ =	shalt  }
0x80: {  	_ =	shalt  }
0x81: {  	_ =	shalt  }
0x82: {  	_ =	shalt  }
0x83: {  	_ =	shalt  }
0x84: {  	_ =	shalt  }
0x85: {  	_ =	shalt  }
0x86: {  	_ =	shalt  }
0x87: {  	_ =	shalt  }
.Lfunc_end0:
.L_simem_size_0:
called_computation_lowered:
.L_overlay_start_0:
0x88: {  	s2 =	sld [smem:$0x3FD9]  }
0x89: {  	s3 =	sld [smem:$0x3FFE];
	_ =	sdelay $0x1  }
0x8a: {  	s1 =	srdreg.scid  }
0x8b: {  	s0 =	sand.u32 $0x1, s1  }
0x8c: {  	s14 =	sshll.u32 s0, $0xA;
	s2 =	sadd.s32 s3, s2  }
0x8d: {  	s2 =	sadd.s32 s2, s14  }
0x8e: {  	[smem:$0x3FBB] =	sst s2  }
0x8f: {  	_ = 	snop  }
0x90: {  	s2 =	sld [smem:$0x3FD0];
	_ =	sdelay $0x2  }
0x91: {  	s15 =	simm.s32 $0xA;
	s4 =	simm.s32 $0x10  }
0x92: {  	[smem:s4], [sflag:s15] =	dma.local [hbm:s2], $0x1  }
0x93: {  	_ =	swait.eq [sflag:s15], $0x1  }
0x94: {  	[sflag:s15] =	ssyncset.done $0x0  }
0x95: {  	[sflag:s15] =	ssyncadd.s32 $0xFFFFFFFF  }
0x96: {  	s16 =	sld [smem:$0x11];
	(tm) =	ssettm $0x1  }
0x97: {  	s17 =	sld [smem:$0x3FFB];
	_ =	sdelay $0x3  }
0x98: {  	_ =	strace s17  }
0x99: {  	s3 =	sld [smem:$0x3FFC];
	_ =	sdelay $0x3  }
0x9a: {  	_ =	strace s3  }
0x9b: {  	s3 =	sld [smem:$0x3FFD];
	_ =	sdelay $0x3  }
0x9c: {  	_ =	strace s3  }
0x9d: {  	_ =	strace $0x8FFFFFFF  }
0x9e: {  	s18 =	sld [smem:$0x3FDB];
	_ =	sdelay $0x1  }
0x9f: {  	s19 =	simm.s32 $_scs_section_size  }
0xa0: {  	s5 =	simm.s32 $_size__tile_overlayer_lowered;
	s6 =	simm.s32 $_tile_overlayer_lowered  }
0xa1: {  	s22 =	simm.s32 $0x1BFF;
	s21 =	sshll.u32 s6, $0x1;
	s3 =	sadd.s32 s19, s18  }
0xa2: {  	s7 =	simm.s32 $0x0;
	s20 =	sshll.u32 s5, $0x1;
	s5 =	sadd.s32 s21, s3  }
0xa3: {  	[timem:s7], [sflag:s22] =	dma.local [hbm:s5], s20  }
0xa4: {  	_ =	swait.ge [sflag:s22], s20  }
0xa5: {  	s4 =	ssub.s32 $0x0, s20;
	[sflag:s22] =	ssyncset.done $0x0  }
0xa6: {  	[sflag:s22] =	ssyncadd.s32 s4;
	_ =	sdelay $0x1  }
0xa7: {  	s23 =	simm.s32 $0x1B8B  }
0xa8: {  	_ =	swait.ge [sflag:s23], $0x1  }
0xa9: {  	[sflag:s23] =	ssyncset.done $0x0  }
0xaa: {  	s25 =	simm.s32 $0x1B8E;
	s24 =	sld [smem:$0x3FFE];
	[sflag:s23] =	ssyncadd.s32 $0xFFFFFFFF  }
0xab: {  	s26 =	simm.s32 $execute0_lowered;
	[smem:$0x3FD2] =	sst s25  }
0xac: {  	s5 =	sshll.u32 s26, $0x1;
	_ =	strace $0x80000046;
	[dreg:$0x1] =	wrdreg $0xFFFFFFFF  }
0xad: {  	s28 =	simm.s32 $_size_execute0_lowered;
	s3 =	sadd.s32 s3, s5;
	[dreg:$0x0] =	wrdreg $0x0  }
0xae: {  	s5 =	sshll.u32 s28, $0x1;
	[dreg:$0x2] =	wrdreg s3  }
0xaf: {  	[dreg:$0x3] =	wrdreg s5  }
0xb0: {  	[dreg:$0x4] =	wrdreg $0xC0  }
0xb1: {  	_ =	task [dreg:s7], $0x5FFFF  }
0xb2: {  	[dreg:$0x1] =	wrdreg $0xFFFFFFFF  }
0xb3: {  	[dreg:$0x0] =	wrdreg $0x60  }
0xb4: {  	[dreg:$0x2] =	wrdreg s24  }
0xb5: {  	[dreg:$0x3] =	wrdreg s16  }
0xb6: {  	[dreg:$0x4] =	wrdreg $0x9  }
0xb7: {  	_ =	task.clear_ibuf [dreg:s7], $0x5FFFF;
	_ =	strace $0x90000046  }
0xb8: {  	s29 =	simm.s32 $0x9;
	_ =	strace $0x80000048  }
0xb9: {  	_ =	swait.ge [sflag:s29], $0x1  }
0xba: {  	[sflag:s29] =	ssyncadd.s32 $0xFFFFFFFF  }
0xbb: {  	_ =	strace $0x90000048  }
0xbc: {  	_ =	sfence  }
0xbd: {  	s30 =	sld [smem:$0x0];
	_ =	sdelay $0x2  }
0xbe: {  	s31 =	sshll.u32 s1, $0xD;
	s1 =	sshrl.u32 s1, $0x2  }
0xbf: {  	s3 =	sand.u32 $0x4000, s31;
	s1 =	sadd.s32 s1, s30  }
0xc0: {  	s0 =	sor.u32 s3, s0;
	s1 =	sshll.u32 s1, $0x11  }
0xc1: {  	s0 =	sor.u32 s1, s0  }
0xc2: {  	s0 =	sadd.s32 $0x8F2B, s0  }
0xc3: {  	[sflag:s0] =	ssyncadd.remote.s32 $0x1  }
0xc4: {  	_ =	sfence.sel $0xFFFF  }
0xc5: {  	[dreg:$0x0] =	wrdreg $0xFFFFFFFF;
	(pc) =	sbr.abs _section_cstart, $3  }
0xc6: {  	[dreg:$0x1] =	wrdreg $0xFFFFFFFF  }
0xc7: {  	_ =	task.clear_ibuf [dreg:s7], $0x2FFFF;
	_ =	strace $0x9FFFFFFF  }
0xc8: {  	(tm) =	ssettm $0x7FFFFFFF  }
0xc9: {  	_ =	shalt  }
tec
execute0_lowered:
.L_overlay_start_1:
0x0: {  	(tag) =	ssettag $0x1  }
0x1: {  	s0 =	rddreg [dreg:$0x0];
	s2 =	srdreg.scid;
	s3 =	simm.s32 $0x0  }
0x2: {  	s6 =	stileid.u32;
	s21 =	simm.s32 $0x4000;
	s17 =	simm.s32 $0x1D220  }
0x3: {  	s23 =	simm.s32 $0x18400;
	s28 =	simm.s32 $0x1;
	s29 =	simm.s32 $0x3E0  }
0x4: {  	s18 =	simm.s32 $0x193A0;
	s19 =	simm.s32 $0x19B60;
	s22 =	simm.s32 $0x4  }
0x5: {  	s1 =	simm.s32 $0x0;
	s20 =	simm.s32 $0x0;
	s2 =	sand.u32 $0x1, s2  }
0x6: {  	[smem:$0x7FF] =	sst s3;
	s4 =	sadd.s32 $0x31A00, s0;
	s7 =	sadd.s32 $0x62800, s0  }
0x7: {  	s10 =	sadd.s32 $0x65200, s0;
	s24 =	sadd.s32 $0x64200, s0;
	s25 =	sadd.s32 $0x67600, s0  }
0x8: {  	s11 =	sadd.s32 $0x98800, s0;
	s12 =	sadd.s32 $0xC9600, s0;
	s13 =	sadd.s32 $0xFA400, s0  }
0x9: {  	s14 =	sadd.s32 $0x12B200, s0;
	_ =	strace $0x80000047;
	[dreg:$0x3] =	wrdreg s10  }
0xa: {  	s15 =	sadd.s32 $0x15C000, s0;
	s5 =	sshll.u32 s2, $0x4;
	[dreg:$0x4] =	wrdreg s24  }
0xb: {  	[dreg:$0x5] =	wrdreg s25;
	s2 =	ssub.s32 $0x2, s2;
	s24 =	simm.s32 $0x18BD0  }
0xc: {  	s25 =	simm.s32 $0x187E0;
	s10 =	simm.s32 $0x3F0;
	s8 =	sor.u32 s6, s5  }
0xd: {  	s5 =	sadd.s32 $0xC00, s0;
	s16 =	sshrl.u32 s2, $0x1;
	s9 =	smul.u32 $0x1880, s8  }
0xe: {  	s26 =	sshll.u32 s8, $0x1;
	s2 =	ssub.s32 s2, s16;
	s8 =	smul.u32 $0xC350, s8  }
0xf: {  	s6 =	sadd.s32 $0x65C00, s0;
	s16 =	simm.s32 $0x5;
	s31 =	smax.u32 s2, $0x1  }
0x10: {  	s2 =	simm.s32 $0x3;
	s9 =	sadd.s32 s9, s0;
	[dreg:$0x6] =	wrdreg s8  }
0x11: {  	s0 =	sadd.s32 s26, s0;
	[dreg:$0x9] =	wrdreg s31;
	s30 =	sadd.s32 $0x67800, s9  }
0x12: {  	v0 =	vimm.f32 $0.0e+00;
	v1 =	vimm.s32 $0x1;
	v2 =	vimm.s32 $0x2;
	s26 =	simm.s32 $0x18FB0;
	s0 =	sadd.s32 $0x800, s0;
	[dreg:$0x7] =	wrdreg s30  }
0x13: {  	v3 =	vimm.s32 $0x3;
	v4 =	vimm.s32 $0x4;
	v5 =	vimm.s32 $0x5;
	s8 =	simm.s32 $0x2;
	s9 =	simm.s32 $0xC000;
	[dreg:$0x8] =	wrdreg s0  }
.LBB2_1:
0x14: {  	s0 =	rddreg [dreg:$0x3]  }
0x15: {  	[tilespmem:s3], [sflag:$0x5] =	stream.linear.gather [hbm4b:s0+s3], $0x4000, $0x38;
	[tilespmem:$0x1D240] =	vst v63  }
0x16: {  	_ =	swait.ge [sflag:s16], $0x4000  }
0x17: {  	[sflag:s16] =	ssyncset.done $0x0  }
0x18: {  	s30 =	rddreg [dreg:$0x4];
	[sflag:s16] =	ssyncadd.s32 $0xFFFFC000  }
0x19: {  	[tilespmem:s21], [sflag:$0x5] =	stream.linear.gather [hbm4b:s30+s3], $0x8000, $0x38;
	[tilespmem:$0x1D240] =	vst v63  }
0x1a: {  	_ =	swait.ge [sflag:s16], $0x8000  }
0x1b: {  	[sflag:s16] =	ssyncset.done $0x0  }
0x1c: {  	s31 =	rddreg [dreg:$0x5];
	[sflag:s16] =	ssyncadd.s32 $0xFFFF8000  }
0x1d: {  	[tilespmem:s17], [sflag:$0x5] =	stream.linear.gather [hbm4b:s31+s3], $0x10, $0x38;
	[tilespmem:$0x1D240] =	vst v63  }
0x1e: {  	_ =	swait.ge [sflag:s16], $0x10  }
0x1f: {  	[sflag:s16] =	ssyncset.done $0x0  }
0x20: {  	s0 =	simm.s32 $0x40;
	[sflag:s16] =	ssyncadd.s32 $0xFFFFFFF0;
	s16 =	simm.s32 $0x0  }
.LBB2_2:
0x21: {  	p0 =	sne.s32 s0, $0x30FC0;
	[tilespmem:s16+$0xC000] =	vst v0;
	s16 =	smov.u32 s0;
	s0 =	sadd.s32 $0x40, s0  }
.Ltmp0:
0x22: {  	(pc) =	sbr.rel @p0 .LBB2_2-.Ltmp0, $2  }
0x23: {  	_ =	sdelay $0x2  }
0x24: {  	s16 =	sshra.s32 s16, $0x2  }
0x25: {  	_ =	sdelay $0x2  }
0x26: {  	[tilespmem:s16+$0xC000] =	vst v0  }
0x27: {  	v6 =	vld.idx.msk [tilespmem:v2+s17+$0x0], $0xffff;
	_ =	sdelay $0x1  }
0x28: {  	v7 =	vld.idx.msk [tilespmem:v1+s17+$0x0], $0xffff  }
0x29: {  	v8 =	vld.idx.msk [tilespmem:v3+s17+$0x0], $0xffff  }
0x2a: {  	v9 =	vld.idx.msk [tilespmem:v4+s17+$0x0], $0xffff  }
0x2b: {  	[dreg:$0xa] =	wrdreg s1;
	v12 =	vimm.f32 $0.0e+00;
	s16 =	simm.s32 $0x0;
	v10 =	vld.idx.msk [tilespmem:v5+s17+$0x0], $0xffff;
	v11 =	vsub.f32 $0.0e+00, v6  }
.LBB2_4:
0x2c: {  	s0 =	smul.u32 $0x7D0, s16  }
0x2d: {  	s17 =	rddreg [dreg:$0x6]  }
0x2e: {  	s0 =	sadd.s32 s17, s0  }
0x2f: {  	s31 =	sshrl.u32 s0, $0x3  }
0x30: {  	s0 =	sadd.s32 s4, s31  }
0x31: {  	[tilespmem:s23], [sflag:$0x1] =	stream.linear.gather [hbm4b:s0+s20], $0x3E0, $0x38;
	[tilespmem:$0x1D240] =	vst v63  }
0x32: {  	s30 =	sadd.s32 $0x7C, s31;
	s0 =	sadd.s32 s5, s31  }
0x33: {  	[tilespmem:s24], [sflag:$0x1] =	stream.linear.gather [hbm4b:s0+s20], $0x3E0, $0x38;
	[tilespmem:$0x1D240] =	vst v63  }
0x34: {  	s0 =	sadd.s32 s4, s30  }
0x35: {  	[tilespmem:s25], [sflag:$0x1] =	stream.linear.gather [hbm4b:s0+s20], $0x3F0, $0x38;
	[tilespmem:$0x1D240] =	vst v63  }
0x36: {  	s0 =	sadd.s32 s5, s30  }
0x37: {  	[tilespmem:s26], [sflag:$0x1] =	stream.linear.gather [hbm4b:s0+s20], $0x3F0, $0x38;
	[tilespmem:$0x1D240] =	vst v63  }
0x38: {  	_ =	swait.ge [sflag:s28], $0x3E0  }
0x39: {  	[sflag:s28] =	ssyncset.done $0x0  }
0x3a: {  	[sflag:s28] =	ssyncadd.s32 $0xFFFFFC20  }
0x3b: {  	_ =	swait.ge [sflag:s28], $0x3E0  }
0x3c: {  	[sflag:s28] =	ssyncset.done $0x0  }
0x3d: {  	[sflag:s28] =	ssyncadd.s32 $0xFFFFFC20  }
0x3e: {  	_ =	swait.ge [sflag:s28], $0x3F0  }
0x3f: {  	[sflag:s28] =	ssyncset.done $0x0  }
0x40: {  	[sflag:s28] =	ssyncadd.s32 $0xFFFFFC10  }
0x41: {  	_ =	swait.ge [sflag:s28], $0x3F0  }
0x42: {  	[sflag:s28] =	ssyncset.done $0x0  }
0x43: {  	[sflag:s28] =	ssyncadd.s32 $0xFFFFFC10  }
0x44: {  	[tilespmem:s18], [sflag:$0x2] =	stream.indirect.gather [hbm4b:s6+s29], $0x1, s23, s29, $0xb8;
	[tilespmem:$0x1D240] =	vst v63  }
0x45: {  	s18 =	simm.s32 $0x19780  }
0x46: {  	[tilespmem:s18], [sflag:$0x2] =	stream.indirect.gather [hbm4b:s7+s29], $0x1, s23, s29, $0xb8;
	[tilespmem:$0x1D240] =	vst v63  }
0x47: {  	s18 =	rddreg [dreg:$0x1]  }
0x48: {  	[tilespmem:s19], [sflag:$0x2] =	stream.indirect.gather [hbm4b:s18+s29], $0x1, s23, s29, $0xb8;
	[tilespmem:$0x1D240] =	vst v63  }
0x49: {  	s19 =	simm.s32 $0x19F40  }
0x4a: {  	[tilespmem:s19], [sflag:$0x2] =	stream.indirect.gather [hbm4b:s6+s29], $0x1, s24, s29, $0xb8;
	[tilespmem:$0x1D240] =	vst v63  }
0x4b: {  	s19 =	simm.s32 $0x1A320  }
0x4c: {  	[tilespmem:s19], [sflag:$0x2] =	stream.indirect.gather [hbm4b:s7+s29], $0x1, s24, s29, $0xb8;
	[tilespmem:$0x1D240] =	vst v63  }
0x4d: {  	s19 =	simm.s32 $0x1A700  }
0x4e: {  	[tilespmem:s19], [sflag:$0x2] =	stream.indirect.gather [hbm4b:s18+s29], $0x1, s24, s29, $0xb8;
	[tilespmem:$0x1D240] =	vst v63  }
0x4f: {  	s17 =	simm.s32 $0x1AAE0  }
0x50: {  	[tilespmem:s17], [sflag:$0x3] =	stream.indirect.gather [hbm4b:s6+s10], $0x1, s25, s10, $0xb8;
	[tilespmem:$0x1D240] =	vst v63  }
0x51: {  	s1 =	simm.s32 $0x1AED0  }
0x52: {  	[tilespmem:s1], [sflag:$0x3] =	stream.indirect.gather [hbm4b:s7+s10], $0x1, s25, s10, $0xb8;
	[tilespmem:$0x1D240] =	vst v63  }
0x53: {  	s17 =	simm.s32 $0x1B2C0  }
0x54: {  	[tilespmem:s17], [sflag:$0x3] =	stream.indirect.gather [hbm4b:s18+s10], $0x1, s25, s10, $0xb8;
	[tilespmem:$0x1D240] =	vst v63  }
0x55: {  	s19 =	simm.s32 $0x1B6B0  }
0x56: {  	[tilespmem:s19], [sflag:$0x3] =	stream.indirect.gather [hbm4b:s6+s10], $0x1, s26, s10, $0xb8;
	[tilespmem:$0x1D240] =	vst v63  }
0x57: {  	s1 =	simm.s32 $0x1BAA0  }
0x58: {  	[tilespmem:s1], [sflag:$0x3] =	stream.indirect.gather [hbm4b:s7+s10], $0x1, s26, s10, $0xb8;
	[tilespmem:$0x1D240] =	vst v63  }
0x59: {  	s17 =	simm.s32 $0x1BE90  }
0x5a: {  	[tilespmem:s17], [sflag:$0x3] =	stream.indirect.gather [hbm4b:s18+s10], $0x1, s26, s10, $0xb8;
	[tilespmem:$0x1D240] =	vst v63  }
0x5b: {  	_ =	swait.ge [sflag:s8], $0x3E0  }
0x5c: {  	[sflag:s8] =	ssyncset.done $0x0  }
0x5d: {  	[sflag:s8] =	ssyncadd.s32 $0xFFFFFC20  }
0x5e: {  	_ =	swait.ge [sflag:s8], $0x3E0  }
0x5f: {  	[sflag:s8] =	ssyncset.done $0x0  }
0x60: {  	[sflag:s8] =	ssyncadd.s32 $0xFFFFFC20  }
0x61: {  	_ =	swait.ge [sflag:s8], $0x3E0  }
0x62: {  	[sflag:s8] =	ssyncset.done $0x0  }
0x63: {  	[sflag:s8] =	ssyncadd.s32 $0xFFFFFC20  }
0x64: {  	_ =	swait.ge [sflag:s8], $0x3E0  }
0x65: {  	[sflag:s8] =	ssyncset.done $0x0  }
0x66: {  	[sflag:s8] =	ssyncadd.s32 $0xFFFFFC20  }
0x67: {  	_ =	swait.ge [sflag:s8], $0x3E0  }
0x68: {  	[sflag:s8] =	ssyncset.done $0x0  }
0x69: {  	[sflag:s8] =	ssyncadd.s32 $0xFFFFFC20  }
0x6a: {  	_ =	swait.ge [sflag:s8], $0x3E0  }
0x6b: {  	[sflag:s8] =	ssyncset.done $0x0  }
0x6c: {  	s19 =	simm.s32 $0x0;
	[sflag:s8] =	ssyncadd.s32 $0xFFFFFC20  }
0x6d: {  	v13 =	vld [tilespmem:s19+$0x19F40]  }
0x6e: {  	v14 =	vld [tilespmem:s19+$0x193A0];
	_ =	sdelay $0x4  }
0x6f: {  	v15 =	vmul.f32 $6.250000000e-02, v14;
	v16 =	vmul.f32 $6.250000000e-02, v13;
	_ =	sdelay $0x1  }
0x70: {  	v15 =	vtrunc.f32 v15;
	v16 =	vtrunc.f32 v16  }
0x71: {  	v15 =	vcvt.f32.s32 v15;
	v16 =	vcvt.f32.s32 v16;
	_ =	sdelay $0x1  }
0x72: {  	v19 =	vld [tilespmem:s19+$0x1A320];
	v17 =	vcvt.s32.f32 v15;
	v18 =	vcvt.s32.f32 v16  }
0x73: {  	v20 =	vld [tilespmem:s19+$0x19780]  }
0x74: {  	v21 =	vld [tilespmem:s19+$0x1A700];
	v17 =	vmul.f32 $1.600000000e+01, v17;
	v18 =	vmul.f32 $1.600000000e+01, v18  }
0x75: {  	v22 =	vld [tilespmem:s19+$0x19B60]  }
0x76: {  	v14 =	vsub.f32 v14, v17;
	v13 =	vsub.f32 v13, v18;
	_ =	sdelay $0x1  }
0x77: {  	v13 =	vsub.f32 v14, v13;
	v14 =	vsub.f32 v20, v19;
	_ =	sdelay $0x1  }
0x78: {  	v17 =	vsub.f32 v22, v21;
	vm0 =	vgt.f32 v13, v6;
	vm1 =	vgt.f32 v14, v6  }
0x79: {  	v18 =	vnsel vm0, $0x0, v7;
	v19 =	vnsel vm1, $0x0, v7  }
0x7a: {  	vm9 =	vgt.f32 v17, v6;
	v13 =	vsub.f32 v13, v18;
	v14 =	vsub.f32 v14, v19  }
0x7b: {  	v18 =	vnsel vm9, $0x0, v7  }
0x7c: {  	v17 =	vsub.f32 v17, v18;
	vm10 =	vlt.f32 v13, v11;
	vm11 =	vlt.f32 v14, v11  }
0x7d: {  	v18 =	vnsel vm10, $0x0, v7;
	v19 =	vnsel vm11, $0x0, v7  }
0x7e: {  	vm12 =	vlt.f32 v17, v11;
	v20 =	vadd.f32 v18, v13;
	v14 =	vadd.f32 v19, v14  }
0x7f: {  	v13 =	vnsel vm12, $0x0, v7  }
0x80: {  	v17 =	vadd.f32 v13, v17;
	v13 =	vmul.f32 v20, v20;
	v18 =	vmul.f32 v14, v14;
	_ =	sdelay $0x1  }
0x81: {  	v13 =	vadd.f32 v13, v18;
	v18 =	vmul.f32 v17, v17;
	_ =	sdelay $0x1  }
0x82: {  	v13 =	vadd.f32 v13, v18;
	_ =	sdelay $0x1  }
0x83: {  	v13 =	vadd.f32 $9.999999960e-13, v13;
	_ =	sdelay $0x1  }
0x84: {  	v18 =	vshra.s32 v13, $0x1;
	v19 =	vmul.f32 $5.000000000e-01, v13  }
0x85: {  	v18 =	vsub.s32 $0x5F3759DF, v18  }
0x86: {  	v60 =	vmul.f32 v18, v19;
	_ =	sdelay $0x1  }
0x87: {  	v21 =	vmul.f32 v18, v60;
	_ =	sdelay $0x1  }
0x88: {  	v21 =	vsub.f32 $1.500000000e+00, v21;
	_ =	sdelay $0x1  }
0x89: {  	v18 =	vmul.f32 v18, v21;
	_ =	sdelay $0x1  }
0x8a: {  	v21 =	vmul.f32 v18, v19;
	_ =	sdelay $0x1  }
0x8b: {  	v21 =	vmul.f32 v21, v18;
	_ =	sdelay $0x1  }
0x8c: {  	v21 =	vsub.f32 $1.500000000e+00, v21;
	_ =	sdelay $0x1  }
0x8d: {  	v18 =	vmul.f32 v21, v18;
	_ =	sdelay $0x1  }
0x8e: {  	v19 =	vmul.f32 v18, v19;
	_ =	sdelay $0x1  }
0x8f: {  	v19 =	vmul.f32 v19, v18;
	_ =	sdelay $0x1  }
0x90: {  	v19 =	vsub.f32 $1.500000000e+00, v19;
	_ =	sdelay $0x1  }
0x91: {  	v18 =	vmul.f32 v19, v18;
	_ =	sdelay $0x1  }
0x92: {  	v61 =	vmul.f32 v18, v13;
	_ =	sdelay $0x1  }
0x93: {  	v13 =	vmin.f32 v61, v10  }
0x94: {  	v13 =	vmul.f32 v13, v8;
	_ =	sdelay $0x1  }
0x95: {  	v18 =	vtrunc.f32 v13  }
0x96: {  	v18 =	vcvt.f32.s32 v18;
	_ =	sdelay $0x1  }
0x97: {  	v19 =	vadd.s32 $0x1, v18  }
0x98: {  	v62 =	vshll.u32 v16, $0xD;
	vm13 =	vlt.s32 v19, $0x1FFF  }
0x99: {  	v23 =	vadd.s32 v18, v62;
	v19 =	vnsel vm13, $0x1FFF, v19  }
0x9a: {  	v22 =	vadd.s32 v62, v19;
	_ =	sdelay $0x3  }
0x9b: {  	v23 =	vld.idx.msk [tilespmem:v23+s3+$0x0], $0xffff  }
0x9c: {  	v22 =	vld.idx.msk [tilespmem:v22+s3+$0x0], $0xffff;
	_ =	sdelay $0x2  }
0x9d: {  	v24 =	vcvt.s32.f32 v18;
	_ =	sdelay $0x1  }
0x9e: {  	v63 =	vld [tilespmem:s19+$0x18400];
	v24 =	vsub.f32 v13, v24;
	v13 =	vsub.f32 v22, v23  }
0x9f: {  	v15 =	vshll.u32 v15, $0x1  }
0xa0: {  	v15 =	vadd.s32 v16, v15;
	v13 =	vmul.f32 v24, v13  }
0xa1: {  	v16 =	vshll.u32 v15, $0xD;
	vm14 =	vlt.f32 v61, v9;
	vm15 =	vgt.f32 v61, $9.999999970e-07  }
0xa2: {  	vm0 =	vmand vm14, vm15;
	v18 =	vadd.s32 v18, v16;
	v23 =	vadd.f32 v13, v23  }
0xa3: {  	v16 =	vadd.s32 v16, v19;
	v13 =	vsel vm0, $0x3F800000, v0  }
0xa4: {  	v19 =	vmul.f32 v23, v13;
	_ =	sdelay $0x1  }
0xa5: {  	[tilespmem:v63+s9+$0x0] =	vst.idx.add.f32.msk $0xffff, v19  }
0xa6: {  	v22 =	vld.idx.msk [tilespmem:v18+s21+$0x0], $0xffff  }
0xa7: {  	s0 =	simm.s32 $0x10;
	v16 =	vld.idx.msk [tilespmem:v16+s21+$0x0], $0xffff  }
0xa8: {  	v18 =	vld [tilespmem:s0+$0x19F40];
	[tilespmem:s19+$0x193A0] =	vst v20  }
0xa9: {  	v19 =	vld [tilespmem:s0+$0x193A0];
	_ =	sdelay $0x3  }
0xaa: {  	v16 =	vsub.f32 v16, v22  }
0xab: {  	[tilespmem:s19+$0x19B60] =	vst v17;
	v20 =	vmul.f32 $6.250000000e-02, v18;
	v17 =	vmul.f32 $6.250000000e-02, v19  }
0xac: {  	[tilespmem:s19+$0x1C280] =	vst v61;
	v16 =	vmul.f32 v24, v16  }
0xad: {  	[tilespmem:s19+$0x1CA50] =	vst v15;
	v20 =	vtrunc.f32 v20;
	v15 =	vtrunc.f32 v17  }
0xae: {  	s17 =	simm.s32 $0x80;
	[tilespmem:s19+$0x19780] =	vst v14;
	v17 =	vcvt.f32.s32 v15;
	v15 =	vcvt.f32.s32 v20;
	v14 =	vadd.f32 v16, v22  }
.LBB2_5:
0xaf: {  	p0 =	sne.s32 s17, $0xF40;
	s18 =	smov.u32 s17;
	s17 =	sadd.s32 $0x40, s17  }
0xb0: {  	v20 =	vcvt.s32.f32 v17;
	v21 =	vcvt.s32.f32 v15;
	v22 =	vld [tilespmem:s0+$0x1A320];
	v16 =	vshll.u32 v17, $0x1  }
0xb1: {  	v13 =	vmul.f32 v14, v13;
	v17 =	vld [tilespmem:s0+$0x19780];
	v16 =	vadd.s32 v15, v16  }
0xb2: {  	v14 =	vmul.f32 $1.600000000e+01, v20;
	v20 =	vmul.f32 $1.600000000e+01, v21;
	v21 =	vld [tilespmem:s0+$0x1A700]  }
0xb3: {  	v12 =	vadd.f32 v13, v12;
	v23 =	vld [tilespmem:s0+$0x19B60]  }
0xb4: {  	v13 =	vsub.f32 v19, v14;
	v14 =	vsub.f32 v18, v20;
	_ =	sdelay $0x1  }
0xb5: {  	v13 =	vsub.f32 v13, v14;
	v14 =	vsub.f32 v17, v22;
	_ =	sdelay $0x1  }
0xb6: {  	vm0 =	vgt.f32 v13, v6;
	vm1 =	vgt.f32 v14, v6;
	v17 =	vsub.f32 v23, v21  }
0xb7: {  	v18 =	vnsel vm0, $0x0, v7;
	v19 =	vnsel vm1, $0x0, v7  }
0xb8: {  	v13 =	vsub.f32 v13, v18;
	v14 =	vsub.f32 v14, v19;
	vm0 =	vgt.f32 v17, v6  }
0xb9: {  	v18 =	vnsel vm0, $0x0, v7  }
0xba: {  	vm0 =	vlt.f32 v13, v11;
	vm1 =	vlt.f32 v14, v11;
	v17 =	vsub.f32 v17, v18  }
0xbb: {  	v18 =	vnsel vm0, $0x0, v7;
	v19 =	vnsel vm1, $0x0, v7  }
0xbc: {  	v20 =	vadd.f32 v18, v13;
	v14 =	vadd.f32 v19, v14;
	vm0 =	vlt.f32 v17, v11  }
0xbd: {  	v13 =	vnsel vm0, $0x0, v7  }
0xbe: {  	v17 =	vadd.f32 v13, v17;
	v13 =	vmul.f32 v20, v20;
	v18 =	vmul.f32 v14, v14;
	_ =	sdelay $0x1  }
0xbf: {  	v13 =	vadd.f32 v13, v18;
	v18 =	vmul.f32 v17, v17;
	_ =	sdelay $0x1  }
0xc0: {  	v13 =	vadd.f32 v13, v18;
	_ =	sdelay $0x1  }
0xc1: {  	v13 =	vadd.f32 $9.999999960e-13, v13;
	_ =	sdelay $0x1  }
0xc2: {  	v18 =	vshra.s32 v13, $0x1;
	v19 =	vmul.f32 $5.000000000e-01, v13  }
0xc3: {  	v18 =	vsub.s32 $0x5F3759DF, v18  }
0xc4: {  	v21 =	vmul.f32 v18, v19;
	_ =	sdelay $0x1  }
0xc5: {  	v21 =	vmul.f32 v18, v21;
	_ =	sdelay $0x1  }
0xc6: {  	v21 =	vsub.f32 $1.500000000e+00, v21;
	_ =	sdelay $0x1  }
0xc7: {  	v18 =	vmul.f32 v18, v21;
	_ =	sdelay $0x1  }
0xc8: {  	v21 =	vmul.f32 v18, v19;
	_ =	sdelay $0x1  }
0xc9: {  	v21 =	vmul.f32 v21, v18;
	_ =	sdelay $0x1  }
0xca: {  	v21 =	vsub.f32 $1.500000000e+00, v21;
	_ =	sdelay $0x1  }
0xcb: {  	v18 =	vmul.f32 v21, v18;
	_ =	sdelay $0x1  }
0xcc: {  	v19 =	vmul.f32 v18, v19;
	_ =	sdelay $0x1  }
0xcd: {  	v19 =	vmul.f32 v19, v18;
	_ =	sdelay $0x1  }
0xce: {  	v19 =	vsub.f32 $1.500000000e+00, v19;
	_ =	sdelay $0x1  }
0xcf: {  	v18 =	vmul.f32 v19, v18;
	_ =	sdelay $0x1  }
0xd0: {  	v21 =	vmul.f32 v18, v13;
	_ =	sdelay $0x1  }
0xd1: {  	vm0 =	vlt.f32 v21, v9;
	vm1 =	vgt.f32 v21, $9.999999970e-07;
	v13 =	vmin.f32 v21, v10  }
0xd2: {  	vm0 =	vmand vm0, vm1;
	v13 =	vmul.f32 v13, v8;
	_ =	sdelay $0x1  }
0xd3: {  	v18 =	vtrunc.f32 v13  }
0xd4: {  	v18 =	vcvt.f32.s32 v18  }
0xd5: {  	v15 =	vshll.u32 v15, $0xD  }
0xd6: {  	v19 =	vcvt.s32.f32 v18;
	v22 =	vadd.s32 $0x1, v18;
	v23 =	vadd.s32 v18, v15  }
0xd7: {  	vm1 =	vlt.s32 v22, $0x1FFF  }
0xd8: {  	v22 =	vnsel vm1, $0x1FFF, v22  }
0xd9: {  	v15 =	vadd.s32 v15, v22;
	_ =	sdelay $0x3  }
0xda: {  	v23 =	vld.idx.msk [tilespmem:v23+s3+$0x0], $0xffff  }
0xdb: {  	v15 =	vld.idx.msk [tilespmem:v15+s3+$0x0], $0xffff;
	_ =	sdelay $0x5  }
0xdc: {  	v24 =	vsub.f32 v13, v19;
	v13 =	vsub.f32 v15, v23;
	v15 =	vld [tilespmem:s0+$0x18400];
	_ =	sdelay $0x1  }
0xdd: {  	v13 =	vmul.f32 v24, v13  }
0xde: {  	v19 =	vshll.u32 v16, $0xD  }
0xdf: {  	v18 =	vadd.s32 v18, v19;
	v19 =	vadd.s32 v19, v22;
	v23 =	vadd.f32 v13, v23  }
0xe0: {  	v13 =	vsel vm0, $0x3F800000, v0  }
0xe1: {  	v22 =	vmul.f32 v23, v13;
	_ =	sdelay $0x1  }
0xe2: {  	[tilespmem:v15+s9+$0x0] =	vst.idx.add.f32.msk $0xffff, v22  }
0xe3: {  	s18 =	sshra.s32 s18, $0x2;
	v22 =	vld.idx.msk [tilespmem:v18+s21+$0x0], $0xffff  }
0xe4: {  	v15 =	vld.idx.msk [tilespmem:v19+s21+$0x0], $0xffff  }
0xe5: {  	v18 =	vld [tilespmem:s18+$0x19F40];
	[tilespmem:s0+$0x193A0] =	vst v20  }
0xe6: {  	v19 =	vld [tilespmem:s18+$0x193A0];
	[tilespmem:s0+$0x19B60] =	vst v17  }
0xe7: {  	[tilespmem:s0+$0x1C280] =	vst v21  }
0xe8: {  	[tilespmem:s0+$0x1CA50] =	vst v16  }
0xe9: {  	[tilespmem:s0+$0x19780] =	vst v14;
	s0 =	smov.u32 s18  }
.Ltmp1:
0xea: {  	v14 =	vsub.f32 v15, v22;
	(pc) =	sbr.rel @p0 .LBB2_5-.Ltmp1, $4  }
0xeb: {  	v16 =	vmul.f32 $6.250000000e-02, v18;
	v15 =	vmul.f32 $6.250000000e-02, v19  }
0xec: {  	v14 =	vmul.f32 v24, v14  }
0xed: {  	v16 =	vtrunc.f32 v16;
	v15 =	vtrunc.f32 v15  }
0xee: {  	v14 =	vadd.f32 v14, v22;
	v17 =	vcvt.f32.s32 v15;
	v15 =	vcvt.f32.s32 v16  }
0xef: {  	_ = 	snop  }
0xf0: {  	v21 =	vld [tilespmem:s0+$0x1A320];
	v16 =	vcvt.s32.f32 v17;
	v20 =	vcvt.s32.f32 v15  }
0xf1: {  	v22 =	vld [tilespmem:s0+$0x19780]  }
0xf2: {  	v23 =	vld [tilespmem:s0+$0x1A700];
	v16 =	vmul.f32 $1.600000000e+01, v16;
	v20 =	vmul.f32 $1.600000000e+01, v20  }
0xf3: {  	v24 =	vld [tilespmem:s0+$0x19B60]  }
0xf4: {  	v16 =	vsub.f32 v19, v16;
	v18 =	vsub.f32 v18, v20;
	_ =	sdelay $0x1  }
0xf5: {  	v16 =	vsub.f32 v16, v18;
	v18 =	vsub.f32 v22, v21;
	_ =	sdelay $0x1  }
0xf6: {  	v19 =	vsub.f32 v24, v23;
	vm0 =	vgt.f32 v16, v6;
	vm1 =	vgt.f32 v18, v6  }
0xf7: {  	v20 =	vnsel vm0, $0x0, v7;
	v21 =	vnsel vm1, $0x0, v7  }
0xf8: {  	vm12 =	vgt.f32 v19, v6;
	v16 =	vsub.f32 v16, v20;
	v18 =	vsub.f32 v18, v21  }
0xf9: {  	v20 =	vnsel vm12, $0x0, v7  }
0xfa: {  	v19 =	vsub.f32 v19, v20;
	vm13 =	vlt.f32 v16, v11;
	vm14 =	vlt.f32 v18, v11  }
0xfb: {  	v20 =	vnsel vm13, $0x0, v7;
	v21 =	vnsel vm14, $0x0, v7  }
0xfc: {  	vm15 =	vlt.f32 v19, v11;
	v20 =	vadd.f32 v20, v16;
	v21 =	vadd.f32 v21, v18  }
0xfd: {  	v16 =	vnsel vm15, $0x0, v7  }
0xfe: {  	v22 =	vadd.f32 v16, v19;
	v16 =	vmul.f32 v20, v20;
	v18 =	vmul.f32 v21, v21;
	_ =	sdelay $0x1  }
0xff: {  	v16 =	vadd.f32 v16, v18;
	v18 =	vmul.f32 v22, v22;
	_ =	sdelay $0x1  }
0x100: {  	v16 =	vadd.f32 v16, v18;
	_ =	sdelay $0x1  }
0x101: {  	v16 =	vadd.f32 $9.999999960e-13, v16;
	_ =	sdelay $0x1  }
0x102: {  	v18 =	vshra.s32 v16, $0x1;
	v19 =	vmul.f32 $5.000000000e-01, v16  }
0x103: {  	v18 =	vsub.s32 $0x5F3759DF, v18  }
0x104: {  	v23 =	vmul.f32 v18, v19;
	_ =	sdelay $0x1  }
0x105: {  	v23 =	vmul.f32 v18, v23;
	_ =	sdelay $0x1  }
0x106: {  	v23 =	vsub.f32 $1.500000000e+00, v23;
	_ =	sdelay $0x1  }
0x107: {  	v18 =	vmul.f32 v18, v23;
	_ =	sdelay $0x1  }
0x108: {  	v23 =	vmul.f32 v18, v19;
	_ =	sdelay $0x1  }
0x109: {  	v23 =	vmul.f32 v23, v18;
	_ =	sdelay $0x1  }
0x10a: {  	v23 =	vsub.f32 $1.500000000e+00, v23;
	_ =	sdelay $0x1  }
0x10b: {  	v18 =	vmul.f32 v23, v18;
	_ =	sdelay $0x1  }
0x10c: {  	v19 =	vmul.f32 v18, v19;
	_ =	sdelay $0x1  }
0x10d: {  	v19 =	vmul.f32 v19, v18;
	_ =	sdelay $0x1  }
0x10e: {  	v19 =	vsub.f32 $1.500000000e+00, v19;
	_ =	sdelay $0x1  }
0x10f: {  	v18 =	vmul.f32 v19, v18;
	_ =	sdelay $0x1  }
0x110: {  	v23 =	vmul.f32 v18, v16;
	_ =	sdelay $0x1  }
0x111: {  	v16 =	vmin.f32 v23, v10  }
0x112: {  	v16 =	vmul.f32 v16, v8;
	_ =	sdelay $0x1  }
0x113: {  	v18 =	vtrunc.f32 v16  }
0x114: {  	v18 =	vcvt.f32.s32 v18;
	_ =	sdelay $0x1  }
0x115: {  	v19 =	vadd.s32 $0x1, v18  }
0x116: {  	v46 =	vshll.u32 v15, $0xD;
	vm4 =	vlt.s32 v19, $0x1FFF  }
0x117: {  	v25 =	vadd.s32 v18, v46;
	v19 =	vnsel vm4, $0x1FFF, v19  }
0x118: {  	v24 =	vadd.s32 v46, v19;
	_ =	sdelay $0x3  }
0x119: {  	v25 =	vld.idx.msk [tilespmem:v25+s3+$0x0], $0xffff  }
0x11a: {  	v24 =	vld.idx.msk [tilespmem:v24+s3+$0x0], $0xffff;
	_ =	sdelay $0x2  }
0x11b: {  	v26 =	vcvt.s32.f32 v18;
	_ =	sdelay $0x1  }
0x11c: {  	v47 =	vld [tilespmem:s0+$0x18400];
	v16 =	vsub.f32 v16, v26;
	v24 =	vsub.f32 v24, v25  }
0x11d: {  	v17 =	vshll.u32 v17, $0x1  }
0x11e: {  	v15 =	vadd.s32 v15, v17;
	v17 =	vmul.f32 v16, v24  }
0x11f: {  	v48 =	vshll.u32 v15, $0xD;
	vm5 =	vlt.f32 v23, v9;
	vm6 =	vgt.f32 v23, $9.999999970e-07  }
0x120: {  	vm0 =	vmand vm5, vm6;
	v18 =	vadd.s32 v18, v48;
	v25 =	vadd.f32 v17, v25  }
0x121: {  	v19 =	vadd.s32 v48, v19;
	v17 =	vsel vm0, $0x3F800000, v0  }
0x122: {  	v49 =	vmul.f32 v25, v17;
	_ =	sdelay $0x1  }
0x123: {  	[tilespmem:v47+s9+$0x0] =	vst.idx.add.f32.msk $0xffff, v49  }
0x124: {  	v18 =	vld.idx.msk [tilespmem:v18+s21+$0x0], $0xffff  }
0x125: {  	v19 =	vld.idx.msk [tilespmem:v19+s21+$0x0], $0xffff;
	[tilespmem:s0+$0x193A0] =	vst v20  }
0x126: {  	[tilespmem:s0+$0x19B60] =	vst v22  }
0x127: {  	[tilespmem:s0+$0x1C280] =	vst v23  }
0x128: {  	[tilespmem:s0+$0x1CA50] =	vst v15  }
0x129: {  	s19 =	sadd.s32 s11, s31;
	s17 =	simm.s32 $0x0;
	s18 =	simm.s32 $0x193A0;
	[tilespmem:s0+$0x19780] =	vst v21  }
0x12a: {  	[hbm4b:s19+s17] =	stream.linear.scatter [tilespmem:s18], [sflag:$0x4], $0x3E0, $0x38;
	[tilespmem:$0x1D240] =	vst v63  }
0x12b: {  	s1 =	sadd.s32 s12, s31;
	s19 =	simm.s32 $0x19780  }
0x12c: {  	[hbm4b:s1+s17] =	stream.linear.scatter [tilespmem:s19], [sflag:$0x4], $0x3E0, $0x38;
	[tilespmem:$0x1D240] =	vst v63  }
0x12d: {  	s1 =	sadd.s32 s13, s31;
	s19 =	simm.s32 $0x19B60  }
0x12e: {  	[hbm4b:s1+s17] =	stream.linear.scatter [tilespmem:s19], [sflag:$0x4], $0x3E0, $0x38;
	[tilespmem:$0x1D240] =	vst v63  }
0x12f: {  	s0 =	sadd.s32 s14, s31;
	s1 =	simm.s32 $0x1C280  }
0x130: {  	[hbm4b:s0+s17] =	stream.linear.scatter [tilespmem:s1], [sflag:$0x4], $0x3E0, $0x38;
	[tilespmem:$0x1D240] =	vst v63  }
0x131: {  	s0 =	sadd.s32 s15, s31;
	s1 =	simm.s32 $0x1CA50  }
0x132: {  	[hbm4b:s0+s17] =	stream.linear.scatter [tilespmem:s1], [sflag:$0x4], $0x3E0, $0x38;
	[tilespmem:$0x1D240] =	vst v63  }
0x133: {  	_ =	swait.ge [sflag:s2], $0x3F0  }
0x134: {  	[sflag:s2] =	ssyncset.done $0x0  }
0x135: {  	[sflag:s2] =	ssyncadd.s32 $0xFFFFFC10  }
0x136: {  	_ =	swait.ge [sflag:s2], $0x3F0  }
0x137: {  	[sflag:s2] =	ssyncset.done $0x0  }
0x138: {  	[sflag:s2] =	ssyncadd.s32 $0xFFFFFC10  }
0x139: {  	_ =	swait.ge [sflag:s2], $0x3F0  }
0x13a: {  	[sflag:s2] =	ssyncset.done $0x0  }
0x13b: {  	[sflag:s2] =	ssyncadd.s32 $0xFFFFFC10  }
0x13c: {  	_ =	swait.ge [sflag:s2], $0x3F0  }
0x13d: {  	[sflag:s2] =	ssyncset.done $0x0  }
0x13e: {  	[sflag:s2] =	ssyncadd.s32 $0xFFFFFC10  }
0x13f: {  	_ =	swait.ge [sflag:s2], $0x3F0  }
0x140: {  	[sflag:s2] =	ssyncset.done $0x0  }
0x141: {  	[sflag:s2] =	ssyncadd.s32 $0xFFFFFC10  }
0x142: {  	_ =	swait.ge [sflag:s2], $0x3F0  }
0x143: {  	[sflag:s2] =	ssyncset.done $0x0  }
0x144: {  	s1 =	simm.s32 $0x0;
	[sflag:s2] =	ssyncadd.s32 $0xFFFFFC10  }
0x145: {  	v15 =	vld [tilespmem:s1+$0x1B6B0]  }
0x146: {  	v20 =	vld [tilespmem:s1+$0x1AAE0];
	_ =	sdelay $0x4  }
0x147: {  	v21 =	vmul.f32 $6.250000000e-02, v20;
	v22 =	vmul.f32 $6.250000000e-02, v15;
	_ =	sdelay $0x1  }
0x148: {  	v21 =	vtrunc.f32 v21;
	v22 =	vtrunc.f32 v22  }
0x149: {  	v21 =	vcvt.f32.s32 v21;
	v22 =	vcvt.f32.s32 v22;
	_ =	sdelay $0x1  }
0x14a: {  	v51 =	vld [tilespmem:s1+$0x1BAA0];
	v23 =	vcvt.s32.f32 v21;
	v50 =	vcvt.s32.f32 v22  }
0x14b: {  	v52 =	vld [tilespmem:s1+$0x1AED0]  }
0x14c: {  	v27 =	vld [tilespmem:s1+$0x1BE90];
	v23 =	vmul.f32 $1.600000000e+01, v23;
	v24 =	vmul.f32 $1.600000000e+01, v50  }
0x14d: {  	v28 =	vld [tilespmem:s1+$0x1B2C0]  }
0x14e: {  	v20 =	vsub.f32 v20, v23;
	v15 =	vsub.f32 v15, v24;
	_ =	sdelay $0x1  }
0x14f: {  	v15 =	vsub.f32 v20, v15;
	v20 =	vsub.f32 v52, v51;
	_ =	sdelay $0x1  }
0x150: {  	v23 =	vsub.f32 v28, v27;
	vm7 =	vgt.f32 v15, v6;
	vm8 =	vgt.f32 v20, v6  }
0x151: {  	v53 =	vnsel vm7, $0x0, v7;
	v54 =	vnsel vm8, $0x0, v7  }
0x152: {  	vm9 =	vgt.f32 v23, v6;
	v15 =	vsub.f32 v15, v53;
	v20 =	vsub.f32 v20, v54  }
0x153: {  	v55 =	vnsel vm9, $0x0, v7  }
0x154: {  	v23 =	vsub.f32 v23, v55;
	vm10 =	vlt.f32 v15, v11;
	vm11 =	vlt.f32 v20, v11  }
0x155: {  	v56 =	vnsel vm10, $0x0, v7;
	v57 =	vnsel vm11, $0x0, v7  }
0x156: {  	vm12 =	vlt.f32 v23, v11;
	v24 =	vadd.f32 v56, v15;
	v25 =	vadd.f32 v57, v20  }
0x157: {  	v15 =	vnsel vm12, $0x0, v7  }
0x158: {  	v23 =	vadd.f32 v15, v23;
	v15 =	vmul.f32 v24, v24;
	v20 =	vmul.f32 v25, v25;
	_ =	sdelay $0x1  }
0x159: {  	v15 =	vadd.f32 v15, v20;
	v20 =	vmul.f32 v23, v23;
	_ =	sdelay $0x1  }
0x15a: {  	v15 =	vadd.f32 v15, v20;
	_ =	sdelay $0x1  }
0x15b: {  	v15 =	vadd.f32 $9.999999960e-13, v15;
	_ =	sdelay $0x1  }
0x15c: {  	v20 =	vshra.s32 v15, $0x1;
	v58 =	vmul.f32 $5.000000000e-01, v15  }
0x15d: {  	v20 =	vsub.s32 $0x5F3759DF, v20  }
0x15e: {  	v59 =	vmul.f32 v20, v58;
	_ =	sdelay $0x1  }
0x15f: {  	v27 =	vmul.f32 v20, v59;
	_ =	sdelay $0x1  }
0x160: {  	v27 =	vsub.f32 $1.500000000e+00, v27;
	_ =	sdelay $0x1  }
0x161: {  	v20 =	vmul.f32 v20, v27;
	_ =	sdelay $0x1  }
0x162: {  	v27 =	vmul.f32 v20, v58;
	_ =	sdelay $0x1  }
0x163: {  	v27 =	vmul.f32 v27, v20;
	_ =	sdelay $0x1  }
0x164: {  	v27 =	vsub.f32 $1.500000000e+00, v27;
	_ =	sdelay $0x1  }
0x165: {  	v20 =	vmul.f32 v27, v20;
	_ =	sdelay $0x1  }
0x166: {  	v26 =	vmul.f32 v20, v58;
	_ =	sdelay $0x1  }
0x167: {  	v26 =	vmul.f32 v26, v20;
	_ =	sdelay $0x1  }
0x168: {  	v26 =	vsub.f32 $1.500000000e+00, v26;
	_ =	sdelay $0x1  }
0x169: {  	v20 =	vmul.f32 v26, v20;
	_ =	sdelay $0x1  }
0x16a: {  	v26 =	vmul.f32 v20, v15;
	_ =	sdelay $0x1  }
0x16b: {  	v15 =	vmin.f32 v26, v10  }
0x16c: {  	v15 =	vmul.f32 v15, v8;
	_ =	sdelay $0x1  }
0x16d: {  	v20 =	vtrunc.f32 v15  }
0x16e: {  	v20 =	vcvt.f32.s32 v20;
	_ =	sdelay $0x1  }
0x16f: {  	v60 =	vadd.s32 $0x1, v20  }
0x170: {  	v61 =	vshll.u32 v22, $0xD;
	vm13 =	vlt.s32 v60, $0x1FFF  }
0x171: {  	v29 =	vadd.s32 v20, v61;
	v27 =	vnsel vm13, $0x1FFF, v60  }
0x172: {  	v28 =	vadd.s32 v61, v27;
	_ =	sdelay $0x3  }
0x173: {  	v29 =	vld.idx.msk [tilespmem:v29+s3+$0x0], $0xffff  }
0x174: {  	v28 =	vld.idx.msk [tilespmem:v28+s3+$0x0], $0xffff;
	_ =	sdelay $0x2  }
0x175: {  	v30 =	vcvt.s32.f32 v20;
	_ =	sdelay $0x1  }
0x176: {  	v62 =	vld [tilespmem:s1+$0x187E0];
	v30 =	vsub.f32 v15, v30;
	v15 =	vsub.f32 v28, v29  }
0x177: {  	v21 =	vshll.u32 v21, $0x1  }
0x178: {  	v21 =	vadd.s32 v22, v21;
	v15 =	vmul.f32 v30, v15  }
0x179: {  	v22 =	vshll.u32 v21, $0xD;
	vm14 =	vlt.f32 v26, v9;
	vm15 =	vgt.f32 v26, $9.999999970e-07  }
0x17a: {  	vm0 =	vmand vm14, vm15;
	v20 =	vadd.s32 v20, v22;
	v29 =	vadd.f32 v15, v29  }
0x17b: {  	v22 =	vadd.s32 v22, v27;
	v15 =	vsel vm0, $0x3F800000, v0  }
0x17c: {  	v63 =	vmul.f32 v29, v15;
	_ =	sdelay $0x1  }
0x17d: {  	[tilespmem:v62+s9+$0x0] =	vst.idx.add.f32.msk $0xffff, v63  }
0x17e: {  	v27 =	vld.idx.msk [tilespmem:v20+s21+$0x0], $0xffff  }
0x17f: {  	s31 =	simm.s32 $0x10;
	v22 =	vld.idx.msk [tilespmem:v22+s21+$0x0], $0xffff;
	v20 =	vsub.f32 v19, v18  }
0x180: {  	v19 =	vld [tilespmem:s31+$0x1B6B0];
	[tilespmem:s1+$0x1AAE0] =	vst v24  }
0x181: {  	v16 =	vmul.f32 v16, v20;
	v20 =	vld [tilespmem:s31+$0x1AAE0];
	_ =	sdelay $0x1  }
0x182: {  	v16 =	vadd.f32 v16, v18  }
0x183: {  	v13 =	vmul.f32 v14, v13  }
0x184: {  	v14 =	vmul.f32 v16, v17;
	v16 =	vsub.f32 v22, v27  }
0x185: {  	v12 =	vadd.f32 v13, v12;
	[tilespmem:s1+$0x1B2C0] =	vst v23;
	v17 =	vmul.f32 $6.250000000e-02, v19;
	v13 =	vmul.f32 $6.250000000e-02, v20  }
0x186: {  	[tilespmem:s1+$0x1C660] =	vst v26;
	v16 =	vmul.f32 v30, v16  }
0x187: {  	[tilespmem:s1+$0x1CE30] =	vst v21;
	v12 =	vadd.f32 v14, v12;
	v17 =	vtrunc.f32 v17;
	v13 =	vtrunc.f32 v13  }
0x188: {  	s0 =	simm.s32 $0x80;
	[tilespmem:s1+$0x1AED0] =	vst v25;
	v14 =	vcvt.f32.s32 v13;
	v13 =	vcvt.f32.s32 v17;
	v16 =	vadd.f32 v16, v27  }
.LBB2_7:
0x189: {  	p0 =	sne.s32 s0, $0xF80;
	s17 =	smov.u32 s0;
	s0 =	sadd.s32 $0x40, s0  }
0x18a: {  	v17 =	vcvt.s32.f32 v14;
	v18 =	vcvt.s32.f32 v13;
	v21 =	vld [tilespmem:s31+$0x1BAA0];
	v14 =	vshll.u32 v14, $0x1  }
0x18b: {  	v15 =	vmul.f32 v16, v15;
	v22 =	vld [tilespmem:s31+$0x1AED0];
	v14 =	vadd.s32 v13, v14  }
0x18c: {  	v16 =	vmul.f32 $1.600000000e+01, v17;
	v17 =	vmul.f32 $1.600000000e+01, v18;
	v18 =	vld [tilespmem:s31+$0x1BE90]  }
0x18d: {  	v12 =	vadd.f32 v15, v12;
	v23 =	vld [tilespmem:s31+$0x1B2C0]  }
0x18e: {  	v15 =	vsub.f32 v20, v16;
	v16 =	vsub.f32 v19, v17;
	_ =	sdelay $0x1  }
0x18f: {  	v15 =	vsub.f32 v15, v16;
	v16 =	vsub.f32 v22, v21;
	_ =	sdelay $0x1  }
0x190: {  	vm0 =	vgt.f32 v15, v6;
	vm1 =	vgt.f32 v16, v6;
	v17 =	vsub.f32 v23, v18  }
0x191: {  	v18 =	vnsel vm0, $0x0, v7;
	v19 =	vnsel vm1, $0x0, v7  }
0x192: {  	v15 =	vsub.f32 v15, v18;
	v16 =	vsub.f32 v16, v19;
	vm0 =	vgt.f32 v17, v6  }
0x193: {  	v18 =	vnsel vm0, $0x0, v7  }
0x194: {  	vm0 =	vlt.f32 v15, v11;
	vm1 =	vlt.f32 v16, v11;
	v17 =	vsub.f32 v17, v18  }
0x195: {  	v18 =	vnsel vm0, $0x0, v7;
	v19 =	vnsel vm1, $0x0, v7  }
0x196: {  	v18 =	vadd.f32 v18, v15;
	v16 =	vadd.f32 v19, v16;
	vm0 =	vlt.f32 v17, v11  }
0x197: {  	v15 =	vnsel vm0, $0x0, v7  }
0x198: {  	v17 =	vadd.f32 v15, v17;
	v15 =	vmul.f32 v18, v18;
	v19 =	vmul.f32 v16, v16;
	_ =	sdelay $0x1  }
0x199: {  	v15 =	vadd.f32 v15, v19;
	v19 =	vmul.f32 v17, v17;
	_ =	sdelay $0x1  }
0x19a: {  	v15 =	vadd.f32 v15, v19;
	_ =	sdelay $0x1  }
0x19b: {  	v15 =	vadd.f32 $9.999999960e-13, v15;
	_ =	sdelay $0x1  }
0x19c: {  	v19 =	vshra.s32 v15, $0x1;
	v20 =	vmul.f32 $5.000000000e-01, v15  }
0x19d: {  	v19 =	vsub.s32 $0x5F3759DF, v19  }
0x19e: {  	v21 =	vmul.f32 v19, v20;
	_ =	sdelay $0x1  }
0x19f: {  	v21 =	vmul.f32 v19, v21;
	_ =	sdelay $0x1  }
0x1a0: {  	v21 =	vsub.f32 $1.500000000e+00, v21;
	_ =	sdelay $0x1  }
0x1a1: {  	v19 =	vmul.f32 v19, v21;
	_ =	sdelay $0x1  }
0x1a2: {  	v21 =	vmul.f32 v19, v20;
	_ =	sdelay $0x1  }
0x1a3: {  	v21 =	vmul.f32 v21, v19;
	_ =	sdelay $0x1  }
0x1a4: {  	v21 =	vsub.f32 $1.500000000e+00, v21;
	_ =	sdelay $0x1  }
0x1a5: {  	v19 =	vmul.f32 v21, v19;
	_ =	sdelay $0x1  }
0x1a6: {  	v20 =	vmul.f32 v19, v20;
	_ =	sdelay $0x1  }
0x1a7: {  	v20 =	vmul.f32 v20, v19;
	_ =	sdelay $0x1  }
0x1a8: {  	v20 =	vsub.f32 $1.500000000e+00, v20;
	_ =	sdelay $0x1  }
0x1a9: {  	v19 =	vmul.f32 v20, v19;
	_ =	sdelay $0x1  }
0x1aa: {  	v21 =	vmul.f32 v19, v15;
	_ =	sdelay $0x1  }
0x1ab: {  	vm0 =	vlt.f32 v21, v9;
	vm1 =	vgt.f32 v21, $9.999999970e-07;
	v15 =	vmin.f32 v21, v10  }
0x1ac: {  	vm0 =	vmand vm0, vm1;
	v15 =	vmul.f32 v15, v8;
	_ =	sdelay $0x1  }
0x1ad: {  	v19 =	vtrunc.f32 v15  }
0x1ae: {  	v19 =	vcvt.f32.s32 v19  }
0x1af: {  	v13 =	vshll.u32 v13, $0xD  }
0x1b0: {  	v20 =	vcvt.s32.f32 v19;
	v22 =	vadd.s32 $0x1, v19;
	v23 =	vadd.s32 v19, v13  }
0x1b1: {  	vm1 =	vlt.s32 v22, $0x1FFF  }
0x1b2: {  	v22 =	vnsel vm1, $0x1FFF, v22  }
0x1b3: {  	v13 =	vadd.s32 v13, v22;
	_ =	sdelay $0x3  }
0x1b4: {  	v23 =	vld.idx.msk [tilespmem:v23+s3+$0x0], $0xffff  }
0x1b5: {  	v13 =	vld.idx.msk [tilespmem:v13+s3+$0x0], $0xffff;
	_ =	sdelay $0x5  }
0x1b6: {  	v24 =	vsub.f32 v15, v20;
	v13 =	vsub.f32 v13, v23;
	v20 =	vld [tilespmem:s31+$0x187E0];
	_ =	sdelay $0x1  }
0x1b7: {  	v13 =	vmul.f32 v24, v13  }
0x1b8: {  	v15 =	vshll.u32 v14, $0xD  }
0x1b9: {  	v19 =	vadd.s32 v19, v15;
	v22 =	vadd.s32 v15, v22;
	v13 =	vadd.f32 v13, v23  }
0x1ba: {  	v15 =	vsel vm0, $0x3F800000, v0  }
0x1bb: {  	v13 =	vmul.f32 v13, v15;
	_ =	sdelay $0x1  }
0x1bc: {  	[tilespmem:v20+s9+$0x0] =	vst.idx.add.f32.msk $0xffff, v13  }
0x1bd: {  	s17 =	sshra.s32 s17, $0x2;
	v23 =	vld.idx.msk [tilespmem:v19+s21+$0x0], $0xffff  }
0x1be: {  	v13 =	vld.idx.msk [tilespmem:v22+s21+$0x0], $0xffff  }
0x1bf: {  	v19 =	vld [tilespmem:s17+$0x1B6B0];
	[tilespmem:s31+$0x1AAE0] =	vst v18  }
0x1c0: {  	v20 =	vld [tilespmem:s17+$0x1AAE0];
	[tilespmem:s31+$0x1B2C0] =	vst v17  }
0x1c1: {  	[tilespmem:s31+$0x1C660] =	vst v21  }
0x1c2: {  	[tilespmem:s31+$0x1CE30] =	vst v14  }
0x1c3: {  	[tilespmem:s31+$0x1AED0] =	vst v16;
	s31 =	smov.u32 s17  }
.Ltmp2:
0x1c4: {  	v13 =	vsub.f32 v13, v23;
	(pc) =	sbr.rel @p0 .LBB2_7-.Ltmp2, $4  }
0x1c5: {  	v16 =	vmul.f32 $6.250000000e-02, v19;
	v14 =	vmul.f32 $6.250000000e-02, v20  }
0x1c6: {  	v17 =	vmul.f32 v24, v13  }
0x1c7: {  	v16 =	vtrunc.f32 v16;
	v13 =	vtrunc.f32 v14  }
0x1c8: {  	v14 =	vcvt.f32.s32 v13;
	v13 =	vcvt.f32.s32 v16;
	v16 =	vadd.f32 v17, v23  }
0x1c9: {  	_ = 	snop  }
0x1ca: {  	v21 =	vld [tilespmem:s31+$0x1BAA0];
	v17 =	vcvt.s32.f32 v14;
	v18 =	vcvt.s32.f32 v13  }
0x1cb: {  	v22 =	vld [tilespmem:s31+$0x1AED0]  }
0x1cc: {  	v23 =	vld [tilespmem:s31+$0x1BE90];
	v17 =	vmul.f32 $1.600000000e+01, v17;
	v18 =	vmul.f32 $1.600000000e+01, v18  }
0x1cd: {  	v24 =	vld [tilespmem:s31+$0x1B2C0]  }
0x1ce: {  	v17 =	vsub.f32 v20, v17;
	v18 =	vsub.f32 v19, v18;
	_ =	sdelay $0x1  }
0x1cf: {  	v44 =	vsub.f32 v22, v21;
	v17 =	vsub.f32 v17, v18;
	_ =	sdelay $0x1  }
0x1d0: {  	v45 =	vsub.f32 v24, v23;
	vm1 =	vgt.f32 v44, v6;
	vm0 =	vgt.f32 v17, v6  }
0x1d1: {  	v47 =	vnsel vm1, $0x0, v7;
	v46 =	vnsel vm0, $0x0, v7  }
0x1d2: {  	vm9 =	vgt.f32 v45, v6;
	v18 =	vsub.f32 v44, v47;
	v17 =	vsub.f32 v17, v46  }
0x1d3: {  	v48 =	vnsel vm9, $0x0, v7  }
0x1d4: {  	v19 =	vsub.f32 v45, v48;
	vm11 =	vlt.f32 v18, v11;
	vm10 =	vlt.f32 v17, v11  }
0x1d5: {  	v50 =	vnsel vm11, $0x0, v7;
	v49 =	vnsel vm10, $0x0, v7  }
0x1d6: {  	vm12 =	vlt.f32 v19, v11;
	v18 =	vadd.f32 v50, v18;
	v17 =	vadd.f32 v49, v17  }
0x1d7: {  	v51 =	vnsel vm12, $0x0, v7  }
0x1d8: {  	v19 =	vadd.f32 v51, v19;
	v21 =	vmul.f32 v18, v18;
	v52 =	vmul.f32 v17, v17;
	_ =	sdelay $0x1  }
0x1d9: {  	v53 =	vmul.f32 v19, v19;
	v20 =	vadd.f32 v52, v21;
	_ =	sdelay $0x1  }
0x1da: {  	v20 =	vadd.f32 v20, v53;
	_ =	sdelay $0x1  }
0x1db: {  	v20 =	vadd.f32 $9.999999960e-13, v20;
	_ =	sdelay $0x1  }
0x1dc: {  	v54 =	vshra.s32 v20, $0x1;
	v55 =	vmul.f32 $5.000000000e-01, v20  }
0x1dd: {  	v21 =	vsub.s32 $0x5F3759DF, v54  }
0x1de: {  	v56 =	vmul.f32 v21, v55;
	_ =	sdelay $0x1  }
0x1df: {  	v23 =	vmul.f32 v21, v56;
	_ =	sdelay $0x1  }
0x1e0: {  	v23 =	vsub.f32 $1.500000000e+00, v23;
	_ =	sdelay $0x1  }
0x1e1: {  	v21 =	vmul.f32 v21, v23;
	_ =	sdelay $0x1  }
0x1e2: {  	v23 =	vmul.f32 v21, v55;
	_ =	sdelay $0x1  }
0x1e3: {  	v23 =	vmul.f32 v23, v21;
	_ =	sdelay $0x1  }
0x1e4: {  	v23 =	vsub.f32 $1.500000000e+00, v23;
	_ =	sdelay $0x1  }
0x1e5: {  	v21 =	vmul.f32 v23, v21;
	_ =	sdelay $0x1  }
0x1e6: {  	v22 =	vmul.f32 v21, v55;
	_ =	sdelay $0x1  }
0x1e7: {  	v22 =	vmul.f32 v22, v21;
	_ =	sdelay $0x1  }
0x1e8: {  	v22 =	vsub.f32 $1.500000000e+00, v22;
	_ =	sdelay $0x1  }
0x1e9: {  	v21 =	vmul.f32 v22, v21;
	_ =	sdelay $0x1  }
0x1ea: {  	v20 =	vmul.f32 v21, v20;
	_ =	sdelay $0x1  }
0x1eb: {  	v21 =	vmin.f32 v20, v10  }
0x1ec: {  	v21 =	vmul.f32 v21, v8;
	_ =	sdelay $0x1  }
0x1ed: {  	v57 =	vtrunc.f32 v21  }
0x1ee: {  	v22 =	vcvt.f32.s32 v57;
	_ =	sdelay $0x1  }
0x1ef: {  	v58 =	vadd.s32 $0x1, v22  }
0x1f0: {  	v59 =	vshll.u32 v13, $0xD;
	vm13 =	vlt.s32 v58, $0x1FFF  }
0x1f1: {  	v25 =	vadd.s32 v22, v59;
	v23 =	vnsel vm13, $0x1FFF, v58  }
0x1f2: {  	v24 =	vadd.s32 v59, v23;
	_ =	sdelay $0x3  }
0x1f3: {  	v25 =	vld.idx.msk [tilespmem:v25+s3+$0x0], $0xffff  }
0x1f4: {  	v24 =	vld.idx.msk [tilespmem:v24+s3+$0x0], $0xffff;
	_ =	sdelay $0x2  }
0x1f5: {  	v26 =	vcvt.s32.f32 v22;
	_ =	sdelay $0x1  }
0x1f6: {  	v60 =	vld [tilespmem:s31+$0x187E0];
	v21 =	vsub.f32 v21, v26;
	v24 =	vsub.f32 v24, v25  }
0x1f7: {  	v14 =	vshll.u32 v14, $0x1  }
0x1f8: {  	v13 =	vadd.s32 v13, v14;
	v14 =	vmul.f32 v21, v24  }
0x1f9: {  	v61 =	vshll.u32 v13, $0xD;
	vm14 =	vlt.f32 v20, v9;
	vm15 =	vgt.f32 v20, $9.999999970e-07  }
0x1fa: {  	vm0 =	vmand vm14, vm15;
	v22 =	vadd.s32 v22, v61;
	v14 =	vadd.f32 v14, v25  }
0x1fb: {  	v62 =	vsel vm0, $0x3F800000, v0;
	v23 =	vadd.s32 v61, v23  }
0x1fc: {  	v14 =	vmul.f32 v14, v62;
	_ =	sdelay $0x1  }
0x1fd: {  	[tilespmem:v60+s9+$0x0] =	vst.idx.add.f32.msk $0xffff, v14  }
0x1fe: {  	v14 =	vld.idx.msk [tilespmem:v22+s21+$0x0], $0xffff  }
0x1ff: {  	v63 =	vld.idx.msk [tilespmem:v23+s21+$0x0], $0xffff;
	[tilespmem:s31+$0x1AAE0] =	vst v17  }
0x200: {  	[tilespmem:s31+$0x1B2C0] =	vst v19  }
0x201: {  	[tilespmem:s31+$0x1C660] =	vst v20  }
0x202: {  	[tilespmem:s31+$0x1CE30] =	vst v13  }
0x203: {  	s0 =	sadd.s32 s11, s30;
	s17 =	simm.s32 $0x1AAE0;
	[tilespmem:s31+$0x1AED0] =	vst v18  }
0x204: {  	[hbm4b:s0+s3] =	stream.linear.scatter [tilespmem:s17], [sflag:$0x4], $0x3F0, $0x38;
	[tilespmem:$0x1D240] =	vst v63  }
0x205: {  	s1 =	simm.s32 $0x1AED0;
	s31 =	sadd.s32 s12, s30  }
0x206: {  	[hbm4b:s31+s3] =	stream.linear.scatter [tilespmem:s1], [sflag:$0x4], $0x3F0, $0x38;
	[tilespmem:$0x1D240] =	vst v63  }
0x207: {  	s17 =	sadd.s32 s13, s30;
	s31 =	simm.s32 $0x1B2C0  }
0x208: {  	[hbm4b:s17+s3] =	stream.linear.scatter [tilespmem:s31], [sflag:$0x4], $0x3F0, $0x38;
	[tilespmem:$0x1D240] =	vst v63  }
0x209: {  	s1 =	sadd.s32 s14, s30;
	s17 =	simm.s32 $0x1C660  }
0x20a: {  	[hbm4b:s1+s3] =	stream.linear.scatter [tilespmem:s17], [sflag:$0x4], $0x3F0, $0x38;
	[tilespmem:$0x1D240] =	vst v63  }
0x20b: {  	s30 =	sadd.s32 s15, s30;
	s31 =	simm.s32 $0x1CE30  }
0x20c: {  	[hbm4b:s30+s3] =	stream.linear.scatter [tilespmem:s31], [sflag:$0x4], $0x3F0, $0x38;
	[tilespmem:$0x1D240] =	vst v63  }
0x20d: {  	_ =	swait.ge [sflag:s22], $0x3E0  }
0x20e: {  	[sflag:s22] =	ssyncset.done $0x0  }
0x20f: {  	[sflag:s22] =	ssyncadd.s32 $0xFFFFFC20  }
0x210: {  	_ =	swait.ge [sflag:s22], $0x3E0  }
0x211: {  	[sflag:s22] =	ssyncset.done $0x0  }
0x212: {  	[sflag:s22] =	ssyncadd.s32 $0xFFFFFC20  }
0x213: {  	_ =	swait.ge [sflag:s22], $0x3E0  }
0x214: {  	[sflag:s22] =	ssyncset.done $0x0  }
0x215: {  	[sflag:s22] =	ssyncadd.s32 $0xFFFFFC20  }
0x216: {  	_ =	swait.ge [sflag:s22], $0x3E0  }
0x217: {  	[sflag:s22] =	ssyncset.done $0x0  }
0x218: {  	[sflag:s22] =	ssyncadd.s32 $0xFFFFFC20  }
0x219: {  	_ =	swait.ge [sflag:s22], $0x3E0  }
0x21a: {  	[sflag:s22] =	ssyncset.done $0x0  }
0x21b: {  	[sflag:s22] =	ssyncadd.s32 $0xFFFFFC20  }
0x21c: {  	_ =	swait.ge [sflag:s22], $0x3F0  }
0x21d: {  	[sflag:s22] =	ssyncset.done $0x0  }
0x21e: {  	[sflag:s22] =	ssyncadd.s32 $0xFFFFFC10  }
0x21f: {  	_ =	swait.ge [sflag:s22], $0x3F0  }
0x220: {  	[sflag:s22] =	ssyncset.done $0x0  }
0x221: {  	[sflag:s22] =	ssyncadd.s32 $0xFFFFFC10  }
0x222: {  	v13 =	vsub.f32 v63, v14;
	_ =	swait.ge [sflag:s22], $0x3F0  }
0x223: {  	[sflag:s22] =	ssyncset.done $0x0  }
0x224: {  	s16 =	sadd.s32 $0x1, s16;
	v13 =	vmul.f32 v21, v13;
	[sflag:s22] =	ssyncadd.s32 $0xFFFFFC10  }
0x225: {  	p0 =	sne.s32 s16, $0x19;
	_ =	swait.ge [sflag:s22], $0x3F0  }
.Ltmp3:
0x226: {  	v15 =	vmul.f32 v16, v15;
	v13 =	vadd.f32 v13, v14;
	[sflag:s22] =	ssyncset.done $0x0;
	(pc) =	sbr.rel @p0 .LBB2_4-.Ltmp3, $4  }
0x227: {  	[sflag:s22] =	ssyncadd.s32 $0xFFFFFC10  }
0x228: {  	v12 =	vadd.f32 v15, v12;
	v13 =	vmul.f32 v13, v62;
	_ =	swait.ge [sflag:s22], $0x3F0  }
0x229: {  	[sflag:s22] =	ssyncset.done $0x0  }
0x22a: {  	v12 =	vadd.f32 v13, v12;
	[sflag:s22] =	ssyncadd.s32 $0xFFFFFC10  }
0x22b: {  	s0 =	rddreg [dreg:$0x7];
	s16 =	simm.s32 $0x5  }
0x22c: {  	[hbm4b:s0+s3] =	stream.linear.scatter [tilespmem:s9], [sflag:$0x5], $0xC400, $0x38;
	[tilespmem:$0x1D240] =	vst v63  }
0x22d: {  	_ =	swait.ge [sflag:s16], $0xC400  }
0x22e: {  	[sflag:s16] =	ssyncset.done $0x0  }
0x22f: {  	[sflag:s16] =	ssyncadd.s32 $0xFFFF3C00  }
0x230: {  	s1 =	simm.s32 $0x1D230;
	s17 =	rddreg [dreg:$0x8];
	[tilespmem:$0x1D230] =	vst v12  }
0x231: {  	[hbm4b:s17+s3] =	stream.linear.scatter [tilespmem:s1], [sflag:$0x5], $0x10, $0x38;
	[tilespmem:$0x1D240] =	vst v63  }
0x232: {  	_ =	swait.ge [sflag:s16], $0x10  }
0x233: {  	s30 =	rddreg [dreg:$0xa]  }
0x234: {  	s31 =	rddreg [dreg:$0x9];
	s1 =	sadd.s32 $0x1, s30  }
0x235: {  	p0 =	sne.s32 s1, s31  }
.Ltmp4:
0x236: {  	_ = 	snop;
	(pc) =	sbr.rel @p0 .LBB2_1-.Ltmp4, $3  }
0x237: {  	_ =	sdelay $0x1  }
0x238: {  	[sflag:s16] =	ssyncset.done $0x0  }
0x239: {  	s17 =	simm.s32 $0x1D220;
	[sflag:s16] =	ssyncadd.s32 $0xFFFFFFF0  }
0x23a: {  	_ =	sfence.sel $0x180000  }
0x23b: {  	[bflag:$0x0] =	sbarrier.arrive $0xFFFF  }
0x23c: {  	_ =	strace $0x90000047  }
0x23d: {  	s0 =	stileid.u32;
	[bflag:$0x2] =	sbarrier.arrive $0xFFFF  }
0x23e: {  	p0 =	sne.s32 s0, $0x0;
	s0 =	rddreg [dreg:$0x2]  }
0x23f: {  	s0 =	sadd.s32 @!p0 $0x100000, s0  }
0x240: {  	[sflag:s0] =	ssyncadd.tile.s32 @!p0 $0x1;
	_ =	shalt  }
.Lfunc_end2:
_tile_overlayer_lowered:
.L_overlay_start_2:
0x241: {  	(tag) =	ssettag $0x2  }
0x242: {  	s0 =	rddreg [dreg:$0x0];
	s2 =	stileid.u32  }
0x243: {  	s1 =	rddreg [dreg:$0x1];
	p0 =	sne.s32 s2, $0x0  }
0x244: {  	s3 =	rddreg [dreg:$0x2];
	[bflag:$0x3] =	sbarrier.arrive $0xFFFF;
	s2 =	simm.s32 @!p0 $0x1C05  }
0x245: {  	[timem:s3], [sflag:s2] =	dma.local @!p0 [hbm:s0], s1  }
0x246: {  	s0 =	simm.s32 @!p0 $0x5  }
0x247: {  	_ =	swait.ge @!p0 [sflag:s0], s1  }
0x248: {  	s1 =	ssub.s32 @!p0 $0x0, s1;
	[sflag:s0] =	ssyncset.done @!p0 $0x0  }
0x249: {  	[sflag:s0] =	ssyncadd.s32 @!p0 s1  }
0x24a: {  	[bflag:$0x3] =	sbarrier.arrive $0xFFFF  }
0x24b: {  	_ =	shalt  }

// kernel: kernel.8.cloned.1.call-start
scs
__scs_entry_jumppad:
0x0: {  	(pc) =	sbr.rel $0x88, $3  }
0x1: {  	(tag) =	ssettag $0x0;
	lr =	simm.s32 $0x1  }
0x2: {  	[smem:$0x3F94] =	sst lr;
	_ =	strace $0xD0000000  }
0x3: {  	_ = 	snop  }
0x4: {  	_ = 	snop  }
0x5: {  	_ = 	snop  }
0x6: {  	_ = 	snop  }
0x7: {  	_ = 	snop  }
__scs_overlays_trampoline_lowered:
0x8: {  	[smem:$0x3FA3] =	sst s0  }
0x9: {  	[smem:$0x3FA4] =	sst s1  }
0xa: {  	[smem:$0x3FA5] =	sst s2  }
0xb: {  	[smem:$0x3FA6] =	sst s3  }
0xc: {  	[smem:$0x3FA7] =	sst s4  }
0xd: {  	[smem:$0x3FA8] =	sst s5  }
0xe: {  	[smem:$0x3FA9] =	sst s6  }
0xf: {  	[smem:$0x3FAA] =	sst s7  }
0x10: {  	[smem:$0x3FAB] =	sst s8  }
0x11: {  	[smem:$0x3FAC] =	sst s9;
	s0 =	simm.s32 @!p0 $0x0  }
0x12: {  	s1 =	sld [smem:$0x3F92];
	s0 =	simm.s32 @p0 $0x1  }
0x13: {  	[smem:$0x3FAD] =	sst s0;
	s0 =	simm.s32 @!p1 $0x0  }
0x14: {  	s2 =	sld [smem:$0x3F91];
	s0 =	simm.s32 @p1 $0x1  }
0x15: {  	[smem:$0x3FAE] =	sst s0;
	s0 =	simm.s32 @!p2 $0x0  }
0x16: {  	s3 =	sld [smem:$0x3FDB];
	s0 =	simm.s32 @p2 $0x1  }
0x17: {  	s4 =	simm.s32 $0x1BF5;
	[smem:$0x3FB0] =	sst s0  }
0x18: {  	s0 =	sld [smem:$0x3F93];
	_ =	swait.ge [sflag:s4], $0x0  }
0x19: {  	s7 =	sld [smem:$0x3F94]  }
0x1a: {  	s8 =	sadd.s32 $0xFFFFE003, lr  }
0x1b: {  	s9 =	sadd.s32 $0xFFFFFEF7, lr;
	s5 =	simm.s32 $0xFFFFFFFF;
	p2 =	slt.u32 s8, $0xFFFFF086  }
0x1c: {  	p1 =	slt.u32 s9, $0xF7A;
	s5 =	simm.s32 @!p2 $0x0  }
0x1d: {  	s5 =	simm.s32 @p1 $0x1;
	p0 =	seq.s32 s7, s2  }
0x1e: {  	s7 =	smul.u32 @!p0 $0xF7A, s2;
	p2 =	seq.s32 @!p0 s5, $0x0  }
0x1f: {  	s9 =	smul.u32 $0xF7A, s1;
	s8 =	simm.s32 @!p0 $0x1BF5;
	p2 =	por !p2, p0  }
0x20: {  	[sflag:s8] =	ssyncset.s32 @!p0 $0xFFFFF086;
	s6 =	sadd.s32 @!p0 s3, s7;
	s7 =	simm.s32 @!p0 $0x108  }
0x21: {  	s3 =	sadd.s32 s3, s9;
	s6 =	sadd.s32 @!p0 $0x88, s6;
	s7 =	simm.s32 @p2 $0x1082  }
0x22: {  	[simem:s7], [sflag:s8] =	dma.local @!p0 [hbm:s6], $0xF7A  }
0x23: {  	s9 =	sor.u32 $0xD0000000, s2;
	s6 =	simm.s32 $0x108;
	_ =	swait.ge @!p0 [sflag:s8], $0x0  }
0x24: {  	s3 =	sadd.s32 $0x88, s3;
	s6 =	simm.s32 @!p1 $0x1082;
	[sflag:s4] =	ssyncset.s32 $0xFFFFF086  }
0x25: {  	[simem:s6], [sflag:s4] =	dma.local [hbm:s3], $0xF7A  }
0x26: {  	[smem:$0x3F94] =	sst s1;
	(tag) =	ssettag s2;
	_ =	strace s9  }
0x27: {  	s1 =	sld [smem:$0x3FA4]  }
0x28: {  	s2 =	sld [smem:$0x3FA5]  }
0x29: {  	s4 =	sld [smem:$0x3FA7]  }
0x2a: {  	p0 =	seq.s32 s5, $0x0;
	s5 =	sld [smem:$0x3FA8]  }
0x2b: {  	s6 =	sld [smem:$0x3FA9]  }
0x2c: {  	s7 =	sld [smem:$0x3FAA]  }
0x2d: {  	s3 =	simm.s32 $0x108;
	s8 =	sld [smem:$0x3FAB]  }
0x2e: {  	s3 =	simm.s32 @!p0 $0x1082;
	s9 =	sld [smem:$0x3FAC]  }
0x2f: {  	lr =	sadd.s32 s0, s3;
	s0 =	sld [smem:$0x3FA3]  }
0x30: {  	s3 =	sld [smem:$0x3FA6]  }
0x31: {  	[smem:$0x3FAF] =	sst s10  }
0x32: {  	s10 =	sld [smem:$0x3FAD];
	_ =	sdelay $0x3  }
0x33: {  	p0 =	seq.s32 s10, $0x1;
	s10 =	sld [smem:$0x3FAF];
	_ =	sdelay $0x3  }
0x34: {  	[smem:$0x3FAF] =	sst s10  }
0x35: {  	s10 =	sld [smem:$0x3FAE];
	_ =	sdelay $0x3  }
0x36: {  	p1 =	seq.s32 s10, $0x1;
	s10 =	sld [smem:$0x3FAF];
	_ =	sdelay $0x3  }
0x37: {  	[smem:$0x3FAF] =	sst s10  }
0x38: {  	s10 =	sld [smem:$0x3FB0]  }
0x39: {  	_ = 	snop;
	(pc) =	sbr.ind lr, $3  }
0x3a: {  	_ = 	snop  }
0x3b: {  	_ = 	snop  }
0x3c: {  	p2 =	seq.s32 s10, $0x1;
	s10 =	sld [smem:$0x3FAF]  }
0x3d: {  	_ =	shalt  }
0x3e: {  	_ =	shalt  }
0x3f: {  	_ =	shalt  }
0x40: {  	_ =	shalt  }
0x41: {  	_ =	shalt  }
0x42: {  	_ =	shalt  }
0x43: {  	_ =	shalt  }
0x44: {  	_ =	shalt  }
0x45: {  	_ =	shalt  }
0x46: {  	_ =	shalt  }
0x47: {  	_ =	shalt  }
0x48: {  	_ =	shalt  }
0x49: {  	_ =	shalt  }
0x4a: {  	_ =	shalt  }
0x4b: {  	_ =	shalt  }
0x4c: {  	_ =	shalt  }
0x4d: {  	_ =	shalt  }
0x4e: {  	_ =	shalt  }
0x4f: {  	_ =	shalt  }
0x50: {  	_ =	shalt  }
0x51: {  	_ =	shalt  }
0x52: {  	_ =	shalt  }
0x53: {  	_ =	shalt  }
0x54: {  	_ =	shalt  }
0x55: {  	_ =	shalt  }
0x56: {  	_ =	shalt  }
0x57: {  	_ =	shalt  }
0x58: {  	_ =	shalt  }
0x59: {  	_ =	shalt  }
0x5a: {  	_ =	shalt  }
0x5b: {  	_ =	shalt  }
0x5c: {  	_ =	shalt  }
0x5d: {  	_ =	shalt  }
0x5e: {  	_ =	shalt  }
0x5f: {  	_ =	shalt  }
0x60: {  	_ =	shalt  }
0x61: {  	_ =	shalt  }
0x62: {  	_ =	shalt  }
0x63: {  	_ =	shalt  }
0x64: {  	_ =	shalt  }
0x65: {  	_ =	shalt  }
0x66: {  	_ =	shalt  }
0x67: {  	_ =	shalt  }
0x68: {  	_ =	shalt  }
0x69: {  	_ =	shalt  }
0x6a: {  	_ =	shalt  }
0x6b: {  	_ =	shalt  }
0x6c: {  	_ =	shalt  }
0x6d: {  	_ =	shalt  }
0x6e: {  	_ =	shalt  }
0x6f: {  	_ =	shalt  }
0x70: {  	_ =	shalt  }
0x71: {  	_ =	shalt  }
0x72: {  	_ =	shalt  }
0x73: {  	_ =	shalt  }
0x74: {  	_ =	shalt  }
0x75: {  	_ =	shalt  }
0x76: {  	_ =	shalt  }
0x77: {  	_ =	shalt  }
0x78: {  	_ =	shalt  }
0x79: {  	_ =	shalt  }
0x7a: {  	_ =	shalt  }
0x7b: {  	_ =	shalt  }
0x7c: {  	_ =	shalt  }
0x7d: {  	_ =	shalt  }
0x7e: {  	_ =	shalt  }
0x7f: {  	_ =	shalt  }
0x80: {  	_ =	shalt  }
0x81: {  	_ =	shalt  }
0x82: {  	_ =	shalt  }
0x83: {  	_ =	shalt  }
0x84: {  	_ =	shalt  }
0x85: {  	_ =	shalt  }
0x86: {  	_ =	shalt  }
0x87: {  	_ =	shalt  }
.Lfunc_end0:
.L_simem_size_0:
called_computation.1_lowered:
.L_overlay_start_0:
0x88: {  	s2 =	sld [smem:$0x3FD9]  }
0x89: {  	s3 =	sld [smem:$0x3FFE];
	_ =	sdelay $0x1  }
0x8a: {  	s1 =	srdreg.scid  }
0x8b: {  	s0 =	sand.u32 $0x1, s1  }
0x8c: {  	s14 =	sshll.u32 s0, $0xA;
	s2 =	sadd.s32 s3, s2  }
0x8d: {  	s2 =	sadd.s32 s2, s14  }
0x8e: {  	[smem:$0x3FBB] =	sst s2  }
0x8f: {  	_ = 	snop  }
0x90: {  	s2 =	sld [smem:$0x3FD0];
	_ =	sdelay $0x2  }
0x91: {  	s15 =	simm.s32 $0xA;
	s4 =	simm.s32 $0x10  }
0x92: {  	[smem:s4], [sflag:s15] =	dma.local [hbm:s2], $0x1  }
0x93: {  	_ =	swait.eq [sflag:s15], $0x1  }
0x94: {  	s16 =	sld [smem:$0x10];
	[sflag:s15] =	ssyncset.done $0x0  }
0x95: {  	s17 =	sld [smem:$0x11];
	[sflag:s15] =	ssyncadd.s32 $0xFFFFFFFF  }
0x96: {  	s18 =	sld [smem:$0x12];
	(tm) =	ssettm $0x1  }
0x97: {  	s5 =	sld [smem:$0x3FFB];
	_ =	sdelay $0x3  }
0x98: {  	_ =	strace s5  }
0x99: {  	s5 =	sld [smem:$0x3FFC];
	_ =	sdelay $0x3  }
0x9a: {  	_ =	strace s5  }
0x9b: {  	s5 =	sld [smem:$0x3FFD];
	_ =	sdelay $0x3  }
0x9c: {  	_ =	strace s5  }
0x9d: {  	_ =	strace $0x8FFFFFFF  }
0x9e: {  	s19 =	sld [smem:$0x3FDB];
	_ =	sdelay $0x1  }
0x9f: {  	s6 =	simm.s32 $_scs_section_size  }
0xa0: {  	s7 =	simm.s32 $_size__tile_overlayer_lowered;
	s8 =	simm.s32 $_tile_overlayer_lowered  }
0xa1: {  	s22 =	simm.s32 $0x1BFF;
	s21 =	sshll.u32 s8, $0x1;
	s5 =	sadd.s32 s6, s19  }
0xa2: {  	s9 =	simm.s32 $0x0;
	s20 =	sshll.u32 s7, $0x1;
	s7 =	sadd.s32 s21, s5  }
0xa3: {  	[timem:s9], [sflag:s22] =	dma.local [hbm:s7], s20  }
0xa4: {  	_ =	swait.ge [sflag:s22], s20  }
0xa5: {  	s6 =	ssub.s32 $0x0, s20;
	[sflag:s22] =	ssyncset.done $0x0  }
0xa6: {  	[sflag:s22] =	ssyncadd.s32 s6;
	_ =	sdelay $0x1  }
0xa7: {  	s23 =	simm.s32 $0x1B8B  }
0xa8: {  	_ =	swait.ge [sflag:s23], $0x1  }
0xa9: {  	[sflag:s23] =	ssyncset.done $0x0  }
0xaa: {  	s25 =	simm.s32 $0x1B8E;
	s24 =	sld [smem:$0x3FFE];
	[sflag:s23] =	ssyncadd.s32 $0xFFFFFFFF  }
0xab: {  	s26 =	simm.s32 $execute0_lowered;
	[smem:$0x3FD2] =	sst s25  }
0xac: {  	s7 =	sshll.u32 s26, $0x1;
	_ =	strace $0x80000049;
	[dreg:$0x1] =	wrdreg $0xFFFFFFFF  }
0xad: {  	s28 =	simm.s32 $_size_execute0_lowered;
	s5 =	sadd.s32 s5, s7;
	[dreg:$0x0] =	wrdreg $0x0  }
0xae: {  	s7 =	sshll.u32 s28, $0x1;
	[dreg:$0x2] =	wrdreg s5  }
0xaf: {  	[dreg:$0x3] =	wrdreg s7  }
0xb0: {  	[dreg:$0x4] =	wrdreg $0xC0  }
0xb1: {  	_ =	task [dreg:s9], $0x5FFFF  }
0xb2: {  	[dreg:$0x1] =	wrdreg $0xFFFFFFFF  }
0xb3: {  	[dreg:$0x0] =	wrdreg $0x60  }
0xb4: {  	[dreg:$0x2] =	wrdreg s24  }
0xb5: {  	[dreg:$0x3] =	wrdreg s18  }
0xb6: {  	[dreg:$0x4] =	wrdreg s16  }
0xb7: {  	[dreg:$0x5] =	wrdreg s17  }
0xb8: {  	[dreg:$0x6] =	wrdreg $0x9  }
0xb9: {  	_ =	task.clear_ibuf [dreg:s9], $0x7FFFF;
	_ =	strace $0x90000049  }
0xba: {  	s29 =	simm.s32 $0x9;
	_ =	strace $0x8000004B  }
0xbb: {  	_ =	swait.ge [sflag:s29], $0x1  }
0xbc: {  	[sflag:s29] =	ssyncadd.s32 $0xFFFFFFFF  }
0xbd: {  	_ =	strace $0x9000004B  }
0xbe: {  	_ =	sfence  }
0xbf: {  	s30 =	sld [smem:$0x0];
	_ =	sdelay $0x2  }
0xc0: {  	s31 =	sshll.u32 s1, $0xD;
	s1 =	sshrl.u32 s1, $0x2  }
0xc1: {  	s3 =	sand.u32 $0x4000, s31;
	s1 =	sadd.s32 s1, s30  }
0xc2: {  	s0 =	sor.u32 s3, s0;
	s1 =	sshll.u32 s1, $0x11  }
0xc3: {  	s0 =	sor.u32 s1, s0  }
0xc4: {  	s0 =	sadd.s32 $0x8F2B, s0  }
0xc5: {  	[sflag:s0] =	ssyncadd.remote.s32 $0x1  }
0xc6: {  	_ =	sfence.sel $0xFFFF  }
0xc7: {  	[dreg:$0x0] =	wrdreg $0xFFFFFFFF;
	(pc) =	sbr.abs _section_cstart, $3  }
0xc8: {  	[dreg:$0x1] =	wrdreg $0xFFFFFFFF  }
0xc9: {  	_ =	task.clear_ibuf [dreg:s9], $0x2FFFF;
	_ =	strace $0x9FFFFFFF  }
0xca: {  	(tm) =	ssettm $0x7FFFFFFF  }
0xcb: {  	_ =	shalt  }
tec
execute0_lowered:
.L_overlay_start_1:
0x0: {  	(tag) =	ssettag $0x1  }
0x1: {  	s9 =	rddreg [dreg:$0x0]  }
0x2: {  	s1 =	rddreg [dreg:$0x1]  }
0x3: {  	s3 =	rddreg [dreg:$0x2]  }
0x4: {  	s0 =	srdreg.scid;
	s11 =	rddreg [dreg:$0x3];
	s4 =	simm.s32 $0x0  }
0x5: {  	s18 =	simm.s32 $0x4000;
	s19 =	simm.s32 $0x4620;
	s20 =	simm.s32 $0x1  }
0x6: {  	s21 =	simm.s32 $0x4C40;
	s22 =	simm.s32 $0x5260;
	s23 =	simm.s32 $0x58A0  }
0x7: {  	s24 =	simm.s32 $0x0;
	s10 =	sand.u32 $0x1, s0;
	s0 =	stileid.u32  }
0x8: {  	[smem:$0x7FF] =	sst s4;
	s6 =	sadd.s32 $0x67800, s9;
	s7 =	sadd.s32 $0x18EC00, s9  }
0x9: {  	s8 =	sadd.s32 $0x18E800, s9;
	s2 =	sshll.u32 s10, $0x4;
	s16 =	smul.u32 $0x6200, s10  }
0xa: {  	s15 =	ssub.s32 $0x2, s10;
	s17 =	smul.u32 $0x620, s0;
	s12 =	sor.u32 s0, s2  }
0xb: {  	s2 =	rddreg [dreg:$0x4];
	s5 =	smul.u32 $0x620, s12;
	s12 =	sshll.u32 s12, $0x1  }
0xc: {  	_ =	strace $0x8000004A;
	s31 =	sshrl.u32 s15, $0x1;
	s12 =	sadd.s32 s12, s9  }
0xd: {  	s15 =	ssub.s32 s15, s31;
	s13 =	sshrl.u32 s5, $0x3;
	s12 =	sadd.s32 $0x62800, s12  }
0xe: {  	s14 =	sadd.s32 s13, s9;
	s9 =	sadd.s32 s6, s13;
	s11 =	sadd.s32 s11, s13  }
0xf: {  	s13 =	smax.u32 s15, $0x1;
	s15 =	simm.s32 $0x2000;
	s10 =	sadd.s32 $0x18CE00, s14  }
0x10: {  	v0 =	vimm.f32 $1.000000000e+00;
	s14 =	sadd.s32 s17, s16;
	s16 =	simm.s32 $0x5880;
	s17 =	simm.s32 $0x5890  }
.LBB2_1:
0x11: {  	[tilespmem:s4], [sflag:$0x1] =	stream.linear.gather [hbm4b:s7+s4], $0x2000, $0x38;
	[tilespmem:$0x58B0] =	vst v63  }
0x12: {  	_ =	swait.ge [sflag:s20], $0x2000  }
0x13: {  	[sflag:s20] =	ssyncset.done $0x0  }
0x14: {  	[sflag:s20] =	ssyncadd.s32 $0xFFFFE000  }
0x15: {  	[tilespmem:s15], [sflag:$0x1] =	stream.linear.gather [hbm4b:s8+s4], $0x2000, $0x38;
	[tilespmem:$0x58B0] =	vst v63  }
0x16: {  	_ =	swait.ge [sflag:s20], $0x2000  }
0x17: {  	[sflag:s20] =	ssyncset.done $0x0  }
0x18: {  	[sflag:s20] =	ssyncadd.s32 $0xFFFFE000  }
0x19: {  	[tilespmem:s16], [sflag:$0x1] =	stream.linear.gather [hbm4b:s1+s4], $0x10, $0x38;
	[tilespmem:$0x58B0] =	vst v63  }
0x1a: {  	_ =	swait.ge [sflag:s20], $0x10  }
0x1b: {  	[sflag:s20] =	ssyncset.done $0x0  }
0x1c: {  	[sflag:s20] =	ssyncadd.s32 $0xFFFFFFF0  }
0x1d: {  	[tilespmem:s17], [sflag:$0x1] =	stream.linear.gather [hbm4b:s3+s4], $0x10, $0x38;
	[tilespmem:$0x58B0] =	vst v63  }
0x1e: {  	_ =	swait.ge [sflag:s20], $0x10  }
0x1f: {  	[sflag:s20] =	ssyncset.done $0x0  }
0x20: {  	[sflag:s20] =	ssyncadd.s32 $0xFFFFFFF0  }
0x21: {  	[tilespmem:s18], [sflag:$0x1] =	stream.linear.gather [hbm4b:s9+s4], $0x620, $0x38;
	[tilespmem:$0x58B0] =	vst v63  }
0x22: {  	_ =	swait.ge [sflag:s20], $0x620  }
0x23: {  	[sflag:s20] =	ssyncset.done $0x0  }
0x24: {  	s25 =	simm.s32 $0x1;
	[sflag:s20] =	ssyncadd.s32 $0xFFFFF9E0  }
.LBB2_2:
0x25: {  	s26 =	smul.u32 $0xC400, s25;
	_ =	sdelay $0x1  }
0x26: {  	s26 =	sadd.s32 s5, s26  }
0x27: {  	s26 =	sshrl.u32 s26, $0x3  }
0x28: {  	s28 =	simm.s32 $0x0;
	s26 =	sadd.s32 s6, s26  }
0x29: {  	[tilespmem:s19], [sflag:$0x1] =	stream.linear.gather [hbm4b:s26+s28], $0x620, $0x38;
	[tilespmem:$0x58B0] =	vst v63  }
0x2a: {  	_ =	swait.ge [sflag:s20], $0x620  }
0x2b: {  	[sflag:s20] =	ssyncset.done $0x0  }
0x2c: {  	s26 =	simm.s32 $0x0;
	[sflag:s20] =	ssyncadd.s32 $0xFFFFF9E0  }
0x2d: {  	s28 =	simm.s32 $0x40;
	v1 =	vld [tilespmem:s26+$0x4620]  }
.LBB2_3:
0x2e: {  	p0 =	sne.s32 s28, $0x1840;
	v2 =	vld [tilespmem:s26+$0x4000];
	_ =	sdelay $0x2  }
.Ltmp0:
0x2f: {  	(pc) =	sbr.rel @p0 .LBB2_3-.Ltmp0, $4  }
0x30: {  	_ = 	snop  }
0x31: {  	v2 =	vadd.f32 v1, v2  }
0x32: {  	s29 =	sshra.s32 s28, $0x2  }
0x33: {  	s28 =	sadd.s32 $0x40, s28;
	v1 =	vld [tilespmem:s29+$0x4620];
	[tilespmem:s26+$0x4000] =	vst v2;
	s26 =	smov.u32 s29  }
0x34: {  	v2 =	vld [tilespmem:s26+$0x4000]  }
0x35: {  	s25 =	sadd.s32 $0x1, s25  }
0x36: {  	p0 =	sne.s32 s25, $0x20  }
.Ltmp1:
0x37: {  	_ = 	snop;
	(pc) =	sbr.rel @p0 .LBB2_2-.Ltmp1, $3  }
0x38: {  	_ = 	snop  }
0x39: {  	v1 =	vadd.f32 v1, v2;
	_ =	sdelay $0x1  }
0x3a: {  	[tilespmem:s26+$0x4000] =	vst v1  }
0x3b: {  	s25 =	simm.s32 $0x0  }
0x3c: {  	[tilespmem:s21], [sflag:$0x1] =	stream.linear.gather [hbm4b:s10+s25], $0x620, $0x38;
	[tilespmem:$0x58B0] =	vst v63  }
0x3d: {  	_ =	swait.ge [sflag:s20], $0x620  }
0x3e: {  	[sflag:s20] =	ssyncset.done $0x0  }
0x3f: {  	s26 =	simm.s32 $0x0;
	[sflag:s20] =	ssyncadd.s32 $0xFFFFF9E0  }
0x40: {  	v1 =	vld [tilespmem:s26+$0x4C40];
	_ =	sdelay $0x7  }
0x41: {  	v2 =	vld.idx.msk [tilespmem:v1+s17+$0x0], $0xffff;
	_ =	sdelay $0x4  }
0x42: {  	v3 =	vld.idx.msk [tilespmem:v1+s16+$0x0], $0xffff;
	(erf) = vrcp.f32 v2  }
0x43: {  	v4 =	vld [tilespmem:s26+$0x4000];
	_ =	sdelay $0x1  }
0x44: {  	v2 =	vmul.f32 $4.094999510e+03, v2;
	_ =	sdelay $0x1  }
0x45: {  	v2 =	vadd.f32 v2, v3  }
0x46: {  	v4 =	vmax.f32 v4, v3  }
0x47: {  	v2 =	vmin.f32 v4, v2  }
0x48: {  	v2 =	vsub.f32 v2, v3  }
0x49: {  	v3 =	vpop (erf)  }
0x4a: {  	v2 =	vmul.f32 v2, v3;
	_ =	sdelay $0x1  }
0x4b: {  	v3 =	vtrunc.f32 v2  }
0x4c: {  	v3 =	vcvt.f32.s32 v3;
	_ =	sdelay $0x1  }
0x4d: {  	v4 =	vadd.s32 $0x1, v3  }
0x4e: {  	v1 =	vshll.u32 v1, $0xC;
	vm0 =	vlt.s32 v4, $0xFFF  }
0x4f: {  	v5 =	vadd.s32 v3, v1;
	v4 =	vnsel vm0, $0xFFF, v4  }
0x50: {  	v1 =	vadd.s32 v1, v4;
	_ =	sdelay $0x3  }
0x51: {  	v4 =	vld.idx.msk [tilespmem:v5+s15+$0x0], $0xffff  }
0x52: {  	v6 =	vld.idx.msk [tilespmem:v1+s15+$0x0], $0xffff;
	_ =	sdelay $0x2  }
0x53: {  	s25 =	simm.s32 $0x10;
	v3 =	vcvt.s32.f32 v3  }
0x54: {  	v7 =	vld [tilespmem:s25+$0x4C40]  }
0x55: {  	v3 =	vsub.f32 v2, v3;
	v2 =	vsub.f32 v6, v4;
	_ =	sdelay $0x1  }
0x56: {  	v2 =	vmul.f32 v3, v2;
	_ =	sdelay $0x1  }
0x57: {  	v2 =	vadd.f32 v2, v4  }
0x58: {  	v1 =	vld.idx.msk [tilespmem:v1+s4+$0x0], $0xffff  }
0x59: {  	v6 =	vld.idx.msk [tilespmem:v5+s4+$0x0], $0xffff;
	[tilespmem:s26+$0x5260] =	vst v2  }
0x5a: {  	v2 =	vld.idx.msk [tilespmem:v7+s17+$0x0], $0xffff;
	_ =	sdelay $0x4  }
0x5b: {  	v4 =	vld.idx.msk [tilespmem:v7+s16+$0x0], $0xffff;
	(erf) = vrcp.f32 v2  }
0x5c: {  	v5 =	vld [tilespmem:s25+$0x4000];
	_ =	sdelay $0x1  }
0x5d: {  	v2 =	vmul.f32 $4.094999510e+03, v2;
	_ =	sdelay $0x1  }
0x5e: {  	v2 =	vadd.f32 v2, v4  }
0x5f: {  	v5 =	vmax.f32 v5, v4  }
0x60: {  	v2 =	vmin.f32 v5, v2  }
0x61: {  	v2 =	vsub.f32 v2, v4  }
0x62: {  	v4 =	vpop (erf)  }
0x63: {  	v2 =	vmul.f32 v2, v4;
	_ =	sdelay $0x1  }
0x64: {  	v4 =	vtrunc.f32 v2  }
0x65: {  	v5 =	vcvt.f32.s32 v4;
	_ =	sdelay $0x1  }
0x66: {  	v1 =	vsub.f32 v1, v6;
	v4 =	vadd.s32 $0x1, v5  }
0x67: {  	v7 =	vshll.u32 v7, $0xC;
	vm15 =	vlt.s32 v4, $0xFFF  }
0x68: {  	v1 =	vmul.f32 v3, v1;
	v3 =	vadd.s32 v5, v7;
	v4 =	vnsel vm15, $0xFFF, v4  }
0x69: {  	v4 =	vadd.s32 v7, v4  }
0x6a: {  	p0 =	slt.u32 s14, $0xC350;
	v1 =	vadd.f32 v1, v6  }
0x6b: {  	v6 =	vpsel !p0, $0x0, v0  }
0x6c: {  	v1 =	vmul.f32 v1, v6  }
0x6d: {  	v7 =	vimm.f32 $0.0e+00;
	v6 =	vld.idx.msk [tilespmem:v3+s15+$0x0], $0xffff  }
0x6e: {  	v1 =	vadd.f32 v1, v7;
	v7 =	vld.idx.msk [tilespmem:v4+s15+$0x0], $0xffff  }
0x6f: {  	s28 =	simm.s32 $0x80;
	s29 =	simm.s32 $0xC0;
	s26 =	smov.u32 s14  }
.LBB2_6:
0x70: {  	p0 =	sne.s32 s29, $0x1840  }
0x71: {  	s30 =	sshra.s32 s28, $0x2;
	v5 =	vcvt.s32.f32 v5;
	s28 =	smov.u32 s29  }
0x72: {  	v8 =	vld [tilespmem:s30+$0x4C40]  }
0x73: {  	v2 =	vsub.f32 v2, v5;
	v5 =	vsub.f32 v7, v6;
	_ =	sdelay $0x1  }
0x74: {  	v5 =	vmul.f32 v2, v5;
	_ =	sdelay $0x1  }
0x75: {  	v5 =	vadd.f32 v5, v6  }
0x76: {  	v3 =	vld.idx.msk [tilespmem:v3+s4+$0x0], $0xffff  }
0x77: {  	v4 =	vld.idx.msk [tilespmem:v4+s4+$0x0], $0xffff;
	[tilespmem:s25+$0x5260] =	vst v5;
	s25 =	smov.u32 s30  }
0x78: {  	v5 =	vld.idx.msk [tilespmem:v8+s17+$0x0], $0xffff;
	_ =	sdelay $0x4  }
0x79: {  	v4 =	vsub.f32 v4, v3;
	v6 =	vld.idx.msk [tilespmem:v8+s16+$0x0], $0xffff  }
0x7a: {  	(erf) = vrcp.f32 v5  }
0x7b: {  	v2 =	vmul.f32 v2, v4;
	v7 =	vld [tilespmem:s25+$0x4000]  }
0x7c: {  	s26 =	sadd.s32 $0x10, s26  }
0x7d: {  	p1 =	slt.u32 s26, $0xC350;
	v4 =	vmul.f32 $4.094999510e+03, v5;
	v2 =	vadd.f32 v2, v3  }
0x7e: {  	v3 =	vpsel !p1, $0x0, v0  }
0x7f: {  	v4 =	vadd.f32 v4, v6;
	v2 =	vmul.f32 v2, v3  }
0x80: {  	v3 =	vmax.f32 v7, v6  }
0x81: {  	v1 =	vadd.f32 v2, v1;
	v4 =	vmin.f32 v3, v4  }
0x82: {  	v2 =	vsub.f32 v4, v6  }
0x83: {  	v3 =	vpop (erf)  }
0x84: {  	v2 =	vmul.f32 v2, v3;
	_ =	sdelay $0x1  }
0x85: {  	v3 =	vtrunc.f32 v2  }
0x86: {  	v5 =	vcvt.f32.s32 v3;
	_ =	sdelay $0x1  }
0x87: {  	v3 =	vadd.s32 $0x1, v5  }
0x88: {  	v4 =	vshll.u32 v8, $0xC;
	vm0 =	vlt.s32 v3, $0xFFF  }
0x89: {  	v6 =	vnsel vm0, $0xFFF, v3;
	v3 =	vadd.s32 v5, v4  }
0x8a: {  	v4 =	vadd.s32 v4, v6;
	_ =	sdelay $0x2  }
.Ltmp2:
0x8b: {  	(pc) =	sbr.rel @p0 .LBB2_6-.Ltmp2, $3  }
0x8c: {  	v6 =	vld.idx.msk [tilespmem:v3+s15+$0x0], $0xffff  }
0x8d: {  	v7 =	vld.idx.msk [tilespmem:v4+s15+$0x0], $0xffff;
	_ =	sdelay $0x1  }
0x8e: {  	s29 =	sadd.s32 $0x40, s29  }
0x8f: {  	s28 =	sshra.s32 s28, $0x2;
	v5 =	vcvt.s32.f32 v5  }
0x90: {  	v8 =	vld [tilespmem:s28+$0x4C40]  }
0x91: {  	v2 =	vsub.f32 v2, v5;
	v53 =	vsub.f32 v7, v6;
	_ =	sdelay $0x1  }
0x92: {  	v5 =	vmul.f32 v2, v53;
	_ =	sdelay $0x1  }
0x93: {  	v5 =	vadd.f32 v5, v6  }
0x94: {  	v3 =	vld.idx.msk [tilespmem:v3+s4+$0x0], $0xffff  }
0x95: {  	v4 =	vld.idx.msk [tilespmem:v4+s4+$0x0], $0xffff;
	[tilespmem:s25+$0x5260] =	vst v5  }
0x96: {  	v5 =	vld.idx.msk [tilespmem:v8+s17+$0x0], $0xffff;
	_ =	sdelay $0x4  }
0x97: {  	v54 =	vld.idx.msk [tilespmem:v8+s16+$0x0], $0xffff;
	(erf) = vrcp.f32 v5  }
0x98: {  	v55 =	vld [tilespmem:s28+$0x4000];
	_ =	sdelay $0x1  }
0x99: {  	v5 =	vmul.f32 $4.094999510e+03, v5;
	_ =	sdelay $0x1  }
0x9a: {  	v5 =	vadd.f32 v5, v54  }
0x9b: {  	v7 =	vmax.f32 v55, v54  }
0x9c: {  	v5 =	vmin.f32 v7, v5  }
0x9d: {  	v5 =	vsub.f32 v5, v54  }
0x9e: {  	v56 =	vpop (erf)  }
0x9f: {  	v5 =	vmul.f32 v5, v56;
	_ =	sdelay $0x1  }
0xa0: {  	v6 =	vtrunc.f32 v5  }
0xa1: {  	v6 =	vcvt.f32.s32 v6;
	_ =	sdelay $0x1  }
0xa2: {  	v8 =	vshll.u32 v8, $0xC;
	v57 =	vadd.s32 $0x1, v6  }
0xa3: {  	v9 =	vadd.s32 v6, v8;
	vm0 =	vlt.s32 v57, $0xFFF  }
0xa4: {  	v7 =	vnsel vm0, $0xFFF, v57  }
0xa5: {  	v7 =	vadd.s32 v8, v7;
	_ =	sdelay $0x2  }
0xa6: {  	v58 =	vld.idx.msk [tilespmem:v9+s15+$0x0], $0xffff  }
0xa7: {  	v9 =	vld.idx.msk [tilespmem:v9+s4+$0x0], $0xffff  }
0xa8: {  	v10 =	vld.idx.msk [tilespmem:v7+s15+$0x0], $0xffff  }
0xa9: {  	v7 =	vld.idx.msk [tilespmem:v7+s4+$0x0], $0xffff;
	_ =	sdelay $0x1  }
0xaa: {  	v6 =	vcvt.s32.f32 v6  }
0xab: {  	v4 =	vsub.f32 v4, v3  }
0xac: {  	v5 =	vsub.f32 v5, v6;
	v59 =	vsub.f32 v10, v58  }
0xad: {  	v2 =	vmul.f32 v2, v4;
	v60 =	vsub.f32 v7, v9  }
0xae: {  	s31 =	sadd.s32 $0x10, s26;
	v6 =	vmul.f32 v5, v59  }
0xaf: {  	p0 =	slt.u32 s31, $0xC350;
	v2 =	vadd.f32 v2, v3;
	v3 =	vmul.f32 v5, v60  }
0xb0: {  	v61 =	vpsel !p0, $0x0, v0;
	s25 =	sadd.s32 $0x10, s31;
	v62 =	vadd.f32 v6, v58  }
0xb1: {  	p6 =	slt.u32 s25, $0xC350;
	v2 =	vmul.f32 v2, v61;
	v3 =	vadd.f32 v3, v9  }
0xb2: {  	v63 =	vpsel !p6, $0x0, v0;
	[tilespmem:s28+$0x5260] =	vst v62  }
0xb3: {  	v1 =	vadd.f32 v2, v1;
	v2 =	vmul.f32 v3, v63;
	[hbm4b:s11+s4] =	stream.linear.scatter [tilespmem:s22], [sflag:$0x1], $0x620, $0x38;
	[tilespmem:$0x58B0] =	vst v63  }
0xb4: {  	_ =	swait.ge [sflag:s20], $0x620  }
0xb5: {  	s24 =	sadd.s32 $0x1, s24;
	v1 =	vadd.f32 v2, v1;
	[sflag:s20] =	ssyncset.done $0x0  }
0xb6: {  	p0 =	sne.s32 s24, s13;
	[sflag:s20] =	ssyncadd.s32 $0xFFFFF9E0  }
.Ltmp3:
0xb7: {  	[tilespmem:$0x58A0] =	vst v1;
	(pc) =	sbr.rel @p0 .LBB2_1-.Ltmp3, $4  }
0xb8: {  	[hbm4b:s12+s4] =	stream.linear.scatter [tilespmem:s23], [sflag:$0x1], $0x10, $0x38;
	[tilespmem:$0x58B0] =	vst v63  }
0xb9: {  	_ =	swait.ge [sflag:s20], $0x10  }
0xba: {  	[sflag:s20] =	ssyncset.done $0x0  }
0xbb: {  	[sflag:s20] =	ssyncadd.s32 $0xFFFFFFF0  }
0xbc: {  	_ =	sfence.sel $0x180000  }
0xbd: {  	[bflag:$0x0] =	sbarrier.arrive $0xFFFF  }
0xbe: {  	p0 =	sne.s32 s0, $0x0;
	_ =	strace $0x9000004A  }
0xbf: {  	s0 =	sadd.s32 @!p0 $0x100000, s2;
	[bflag:$0x2] =	sbarrier.arrive $0xFFFF  }
0xc0: {  	[sflag:s0] =	ssyncadd.tile.s32 @!p0 $0x1;
	_ =	shalt  }
.Lfunc_end2:
_tile_overlayer_lowered:
.L_overlay_start_2:
0xc1: {  	(tag) =	ssettag $0x2  }
0xc2: {  	s0 =	rddreg [dreg:$0x0];
	s2 =	stileid.u32  }
0xc3: {  	s1 =	rddreg [dreg:$0x1];
	p0 =	sne.s32 s2, $0x0  }
0xc4: {  	s3 =	rddreg [dreg:$0x2];
	[bflag:$0x3] =	sbarrier.arrive $0xFFFF;
	s2 =	simm.s32 @!p0 $0x1C01  }
0xc5: {  	[timem:s3], [sflag:s2] =	dma.local @!p0 [hbm:s0], s1  }
0xc6: {  	s0 =	simm.s32 @!p0 $0x1  }
0xc7: {  	_ =	swait.ge @!p0 [sflag:s0], s1  }
0xc8: {  	s1 =	ssub.s32 @!p0 $0x0, s1;
	[sflag:s0] =	ssyncset.done @!p0 $0x0  }
0xc9: {  	[sflag:s0] =	ssyncadd.s32 @!p0 s1  }
0xca: {  	[bflag:$0x3] =	sbarrier.arrive $0xFFFF  }
0xcb: {  	_ =	shalt  }

</sc_bundles>
